<compile_context>
chip_gen: v7x
topology: tpu7x:2x2x1
jax: 0.10.2.dev20260603
libtpu: 0.0.44.dev20260713+nightly
codegen_flags: <defaults>
</compile_context>

<pallas_src>
import dataclasses
import functools

import jax
import jax.numpy as jnp
from jax import lax
from jax.experimental import pallas as pl
from jax.experimental.pallas import tpu as pltpu
from jax.experimental.pallas import tpu_sc as plsc

_NC = 2
_NS = 16
_NW = _NC * _NS
_G = 128
_LANES = 16
_NBUF = 4
_QS = 129


def _compiler_params():
    cp = pltpu.CompilerParams(use_tc_tiling_on_sc=False)
    if "needs_layout_passes" in pltpu.CompilerParams.__dataclass_fields__:
        cp = dataclasses.replace(cp, needs_layout_passes=False)
    return cp


@functools.partial(jax.jit, static_argnames=("seq", "batch", "emb"))
def _sc_embed(table, idx2, off2, pe2, *, seq, batch, emb):
    n_flat = seq * batch
    nchunks = n_flat // _G
    per_w = nchunks // _NW
    cpl = batch // _G
    dt_n = emb // 8
    dc_n = emb // _LANES
    emb_pad = table.shape[1]

    mesh = plsc.VectorSubcoreMesh(core_axis_name="c", subcore_axis_name="s")

    @functools.partial(
        pl.kernel,
        out_type=jax.ShapeDtypeStruct((seq, dt_n, cpl, 8, _G), jnp.float32),
        mesh=mesh,
        scratch_types=[
            pltpu.VMEM((seq, emb), jnp.float32),
            pltpu.VMEM((per_w, _G), jnp.int32),
            pltpu.VMEM((_NBUF, _G), jnp.int32),
            pltpu.VMEM((_NBUF, _G, emb_pad), jnp.float32),
            pltpu.VMEM((2, emb // 8, 8, _QS), jnp.float32),
            pltpu.SemaphoreType.DMA,
            pltpu.SemaphoreType.DMA,
            pltpu.SemaphoreType.DMA,
            pltpu.SemaphoreType.DMA,
            pltpu.SemaphoreType.DMA,
            pltpu.SemaphoreType.DMA,
            pltpu.SemaphoreType.DMA,
            pltpu.SemaphoreType.DMA,
            pltpu.SemaphoreType.DMA,
            pltpu.SemaphoreType.DMA,
        ],
        compiler_params=_compiler_params(),
    )
    def k(table_hbm, idx_hbm, off_hbm, pe_hbm, out_hbm, pe_v, idx_v, off_v,
          rows_v, q_v, sg0, sg1, sg2, sg3, so0, so1, sf0, sf1, sf2, sf3):
        sg = (sg0, sg1, sg2, sg3)
        so = (so0, so1)
        sf = (sf0, sf1, sf2, sf3)
        wid = lax.axis_index("s") * _NC + lax.axis_index("c")
        base = wid * per_w
        pltpu.sync_copy(pe_hbm, pe_v)
        pltpu.sync_copy(idx_hbm.at[pl.ds(base, per_w)], idx_v)

        def gather_copy(g, kb):
            return pltpu.make_async_copy(
                table_hbm.at[idx_v.at[g]], rows_v.at[kb], sg[kb])

        def off_copy(g, kb):
            return pltpu.make_async_copy(
                off_hbm.at[base + g], off_v.at[kb], sf[kb])

        def out_copy(g, ob):
            gi = base + g
            l = gi // cpl
            bt = lax.rem(gi, cpl)
            return pltpu.make_async_copy(
                q_v.at[ob, :, :, pl.ds(0, _G)],
                out_hbm.at[l, :, bt], so[ob])

        iota16 = lax.iota(jnp.int32, 16)
        d_rows = [iota16 + (dc * _LANES) for dc in range(dc_n)]
        d_hi = [r // 8 for r in d_rows]
        d_lo = [lax.rem(r, 8) for r in d_rows]
        zeros16 = jnp.zeros((16,), jnp.int32)

        def compute(g, kb, ob):
            gi = base + g
            kb_splat = zeros16 + kb
            l_splat = zeros16 + gi // cpl
            rows = rows_v.at[kb]
            q = q_v.at[ob]
            pe_regs = [
                plsc.load_gather(pe_v, [l_splat, d_rows[dc]])
                for dc in range(dc_n)
            ]

            @plsc.parallel_loop(0, _G, unroll=8)
            def _(b):
                b_splat = zeros16 + b
                h_splat = plsc.load_gather(off_v, [kb_splat, b_splat])
                for dc in range(dc_n):
                    vals = plsc.load_gather(
                        rows, [b_splat, d_rows[dc] + h_splat])
                    plsc.store_scatter(
                        q, [d_hi[dc], d_lo[dc], b_splat],
                        vals + pe_regs[dc])

        for j in range(_NBUF - 1):
            gather_copy(j, j).start()
            off_copy(j, j).start()

        @pl.loop(0, per_w, step=_NBUF)
        def _(g0):
            for kk in range(_NBUF):
                g = g0 + kk
                gather_copy(g, kk).wait()
                off_copy(g, kk).wait()

                @pl.when(g + (_NBUF - 1) < per_w)
                def _():
                    gather_copy(g + (_NBUF - 1), (kk + (_NBUF - 1)) % _NBUF).start()
                    off_copy(g + (_NBUF - 1), (kk + (_NBUF - 1)) % _NBUF).start()

                @pl.when(g >= 2)
                def _():
                    out_copy(g - 2, kk % 2).wait()

                compute(g, kb=kk, ob=kk % 2)
                out_copy(g, kk % 2).start()

        out_copy(per_w - 2, (per_w - 2) % 2).wait()
        out_copy(per_w - 1, (per_w - 1) % 2).wait()

    return k(table, idx2, off2, pe2)


_TBLK = 32768


def _tc_pack_body(t_ref, out_ref):
    xT = t_ref[...].T
    half = xT.shape[0] // 2
    out_ref[:, : xT.shape[1]] = xT[:half]
    out_ref[:, xT.shape[1]:] = xT[half:]


def _tc_pack(tT):
    emb, vocab = tT.shape
    nblk = pl.cdiv(vocab, _TBLK)
    return pl.pallas_call(
        _tc_pack_body,
        grid=(nblk,),
        in_specs=[pl.BlockSpec((emb, _TBLK), lambda i: (0, i))],
        out_specs=pl.BlockSpec((_TBLK // 2, 2 * emb), lambda i: (i, 0)),
        out_shape=jax.ShapeDtypeStruct((nblk * (_TBLK // 2), 2 * emb),
                                       jnp.float32),
    )(tT)


def kernel(input, table, pe):
    batch, seq = input.shape
    emb = table.shape[1]
    idx2 = input.T.reshape(seq * batch // _G, _G)
    pe2 = pe.reshape(pe.shape[0], emb)[:seq]
    half = _TBLK // 2
    j = idx2 % _TBLK
    off2 = (j // half) * emb
    idx2 = (idx2 // _TBLK) * half + (j % half)
    tpack = _tc_pack(table.T)
    q = _sc_embed(tpack, idx2, off2, pe2, seq=seq, batch=batch, emb=emb)
    return q.transpose(0, 2, 4, 1, 3).reshape(seq, batch, emb)

# --- scband reference (transcript-rebuilt; emitter-appended) ---
"""Pipeline reference for scband-positional-embedding-87746181857380 (READ-ONLY COPY).

The authoritative reference and input builder live on the scoring server;
editing this copy changes nothing except your own understanding.
"""

import math
import jax, jax.numpy as jnp
import numpy as np

VOCAB = 1000000
EMB = 64
MAX_LEN = 200
BATCH = 4096
SEQ = 200
PAD_IDX = 0


def get_positional_encoding(length, emb_size):
    pe = np.zeros((length, emb_size), dtype=np.float32)
    position = np.arange(0, length, dtype=np.float32)[:, None]
    div_term = np.exp(np.arange(0, emb_size, 2, dtype=np.float32) * -(math.log(10000.0) / emb_size))
    pe[:, 0::2] = np.sin(position * div_term)
    pe[:, 1::2] = np.cos(position * div_term)
    return jnp.asarray(pe[:, None, :])  # [length, 1, emb]


def setup_inputs(seed: int = 0) -> dict:
    key = jax.random.key(seed)
    k_idx, k_tab = jax.random.split(key)
    indices = jax.random.randint(k_idx, (BATCH, SEQ), 0, VOCAB, dtype=jnp.int32)
    table = jax.random.normal(k_tab, (VOCAB, EMB), dtype=jnp.float32)
    # padding_idx row is zero-initialized in nn.Embedding
    table = table.at[PAD_IDX].set(0.0)
    pe = get_positional_encoding(MAX_LEN, EMB)
    return {"input": indices, "table": table, "pe": pe}


def reference(input, table, pe):
    # input: [B, L] int. Transpose to [L, B], then embed -> [L, B, D]
    idx_t = input.T  # [L, B]
    emb = jnp.take(table, idx_t, axis=0)  # [L, B, D]
    length = emb.shape[0]
    out = emb + pe[:length]  # broadcast over batch dim
    # dropout p=0.0 -> identity
    return out

if __name__ == "__main__":
    import jax
    _d = setup_inputs()
    print(jax.jit(kernel)(*tuple(_d.values())))

</pallas_src>

<mosaic_0001>
#map = affine_map<(d0, d1) -> (0, 0)>
#map1 = affine_map<(d0, d1) -> (0, 0, 0, 0, 0)>
module attributes {stable_mosaic.version = 14 : i64} {
  func.func @k(%arg0: i32, %arg1: i32, %arg2: memref<507904x128xf32, #tpu.memory_space<hbm>>, %arg3: memref<6400x128xi32, #tpu.memory_space<hbm>>, %arg4: memref<6400x128xi32, #tpu.memory_space<hbm>>, %arg5: memref<200x64xf32, #tpu.memory_space<hbm>>, %arg6: memref<200x8x32x8x128xf32, #tpu.memory_space<hbm>>, %arg7: memref<200x64xf32, #tpu.memory_space<vmem>>, %arg8: memref<200x128xi32, #tpu.memory_space<vmem>>, %arg9: memref<4x128xi32, #tpu.memory_space<vmem>>, %arg10: memref<4x128x128xf32, #tpu.memory_space<vmem>>, %arg11: memref<2x8x8x129xf32, #tpu.memory_space<vmem>>, %arg12: memref<!tpu.dma_semaphore, #tpu.memory_space<semaphore_mem>>, %arg13: memref<!tpu.dma_semaphore, #tpu.memory_space<semaphore_mem>>, %arg14: memref<!tpu.dma_semaphore, #tpu.memory_space<semaphore_mem>>, %arg15: memref<!tpu.dma_semaphore, #tpu.memory_space<semaphore_mem>>, %arg16: memref<!tpu.dma_semaphore, #tpu.memory_space<semaphore_mem>>, %arg17: memref<!tpu.dma_semaphore, #tpu.memory_space<semaphore_mem>>, %arg18: memref<!tpu.dma_semaphore, #tpu.memory_space<semaphore_mem>>, %arg19: memref<!tpu.dma_semaphore, #tpu.memory_space<semaphore_mem>>, %arg20: memref<!tpu.dma_semaphore, #tpu.memory_space<semaphore_mem>>, %arg21: memref<!tpu.dma_semaphore, #tpu.memory_space<semaphore_mem>>) attributes {dimension_semantics = [#tpu.dimension_semantics<core_parallel>, #tpu.dimension_semantics<subcore_parallel>], iteration_bounds = array<i64: 2, 16>, scalar_prefetch = 0 : i64, scratch_operands = 15 : i64, tpu.core_type = #tpu.core_type<sc_vector_subcore>, window_params = [{transform_indices = #map}, {transform_indices = #map}, {transform_indices = #map}, {transform_indices = #map}, {transform_indices = #map1}]} {
    %mul3A = arith.constant 2 : i32
    %mul3A_0 = arith.muli %arg1, %mul3A : i32
    %add3A = arith.addi %mul3A_0, %arg0 : i32
    %mul3A_1 = arith.constant 200 : i32
    %mul3A_2 = arith.muli %add3A, %mul3A_1 : i32
    "tpu.region"() ({
      %run_scoped3A = tpu.sem_alloc : memref<!tpu.dma_semaphore, #tpu.memory_space<semaphore_mem>>
      tpu.enqueue_dma source(%arg5 : memref<200x64xf32, #tpu.memory_space<hbm>>) target(%arg7 : memref<200x64xf32, #tpu.memory_space<vmem>>) target_semaphore(%run_scoped3A : memref<!tpu.dma_semaphore, #tpu.memory_space<semaphore_mem>>)
      tpu.wait_dma2 semaphore(%run_scoped3A : memref<!tpu.dma_semaphore, #tpu.memory_space<semaphore_mem>>) src(%arg5 : memref<200x64xf32, #tpu.memory_space<hbm>>) dst(%arg7 : memref<200x64xf32, #tpu.memory_space<vmem>>)
      tpu.yield
    }) : () -> ()
    "tpu.region"() ({
      %run_scoped3A = tpu.sem_alloc : memref<!tpu.dma_semaphore, #tpu.memory_space<semaphore_mem>>
      %dma_start3A_325 = arith.constant 0 : i32
      %dma_start3A_326 = tpu.memref_slice %arg3[%mul3A_2, %dma_start3A_325] : memref<6400x128xi32, #tpu.memory_space<hbm>> -> memref<200x128xi32, #tpu.memory_space<hbm>>
      %dma_start3A_327 = arith.constant 0 : i32
      %dma_start3A_328 = tpu.memref_slice %arg3[%mul3A_2, %dma_start3A_327] : memref<6400x128xi32, #tpu.memory_space<hbm>> -> memref<200x128xi32, #tpu.memory_space<hbm>>
      tpu.enqueue_dma source(%dma_start3A_328 : memref<200x128xi32, #tpu.memory_space<hbm>>) target(%arg8 : memref<200x128xi32, #tpu.memory_space<vmem>>) target_semaphore(%run_scoped3A : memref<!tpu.dma_semaphore, #tpu.memory_space<semaphore_mem>>)
      %dma_wait3A_329 = arith.constant 0 : i32
      %dma_wait3A_330 = tpu.memref_slice %arg3[%mul3A_2, %dma_wait3A_329] : memref<6400x128xi32, #tpu.memory_space<hbm>> -> memref<200x128xi32, #tpu.memory_space<hbm>>
      %dma_wait3A_331 = arith.constant 0 : i32
      %dma_wait3A_332 = tpu.memref_slice %arg3[%mul3A_2, %dma_wait3A_331] : memref<6400x128xi32, #tpu.memory_space<hbm>> -> memref<200x128xi32, #tpu.memory_space<hbm>>
      tpu.wait_dma2 semaphore(%run_scoped3A : memref<!tpu.dma_semaphore, #tpu.memory_space<semaphore_mem>>) src(%dma_wait3A_332 : memref<200x128xi32, #tpu.memory_space<hbm>>) dst(%arg8 : memref<200x128xi32, #tpu.memory_space<vmem>>)
      tpu.yield
    }) : () -> ()
    %iota3A = tpu.iota {dimensions = array<i32: 0>} : vector<16xi32>
    %add3A_3 = arith.constant 0 : i32
    %add3A_4 = vector.broadcast %add3A_3 : i32 to vector<16xi32>
    %add3A_5 = arith.addi %iota3A, %add3A_4 : vector<16xi32>
    %add3A_6 = arith.constant 16 : i32
    %add3A_7 = vector.broadcast %add3A_6 : i32 to vector<16xi32>
    %add3A_8 = arith.addi %iota3A, %add3A_7 : vector<16xi32>
    %add3A_9 = arith.constant 32 : i32
    %add3A_10 = vector.broadcast %add3A_9 : i32 to vector<16xi32>
    %add3A_11 = arith.addi %iota3A, %add3A_10 : vector<16xi32>
    %add3A_12 = arith.constant 48 : i32
    %add3A_13 = vector.broadcast %add3A_12 : i32 to vector<16xi32>
    %add3A_14 = arith.addi %iota3A, %add3A_13 : vector<16xi32>
    %jit3A = arith.constant 8 : i32
    %div3A = vector.broadcast %jit3A : i32 to vector<16xi32>
    %div3A_15 = arith.divsi %add3A_5, %div3A : vector<16xi32>
    %sign3A = arith.constant 0 : i32
    %sign3A_16 = vector.broadcast %sign3A : i32 to vector<16xi32>
    %sign3A_17 = arith.cmpi sgt, %add3A_5, %sign3A_16 : vector<16xi32>
    %sign3A_18 = arith.extui %sign3A_17 : vector<16xi1> to vector<16xi32>
    %sign3A_19 = arith.constant 0 : i32
    %sign3A_20 = vector.broadcast %sign3A_19 : i32 to vector<16xi32>
    %sign3A_21 = arith.cmpi slt, %add3A_5, %sign3A_20 : vector<16xi32>
    %sign3A_22 = arith.extui %sign3A_21 : vector<16xi1> to vector<16xi32>
    %sign3A_23 = arith.subi %sign3A_18, %sign3A_22 : vector<16xi32>
    %sign3A_24 = arith.constant 0 : i32
    %sign3A_25 = arith.cmpi sgt, %jit3A, %sign3A_24 : i32
    %sign3A_26 = arith.extui %sign3A_25 : i1 to i32
    %sign3A_27 = arith.constant 0 : i32
    %sign3A_28 = arith.cmpi slt, %jit3A, %sign3A_27 : i32
    %sign3A_29 = arith.extui %sign3A_28 : i1 to i32
    %sign3A_30 = arith.subi %sign3A_26, %sign3A_29 : i32
    %ne3A = vector.broadcast %sign3A_30 : i32 to vector<16xi32>
    %ne3A_31 = arith.cmpi ne, %sign3A_23, %ne3A : vector<16xi32>
    %rem3A = vector.broadcast %jit3A : i32 to vector<16xi32>
    %rem3A_32 = arith.remsi %add3A_5, %rem3A : vector<16xi32>
    %ne3A_33 = arith.constant 0 : i32
    %ne3A_34 = vector.broadcast %ne3A_33 : i32 to vector<16xi32>
    %ne3A_35 = arith.cmpi ne, %rem3A_32, %ne3A_34 : vector<16xi32>
    %and3A = arith.andi %ne3A_31, %ne3A_35 : vector<16xi1>
    %sub3A = arith.constant 1 : i32
    %sub3A_36 = vector.broadcast %sub3A : i32 to vector<16xi32>
    %sub3A_37 = arith.subi %div3A_15, %sub3A_36 : vector<16xi32>
    %select_n3A = arith.select %and3A, %sub3A_37, %div3A_15 : vector<16xi1>, vector<16xi32>
    %jit3A_38 = arith.constant 8 : i32
    %div3A_39 = vector.broadcast %jit3A_38 : i32 to vector<16xi32>
    %div3A_40 = arith.divsi %add3A_8, %div3A_39 : vector<16xi32>
    %sign3A_41 = arith.constant 0 : i32
    %sign3A_42 = vector.broadcast %sign3A_41 : i32 to vector<16xi32>
    %sign3A_43 = arith.cmpi sgt, %add3A_8, %sign3A_42 : vector<16xi32>
    %sign3A_44 = arith.extui %sign3A_43 : vector<16xi1> to vector<16xi32>
    %sign3A_45 = arith.constant 0 : i32
    %sign3A_46 = vector.broadcast %sign3A_45 : i32 to vector<16xi32>
    %sign3A_47 = arith.cmpi slt, %add3A_8, %sign3A_46 : vector<16xi32>
    %sign3A_48 = arith.extui %sign3A_47 : vector<16xi1> to vector<16xi32>
    %sign3A_49 = arith.subi %sign3A_44, %sign3A_48 : vector<16xi32>
    %sign3A_50 = arith.constant 0 : i32
    %sign3A_51 = arith.cmpi sgt, %jit3A_38, %sign3A_50 : i32
    %sign3A_52 = arith.extui %sign3A_51 : i1 to i32
    %sign3A_53 = arith.constant 0 : i32
    %sign3A_54 = arith.cmpi slt, %jit3A_38, %sign3A_53 : i32
    %sign3A_55 = arith.extui %sign3A_54 : i1 to i32
    %sign3A_56 = arith.subi %sign3A_52, %sign3A_55 : i32
    %ne3A_57 = vector.broadcast %sign3A_56 : i32 to vector<16xi32>
    %ne3A_58 = arith.cmpi ne, %sign3A_49, %ne3A_57 : vector<16xi32>
    %rem3A_59 = vector.broadcast %jit3A_38 : i32 to vector<16xi32>
    %rem3A_60 = arith.remsi %add3A_8, %rem3A_59 : vector<16xi32>
    %ne3A_61 = arith.constant 0 : i32
    %ne3A_62 = vector.broadcast %ne3A_61 : i32 to vector<16xi32>
    %ne3A_63 = arith.cmpi ne, %rem3A_60, %ne3A_62 : vector<16xi32>
    %and3A_64 = arith.andi %ne3A_58, %ne3A_63 : vector<16xi1>
    %sub3A_65 = arith.constant 1 : i32
    %sub3A_66 = vector.broadcast %sub3A_65 : i32 to vector<16xi32>
    %sub3A_67 = arith.subi %div3A_40, %sub3A_66 : vector<16xi32>
    %select_n3A_68 = arith.select %and3A_64, %sub3A_67, %div3A_40 : vector<16xi1>, vector<16xi32>
    %jit3A_69 = arith.constant 8 : i32
    %div3A_70 = vector.broadcast %jit3A_69 : i32 to vector<16xi32>
    %div3A_71 = arith.divsi %add3A_11, %div3A_70 : vector<16xi32>
    %sign3A_72 = arith.constant 0 : i32
    %sign3A_73 = vector.broadcast %sign3A_72 : i32 to vector<16xi32>
    %sign3A_74 = arith.cmpi sgt, %add3A_11, %sign3A_73 : vector<16xi32>
    %sign3A_75 = arith.extui %sign3A_74 : vector<16xi1> to vector<16xi32>
    %sign3A_76 = arith.constant 0 : i32
    %sign3A_77 = vector.broadcast %sign3A_76 : i32 to vector<16xi32>
    %sign3A_78 = arith.cmpi slt, %add3A_11, %sign3A_77 : vector<16xi32>
    %sign3A_79 = arith.extui %sign3A_78 : vector<16xi1> to vector<16xi32>
    %sign3A_80 = arith.subi %sign3A_75, %sign3A_79 : vector<16xi32>
    %sign3A_81 = arith.constant 0 : i32
    %sign3A_82 = arith.cmpi sgt, %jit3A_69, %sign3A_81 : i32
    %sign3A_83 = arith.extui %sign3A_82 : i1 to i32
    %sign3A_84 = arith.constant 0 : i32
    %sign3A_85 = arith.cmpi slt, %jit3A_69, %sign3A_84 : i32
    %sign3A_86 = arith.extui %sign3A_85 : i1 to i32
    %sign3A_87 = arith.subi %sign3A_83, %sign3A_86 : i32
    %ne3A_88 = vector.broadcast %sign3A_87 : i32 to vector<16xi32>
    %ne3A_89 = arith.cmpi ne, %sign3A_80, %ne3A_88 : vector<16xi32>
    %rem3A_90 = vector.broadcast %jit3A_69 : i32 to vector<16xi32>
    %rem3A_91 = arith.remsi %add3A_11, %rem3A_90 : vector<16xi32>
    %ne3A_92 = arith.constant 0 : i32
    %ne3A_93 = vector.broadcast %ne3A_92 : i32 to vector<16xi32>
    %ne3A_94 = arith.cmpi ne, %rem3A_91, %ne3A_93 : vector<16xi32>
    %and3A_95 = arith.andi %ne3A_89, %ne3A_94 : vector<16xi1>
    %sub3A_96 = arith.constant 1 : i32
    %sub3A_97 = vector.broadcast %sub3A_96 : i32 to vector<16xi32>
    %sub3A_98 = arith.subi %div3A_71, %sub3A_97 : vector<16xi32>
    %select_n3A_99 = arith.select %and3A_95, %sub3A_98, %div3A_71 : vector<16xi1>, vector<16xi32>
    %jit3A_100 = arith.constant 8 : i32
    %div3A_101 = vector.broadcast %jit3A_100 : i32 to vector<16xi32>
    %div3A_102 = arith.divsi %add3A_14, %div3A_101 : vector<16xi32>
    %sign3A_103 = arith.constant 0 : i32
    %sign3A_104 = vector.broadcast %sign3A_103 : i32 to vector<16xi32>
    %sign3A_105 = arith.cmpi sgt, %add3A_14, %sign3A_104 : vector<16xi32>
    %sign3A_106 = arith.extui %sign3A_105 : vector<16xi1> to vector<16xi32>
    %sign3A_107 = arith.constant 0 : i32
    %sign3A_108 = vector.broadcast %sign3A_107 : i32 to vector<16xi32>
    %sign3A_109 = arith.cmpi slt, %add3A_14, %sign3A_108 : vector<16xi32>
    %sign3A_110 = arith.extui %sign3A_109 : vector<16xi1> to vector<16xi32>
    %sign3A_111 = arith.subi %sign3A_106, %sign3A_110 : vector<16xi32>
    %sign3A_112 = arith.constant 0 : i32
    %sign3A_113 = arith.cmpi sgt, %jit3A_100, %sign3A_112 : i32
    %sign3A_114 = arith.extui %sign3A_113 : i1 to i32
    %sign3A_115 = arith.constant 0 : i32
    %sign3A_116 = arith.cmpi slt, %jit3A_100, %sign3A_115 : i32
    %sign3A_117 = arith.extui %sign3A_116 : i1 to i32
    %sign3A_118 = arith.subi %sign3A_114, %sign3A_117 : i32
    %ne3A_119 = vector.broadcast %sign3A_118 : i32 to vector<16xi32>
    %ne3A_120 = arith.cmpi ne, %sign3A_111, %ne3A_119 : vector<16xi32>
    %rem3A_121 = vector.broadcast %jit3A_100 : i32 to vector<16xi32>
    %rem3A_122 = arith.remsi %add3A_14, %rem3A_121 : vector<16xi32>
    %ne3A_123 = arith.constant 0 : i32
    %ne3A_124 = vector.broadcast %ne3A_123 : i32 to vector<16xi32>
    %ne3A_125 = arith.cmpi ne, %rem3A_122, %ne3A_124 : vector<16xi32>
    %and3A_126 = arith.andi %ne3A_120, %ne3A_125 : vector<16xi1>
    %sub3A_127 = arith.constant 1 : i32
    %sub3A_128 = vector.broadcast %sub3A_127 : i32 to vector<16xi32>
    %sub3A_129 = arith.subi %div3A_102, %sub3A_128 : vector<16xi32>
    %select_n3A_130 = arith.select %and3A_126, %sub3A_129, %div3A_102 : vector<16xi1>, vector<16xi32>
    %rem3A_131 = arith.constant 8 : i32
    %rem3A_132 = vector.broadcast %rem3A_131 : i32 to vector<16xi32>
    %rem3A_133 = arith.remsi %add3A_5, %rem3A_132 : vector<16xi32>
    %rem3A_134 = arith.constant 8 : i32
    %rem3A_135 = vector.broadcast %rem3A_134 : i32 to vector<16xi32>
    %rem3A_136 = arith.remsi %add3A_8, %rem3A_135 : vector<16xi32>
    %rem3A_137 = arith.constant 8 : i32
    %rem3A_138 = vector.broadcast %rem3A_137 : i32 to vector<16xi32>
    %rem3A_139 = arith.remsi %add3A_11, %rem3A_138 : vector<16xi32>
    %rem3A_140 = arith.constant 8 : i32
    %rem3A_141 = vector.broadcast %rem3A_140 : i32 to vector<16xi32>
    %rem3A_142 = arith.remsi %add3A_14, %rem3A_141 : vector<16xi32>
    %broadcast_in_dim3A = arith.constant 0 : i32
    %broadcast_in_dim3A_143 = vector.broadcast %broadcast_in_dim3A : i32 to vector<16xi32>
    %dma_start3A = arith.constant 0 : i32
    %dma_start3A_144 = arith.constant 0 : i32
    %dma_start3A_145 = arith.constant 0 : i32
    %dma_start3A_146 = arith.constant 0 : i32
    %dma_start3A_147 = tpu.memref_slice %arg10[%dma_start3A_144, %dma_start3A_145, %dma_start3A_146] : memref<4x128x128xf32, #tpu.memory_space<vmem>> -> memref<1x128x128xf32, #tpu.memory_space<vmem>>
    %dma_start3A_148 = tpu.memref_squeeze %dma_start3A_147 : memref<1x128x128xf32, #tpu.memory_space<vmem>> -> memref<128x128xf32, #tpu.memory_space<vmem>>
    %dma_start3A_149 = arith.constant 0 : i32
    %dma_start3A_150 = tpu.memref_slice %arg8[%dma_start3A, %dma_start3A_149] : memref<200x128xi32, #tpu.memory_space<vmem>> -> memref<1x128xi32, #tpu.memory_space<vmem>>
    %dma_start3A_151 = tpu.memref_squeeze %dma_start3A_150 : memref<1x128xi32, #tpu.memory_space<vmem>> -> memref<128xi32, #tpu.memory_space<vmem>>
    %dma_start3A_152 = arith.constant 0 : i32
    %dma_start3A_153 = arith.constant 0 : i32
    %dma_start3A_154 = tpu.memref_slice %arg2[%dma_start3A_152, %dma_start3A_153] : memref<507904x128xf32, #tpu.memory_space<hbm>> -> memref<507904x128xf32, #tpu.memory_space<hbm>>
    tpu.enqueue_indirect_dma source(%dma_start3A_154 : memref<507904x128xf32, #tpu.memory_space<hbm>>) target(%dma_start3A_148 : memref<128x128xf32, #tpu.memory_space<vmem>>) offsets(%dma_start3A_151 : memref<128xi32, #tpu.memory_space<vmem>>) semaphore(%arg12 : memref<!tpu.dma_semaphore, #tpu.memory_space<semaphore_mem>>)
    %add3A_155 = arith.constant 0 : i32
    %add3A_156 = arith.addi %mul3A_2, %add3A_155 : i32
    %dma_start3A_157 = arith.constant 0 : i32
    %dma_start3A_158 = arith.constant 0 : i32
    %dma_start3A_159 = tpu.memref_slice %arg9[%dma_start3A_157, %dma_start3A_158] : memref<4x128xi32, #tpu.memory_space<vmem>> -> memref<1x128xi32, #tpu.memory_space<vmem>>
    %dma_start3A_160 = tpu.memref_squeeze %dma_start3A_159 : memref<1x128xi32, #tpu.memory_space<vmem>> -> memref<128xi32, #tpu.memory_space<vmem>>
    %dma_start3A_161 = arith.constant 0 : i32
    %dma_start3A_162 = tpu.memref_slice %arg4[%add3A_156, %dma_start3A_161] : memref<6400x128xi32, #tpu.memory_space<hbm>> -> memref<1x128xi32, #tpu.memory_space<hbm>>
    %dma_start3A_163 = tpu.memref_squeeze %dma_start3A_162 : memref<1x128xi32, #tpu.memory_space<hbm>> -> memref<128xi32, #tpu.memory_space<hbm>>
    %dma_start3A_164 = arith.constant 0 : i32
    %dma_start3A_165 = tpu.memref_slice %arg9[%dma_start3A_157, %dma_start3A_164] : memref<4x128xi32, #tpu.memory_space<vmem>> -> memref<1x128xi32, #tpu.memory_space<vmem>>
    %dma_start3A_166 = tpu.memref_squeeze %dma_start3A_165 : memref<1x128xi32, #tpu.memory_space<vmem>> -> memref<128xi32, #tpu.memory_space<vmem>>
    %dma_start3A_167 = arith.constant 0 : i32
    %dma_start3A_168 = tpu.memref_slice %arg4[%add3A_156, %dma_start3A_167] : memref<6400x128xi32, #tpu.memory_space<hbm>> -> memref<1x128xi32, #tpu.memory_space<hbm>>
    %dma_start3A_169 = tpu.memref_squeeze %dma_start3A_168 : memref<1x128xi32, #tpu.memory_space<hbm>> -> memref<128xi32, #tpu.memory_space<hbm>>
    tpu.enqueue_dma source(%dma_start3A_169 : memref<128xi32, #tpu.memory_space<hbm>>) target(%dma_start3A_166 : memref<128xi32, #tpu.memory_space<vmem>>) target_semaphore(%arg18 : memref<!tpu.dma_semaphore, #tpu.memory_space<semaphore_mem>>)
    %dma_start3A_170 = arith.constant 1 : i32
    %dma_start3A_171 = arith.constant 1 : i32
    %dma_start3A_172 = arith.constant 0 : i32
    %dma_start3A_173 = arith.constant 0 : i32
    %dma_start3A_174 = tpu.memref_slice %arg10[%dma_start3A_171, %dma_start3A_172, %dma_start3A_173] : memref<4x128x128xf32, #tpu.memory_space<vmem>> -> memref<1x128x128xf32, #tpu.memory_space<vmem>>
    %dma_start3A_175 = tpu.memref_squeeze %dma_start3A_174 : memref<1x128x128xf32, #tpu.memory_space<vmem>> -> memref<128x128xf32, #tpu.memory_space<vmem>>
    %dma_start3A_176 = arith.constant 0 : i32
    %dma_start3A_177 = tpu.memref_slice %arg8[%dma_start3A_170, %dma_start3A_176] : memref<200x128xi32, #tpu.memory_space<vmem>> -> memref<1x128xi32, #tpu.memory_space<vmem>>
    %dma_start3A_178 = tpu.memref_squeeze %dma_start3A_177 : memref<1x128xi32, #tpu.memory_space<vmem>> -> memref<128xi32, #tpu.memory_space<vmem>>
    %dma_start3A_179 = arith.constant 0 : i32
    %dma_start3A_180 = arith.constant 0 : i32
    %dma_start3A_181 = tpu.memref_slice %arg2[%dma_start3A_179, %dma_start3A_180] : memref<507904x128xf32, #tpu.memory_space<hbm>> -> memref<507904x128xf32, #tpu.memory_space<hbm>>
    tpu.enqueue_indirect_dma source(%dma_start3A_181 : memref<507904x128xf32, #tpu.memory_space<hbm>>) target(%dma_start3A_175 : memref<128x128xf32, #tpu.memory_space<vmem>>) offsets(%dma_start3A_178 : memref<128xi32, #tpu.memory_space<vmem>>) semaphore(%arg13 : memref<!tpu.dma_semaphore, #tpu.memory_space<semaphore_mem>>)
    %add3A_182 = arith.constant 1 : i32
    %add3A_183 = arith.addi %mul3A_2, %add3A_182 : i32
    %dma_start3A_184 = arith.constant 1 : i32
    %dma_start3A_185 = arith.constant 0 : i32
    %dma_start3A_186 = tpu.memref_slice %arg9[%dma_start3A_184, %dma_start3A_185] : memref<4x128xi32, #tpu.memory_space<vmem>> -> memref<1x128xi32, #tpu.memory_space<vmem>>
    %dma_start3A_187 = tpu.memref_squeeze %dma_start3A_186 : memref<1x128xi32, #tpu.memory_space<vmem>> -> memref<128xi32, #tpu.memory_space<vmem>>
    %dma_start3A_188 = arith.constant 0 : i32
    %dma_start3A_189 = tpu.memref_slice %arg4[%add3A_183, %dma_start3A_188] : memref<6400x128xi32, #tpu.memory_space<hbm>> -> memref<1x128xi32, #tpu.memory_space<hbm>>
    %dma_start3A_190 = tpu.memref_squeeze %dma_start3A_189 : memref<1x128xi32, #tpu.memory_space<hbm>> -> memref<128xi32, #tpu.memory_space<hbm>>
    %dma_start3A_191 = arith.constant 0 : i32
    %dma_start3A_192 = tpu.memref_slice %arg9[%dma_start3A_184, %dma_start3A_191] : memref<4x128xi32, #tpu.memory_space<vmem>> -> memref<1x128xi32, #tpu.memory_space<vmem>>
    %dma_start3A_193 = tpu.memref_squeeze %dma_start3A_192 : memref<1x128xi32, #tpu.memory_space<vmem>> -> memref<128xi32, #tpu.memory_space<vmem>>
    %dma_start3A_194 = arith.constant 0 : i32
    %dma_start3A_195 = tpu.memref_slice %arg4[%add3A_183, %dma_start3A_194] : memref<6400x128xi32, #tpu.memory_space<hbm>> -> memref<1x128xi32, #tpu.memory_space<hbm>>
    %dma_start3A_196 = tpu.memref_squeeze %dma_start3A_195 : memref<1x128xi32, #tpu.memory_space<hbm>> -> memref<128xi32, #tpu.memory_space<hbm>>
    tpu.enqueue_dma source(%dma_start3A_196 : memref<128xi32, #tpu.memory_space<hbm>>) target(%dma_start3A_193 : memref<128xi32, #tpu.memory_space<vmem>>) target_semaphore(%arg19 : memref<!tpu.dma_semaphore, #tpu.memory_space<semaphore_mem>>)
    %dma_start3A_197 = arith.constant 2 : i32
    %dma_start3A_198 = arith.constant 2 : i32
    %dma_start3A_199 = arith.constant 0 : i32
    %dma_start3A_200 = arith.constant 0 : i32
    %dma_start3A_201 = tpu.memref_slice %arg10[%dma_start3A_198, %dma_start3A_199, %dma_start3A_200] : memref<4x128x128xf32, #tpu.memory_space<vmem>> -> memref<1x128x128xf32, #tpu.memory_space<vmem>>
    %dma_start3A_202 = tpu.memref_squeeze %dma_start3A_201 : memref<1x128x128xf32, #tpu.memory_space<vmem>> -> memref<128x128xf32, #tpu.memory_space<vmem>>
    %dma_start3A_203 = arith.constant 0 : i32
    %dma_start3A_204 = tpu.memref_slice %arg8[%dma_start3A_197, %dma_start3A_203] : memref<200x128xi32, #tpu.memory_space<vmem>> -> memref<1x128xi32, #tpu.memory_space<vmem>>
    %dma_start3A_205 = tpu.memref_squeeze %dma_start3A_204 : memref<1x128xi32, #tpu.memory_space<vmem>> -> memref<128xi32, #tpu.memory_space<vmem>>
    %dma_start3A_206 = arith.constant 0 : i32
    %dma_start3A_207 = arith.constant 0 : i32
    %dma_start3A_208 = tpu.memref_slice %arg2[%dma_start3A_206, %dma_start3A_207] : memref<507904x128xf32, #tpu.memory_space<hbm>> -> memref<507904x128xf32, #tpu.memory_space<hbm>>
    tpu.enqueue_indirect_dma source(%dma_start3A_208 : memref<507904x128xf32, #tpu.memory_space<hbm>>) target(%dma_start3A_202 : memref<128x128xf32, #tpu.memory_space<vmem>>) offsets(%dma_start3A_205 : memref<128xi32, #tpu.memory_space<vmem>>) semaphore(%arg14 : memref<!tpu.dma_semaphore, #tpu.memory_space<semaphore_mem>>)
    %add3A_209 = arith.constant 2 : i32
    %add3A_210 = arith.addi %mul3A_2, %add3A_209 : i32
    %dma_start3A_211 = arith.constant 2 : i32
    %dma_start3A_212 = arith.constant 0 : i32
    %dma_start3A_213 = tpu.memref_slice %arg9[%dma_start3A_211, %dma_start3A_212] : memref<4x128xi32, #tpu.memory_space<vmem>> -> memref<1x128xi32, #tpu.memory_space<vmem>>
    %dma_start3A_214 = tpu.memref_squeeze %dma_start3A_213 : memref<1x128xi32, #tpu.memory_space<vmem>> -> memref<128xi32, #tpu.memory_space<vmem>>
    %dma_start3A_215 = arith.constant 0 : i32
    %dma_start3A_216 = tpu.memref_slice %arg4[%add3A_210, %dma_start3A_215] : memref<6400x128xi32, #tpu.memory_space<hbm>> -> memref<1x128xi32, #tpu.memory_space<hbm>>
    %dma_start3A_217 = tpu.memref_squeeze %dma_start3A_216 : memref<1x128xi32, #tpu.memory_space<hbm>> -> memref<128xi32, #tpu.memory_space<hbm>>
    %dma_start3A_218 = arith.constant 0 : i32
    %dma_start3A_219 = tpu.memref_slice %arg9[%dma_start3A_211, %dma_start3A_218] : memref<4x128xi32, #tpu.memory_space<vmem>> -> memref<1x128xi32, #tpu.memory_space<vmem>>
    %dma_start3A_220 = tpu.memref_squeeze %dma_start3A_219 : memref<1x128xi32, #tpu.memory_space<vmem>> -> memref<128xi32, #tpu.memory_space<vmem>>
    %dma_start3A_221 = arith.constant 0 : i32
    %dma_start3A_222 = tpu.memref_slice %arg4[%add3A_210, %dma_start3A_221] : memref<6400x128xi32, #tpu.memory_space<hbm>> -> memref<1x128xi32, #tpu.memory_space<hbm>>
    %dma_start3A_223 = tpu.memref_squeeze %dma_start3A_222 : memref<1x128xi32, #tpu.memory_space<hbm>> -> memref<128xi32, #tpu.memory_space<hbm>>
    tpu.enqueue_dma source(%dma_start3A_223 : memref<128xi32, #tpu.memory_space<hbm>>) target(%dma_start3A_220 : memref<128xi32, #tpu.memory_space<vmem>>) target_semaphore(%arg20 : memref<!tpu.dma_semaphore, #tpu.memory_space<semaphore_mem>>)
    %scan3A = arith.constant 0 : i32
    %scan3A_224 = arith.constant 50 : i32
    %scan3A_225 = arith.addi %scan3A, %scan3A_224 : i32
    %scan3A_226 = arith.constant 1 : i32
    scf.for %scan3A_325 = %scan3A to %scan3A_225 step %scan3A_226  : i32 {
      %mul3A_326 = arith.constant 4 : i32
      %mul3A_327 = arith.muli %scan3A_325, %mul3A_326 : i32
      %add3A_328 = arith.constant 0 : i32
      %add3A_329 = arith.addi %add3A_328, %mul3A_327 : i32
      %add3A_330 = arith.constant 0 : i32
      %add3A_331 = arith.addi %add3A_329, %add3A_330 : i32
      %dma_wait3A_332 = arith.constant 0 : i32
      %dma_wait3A_333 = arith.constant 0 : i32
      %dma_wait3A_334 = arith.constant 0 : i32
      %dma_wait3A_335 = tpu.memref_slice %arg10[%dma_wait3A_332, %dma_wait3A_333, %dma_wait3A_334] : memref<4x128x128xf32, #tpu.memory_space<vmem>> -> memref<1x128x128xf32, #tpu.memory_space<vmem>>
      %dma_wait3A_336 = tpu.memref_squeeze %dma_wait3A_335 : memref<1x128x128xf32, #tpu.memory_space<vmem>> -> memref<128x128xf32, #tpu.memory_space<vmem>>
      %dma_wait3A_337 = arith.constant 0 : i32
      %dma_wait3A_338 = tpu.memref_slice %arg8[%add3A_331, %dma_wait3A_337] : memref<200x128xi32, #tpu.memory_space<vmem>> -> memref<1x128xi32, #tpu.memory_space<vmem>>
      %dma_wait3A_339 = tpu.memref_squeeze %dma_wait3A_338 : memref<1x128xi32, #tpu.memory_space<vmem>> -> memref<128xi32, #tpu.memory_space<vmem>>
      %dma_wait3A_340 = arith.constant 0 : i32
      %dma_wait3A_341 = arith.constant 0 : i32
      %dma_wait3A_342 = tpu.memref_slice %arg2[%dma_wait3A_340, %dma_wait3A_341] : memref<507904x128xf32, #tpu.memory_space<hbm>> -> memref<507904x128xf32, #tpu.memory_space<hbm>>
      tpu.wait_indirect_dma semaphore(%arg12 : memref<!tpu.dma_semaphore, #tpu.memory_space<semaphore_mem>>) src(%dma_wait3A_342 : memref<507904x128xf32, #tpu.memory_space<hbm>>) dst(%dma_wait3A_336 : memref<128x128xf32, #tpu.memory_space<vmem>>)
      %add3A_343 = arith.addi %mul3A_2, %add3A_331 : i32
      %dma_wait3A_344 = arith.constant 0 : i32
      %dma_wait3A_345 = arith.constant 0 : i32
      %dma_wait3A_346 = tpu.memref_slice %arg9[%dma_wait3A_344, %dma_wait3A_345] : memref<4x128xi32, #tpu.memory_space<vmem>> -> memref<1x128xi32, #tpu.memory_space<vmem>>
      %dma_wait3A_347 = tpu.memref_squeeze %dma_wait3A_346 : memref<1x128xi32, #tpu.memory_space<vmem>> -> memref<128xi32, #tpu.memory_space<vmem>>
      %dma_wait3A_348 = arith.constant 0 : i32
      %dma_wait3A_349 = tpu.memref_slice %arg4[%add3A_343, %dma_wait3A_348] : memref<6400x128xi32, #tpu.memory_space<hbm>> -> memref<1x128xi32, #tpu.memory_space<hbm>>
      %dma_wait3A_350 = tpu.memref_squeeze %dma_wait3A_349 : memref<1x128xi32, #tpu.memory_space<hbm>> -> memref<128xi32, #tpu.memory_space<hbm>>
      %dma_wait3A_351 = arith.constant 0 : i32
      %dma_wait3A_352 = tpu.memref_slice %arg9[%dma_wait3A_344, %dma_wait3A_351] : memref<4x128xi32, #tpu.memory_space<vmem>> -> memref<1x128xi32, #tpu.memory_space<vmem>>
      %dma_wait3A_353 = tpu.memref_squeeze %dma_wait3A_352 : memref<1x128xi32, #tpu.memory_space<vmem>> -> memref<128xi32, #tpu.memory_space<vmem>>
      %dma_wait3A_354 = arith.constant 0 : i32
      %dma_wait3A_355 = tpu.memref_slice %arg4[%add3A_343, %dma_wait3A_354] : memref<6400x128xi32, #tpu.memory_space<hbm>> -> memref<1x128xi32, #tpu.memory_space<hbm>>
      %dma_wait3A_356 = tpu.memref_squeeze %dma_wait3A_355 : memref<1x128xi32, #tpu.memory_space<hbm>> -> memref<128xi32, #tpu.memory_space<hbm>>
      tpu.wait_dma2 semaphore(%arg18 : memref<!tpu.dma_semaphore, #tpu.memory_space<semaphore_mem>>) src(%dma_wait3A_356 : memref<128xi32, #tpu.memory_space<hbm>>) dst(%dma_wait3A_353 : memref<128xi32, #tpu.memory_space<vmem>>)
      %add3A_357 = arith.constant 3 : i32
      %add3A_358 = arith.addi %add3A_331, %add3A_357 : i32
      %lt3A = arith.constant 200 : i32
      %lt3A_359 = arith.cmpi slt, %add3A_358, %lt3A : i32
      %convert_element_type3A = arith.extui %lt3A_359 : i1 to i32
      %cond3A = arith.constant 0 : i32
      %cond3A_360 = arith.cmpi ne, %convert_element_type3A, %cond3A : i32
      scf.if %cond3A_360 {
        %add3A_828 = arith.constant 3 : i32
        %add3A_829 = arith.addi %add3A_331, %add3A_828 : i32
        %dma_start3A_830 = arith.constant 3 : i32
        %dma_start3A_831 = arith.constant 0 : i32
        %dma_start3A_832 = arith.constant 0 : i32
        %dma_start3A_833 = tpu.memref_slice %arg10[%dma_start3A_830, %dma_start3A_831, %dma_start3A_832] : memref<4x128x128xf32, #tpu.memory_space<vmem>> -> memref<1x128x128xf32, #tpu.memory_space<vmem>>
        %dma_start3A_834 = tpu.memref_squeeze %dma_start3A_833 : memref<1x128x128xf32, #tpu.memory_space<vmem>> -> memref<128x128xf32, #tpu.memory_space<vmem>>
        %dma_start3A_835 = arith.constant 0 : i32
        %dma_start3A_836 = tpu.memref_slice %arg8[%add3A_829, %dma_start3A_835] : memref<200x128xi32, #tpu.memory_space<vmem>> -> memref<1x128xi32, #tpu.memory_space<vmem>>
        %dma_start3A_837 = tpu.memref_squeeze %dma_start3A_836 : memref<1x128xi32, #tpu.memory_space<vmem>> -> memref<128xi32, #tpu.memory_space<vmem>>
        %dma_start3A_838 = arith.constant 0 : i32
        %dma_start3A_839 = arith.constant 0 : i32
        %dma_start3A_840 = tpu.memref_slice %arg2[%dma_start3A_838, %dma_start3A_839] : memref<507904x128xf32, #tpu.memory_space<hbm>> -> memref<507904x128xf32, #tpu.memory_space<hbm>>
        tpu.enqueue_indirect_dma source(%dma_start3A_840 : memref<507904x128xf32, #tpu.memory_space<hbm>>) target(%dma_start3A_834 : memref<128x128xf32, #tpu.memory_space<vmem>>) offsets(%dma_start3A_837 : memref<128xi32, #tpu.memory_space<vmem>>) semaphore(%arg15 : memref<!tpu.dma_semaphore, #tpu.memory_space<semaphore_mem>>)
        %add3A_841 = arith.constant 3 : i32
        %add3A_842 = arith.addi %add3A_331, %add3A_841 : i32
        %add3A_843 = arith.addi %mul3A_2, %add3A_842 : i32
        %dma_start3A_844 = arith.constant 3 : i32
        %dma_start3A_845 = arith.constant 0 : i32
        %dma_start3A_846 = tpu.memref_slice %arg9[%dma_start3A_844, %dma_start3A_845] : memref<4x128xi32, #tpu.memory_space<vmem>> -> memref<1x128xi32, #tpu.memory_space<vmem>>
        %dma_start3A_847 = tpu.memref_squeeze %dma_start3A_846 : memref<1x128xi32, #tpu.memory_space<vmem>> -> memref<128xi32, #tpu.memory_space<vmem>>
        %dma_start3A_848 = arith.constant 0 : i32
        %dma_start3A_849 = tpu.memref_slice %arg4[%add3A_843, %dma_start3A_848] : memref<6400x128xi32, #tpu.memory_space<hbm>> -> memref<1x128xi32, #tpu.memory_space<hbm>>
        %dma_start3A_850 = tpu.memref_squeeze %dma_start3A_849 : memref<1x128xi32, #tpu.memory_space<hbm>> -> memref<128xi32, #tpu.memory_space<hbm>>
        %dma_start3A_851 = arith.constant 0 : i32
        %dma_start3A_852 = tpu.memref_slice %arg9[%dma_start3A_844, %dma_start3A_851] : memref<4x128xi32, #tpu.memory_space<vmem>> -> memref<1x128xi32, #tpu.memory_space<vmem>>
        %dma_start3A_853 = tpu.memref_squeeze %dma_start3A_852 : memref<1x128xi32, #tpu.memory_space<vmem>> -> memref<128xi32, #tpu.memory_space<vmem>>
        %dma_start3A_854 = arith.constant 0 : i32
        %dma_start3A_855 = tpu.memref_slice %arg4[%add3A_843, %dma_start3A_854] : memref<6400x128xi32, #tpu.memory_space<hbm>> -> memref<1x128xi32, #tpu.memory_space<hbm>>
        %dma_start3A_856 = tpu.memref_squeeze %dma_start3A_855 : memref<1x128xi32, #tpu.memory_space<hbm>> -> memref<128xi32, #tpu.memory_space<hbm>>
        tpu.enqueue_dma source(%dma_start3A_856 : memref<128xi32, #tpu.memory_space<hbm>>) target(%dma_start3A_853 : memref<128xi32, #tpu.memory_space<vmem>>) target_semaphore(%arg21 : memref<!tpu.dma_semaphore, #tpu.memory_space<semaphore_mem>>)
      } else {
      }
      %ge3A = arith.constant 2 : i32
      %ge3A_361 = arith.cmpi sge, %add3A_331, %ge3A : i32
      %convert_element_type3A_362 = arith.extui %ge3A_361 : i1 to i32
      %cond3A_363 = arith.constant 0 : i32
      %cond3A_364 = arith.cmpi ne, %convert_element_type3A_362, %cond3A_363 : i32
      scf.if %cond3A_364 {
        %sub3A_828 = arith.constant 2 : i32
        %sub3A_829 = arith.subi %add3A_331, %sub3A_828 : i32
        %add3A_830 = arith.addi %mul3A_2, %sub3A_829 : i32
        %jit3A_831 = arith.constant 32 : i32
        %div3A_832 = arith.divsi %add3A_830, %jit3A_831 : i32
        %sign3A_833 = arith.constant 0 : i32
        %sign3A_834 = arith.cmpi sgt, %add3A_830, %sign3A_833 : i32
        %sign3A_835 = arith.extui %sign3A_834 : i1 to i32
        %sign3A_836 = arith.constant 0 : i32
        %sign3A_837 = arith.cmpi slt, %add3A_830, %sign3A_836 : i32
        %sign3A_838 = arith.extui %sign3A_837 : i1 to i32
        %sign3A_839 = arith.subi %sign3A_835, %sign3A_838 : i32
        %sign3A_840 = arith.constant 0 : i32
        %sign3A_841 = arith.cmpi sgt, %jit3A_831, %sign3A_840 : i32
        %sign3A_842 = arith.extui %sign3A_841 : i1 to i32
        %sign3A_843 = arith.constant 0 : i32
        %sign3A_844 = arith.cmpi slt, %jit3A_831, %sign3A_843 : i32
        %sign3A_845 = arith.extui %sign3A_844 : i1 to i32
        %sign3A_846 = arith.subi %sign3A_842, %sign3A_845 : i32
        %ne3A_847 = arith.cmpi ne, %sign3A_839, %sign3A_846 : i32
        %rem3A_848 = arith.remsi %add3A_830, %jit3A_831 : i32
        %ne3A_849 = arith.constant 0 : i32
        %ne3A_850 = arith.cmpi ne, %rem3A_848, %ne3A_849 : i32
        %and3A_851 = arith.andi %ne3A_847, %ne3A_850 : i1
        %sub3A_852 = arith.constant 1 : i32
        %sub3A_853 = arith.subi %div3A_832, %sub3A_852 : i32
        %select_n3A_854 = arith.select %and3A_851, %sub3A_853, %div3A_832 : i32
        %rem3A_855 = arith.constant 32 : i32
        %rem3A_856 = arith.remsi %add3A_830, %rem3A_855 : i32
        %dma_wait3A_857 = arith.constant 0 : i32
        %dma_wait3A_858 = arith.constant 0 : i32
        %dma_wait3A_859 = arith.constant 0 : i32
        %dma_wait3A_860 = arith.constant 0 : i32
        %dma_wait3A_861 = tpu.memref_slice %arg11[%dma_wait3A_857, %dma_wait3A_858, %dma_wait3A_859, %dma_wait3A_860] : memref<2x8x8x129xf32, #tpu.memory_space<vmem>> -> memref<1x8x8x128xf32, #tpu.memory_space<vmem>>
        %dma_wait3A_862 = tpu.memref_squeeze %dma_wait3A_861 : memref<1x8x8x128xf32, #tpu.memory_space<vmem>> -> memref<8x8x128xf32, #tpu.memory_space<vmem>>
        %dma_wait3A_863 = arith.constant 0 : i32
        %dma_wait3A_864 = arith.constant 0 : i32
        %dma_wait3A_865 = arith.constant 0 : i32
        %dma_wait3A_866 = tpu.memref_slice %arg6[%select_n3A_854, %dma_wait3A_863, %rem3A_856, %dma_wait3A_864, %dma_wait3A_865] : memref<200x8x32x8x128xf32, #tpu.memory_space<hbm>> -> memref<1x8x1x8x128xf32, #tpu.memory_space<hbm>>
        %dma_wait3A_867 = tpu.memref_squeeze %dma_wait3A_866 : memref<1x8x1x8x128xf32, #tpu.memory_space<hbm>> -> memref<8x8x128xf32, #tpu.memory_space<hbm>>
        %dma_wait3A_868 = arith.constant 0 : i32
        %dma_wait3A_869 = arith.constant 0 : i32
        %dma_wait3A_870 = arith.constant 0 : i32
        %dma_wait3A_871 = tpu.memref_slice %arg6[%select_n3A_854, %dma_wait3A_868, %rem3A_856, %dma_wait3A_869, %dma_wait3A_870] : memref<200x8x32x8x128xf32, #tpu.memory_space<hbm>> -> memref<1x8x1x8x128xf32, #tpu.memory_space<hbm>>
        %dma_wait3A_872 = tpu.memref_squeeze %dma_wait3A_871 : memref<1x8x1x8x128xf32, #tpu.memory_space<hbm>> -> memref<8x8x128xf32, #tpu.memory_space<hbm>>
        %dma_wait3A_873 = arith.constant 0 : i32
        %dma_wait3A_874 = arith.constant 0 : i32
        %dma_wait3A_875 = arith.constant 0 : i32
        %dma_wait3A_876 = tpu.memref_slice %arg11[%dma_wait3A_857, %dma_wait3A_873, %dma_wait3A_874, %dma_wait3A_875] : memref<2x8x8x129xf32, #tpu.memory_space<vmem>> -> memref<1x8x8x128xf32, #tpu.memory_space<vmem>>
        %dma_wait3A_877 = tpu.memref_squeeze %dma_wait3A_876 : memref<1x8x8x128xf32, #tpu.memory_space<vmem>> -> memref<8x8x128xf32, #tpu.memory_space<vmem>>
        tpu.wait_dma2 semaphore(%arg16 : memref<!tpu.dma_semaphore, #tpu.memory_space<semaphore_mem>>) src(%dma_wait3A_877 : memref<8x8x128xf32, #tpu.memory_space<vmem>>) dst(%dma_wait3A_872 : memref<8x8x128xf32, #tpu.memory_space<hbm>>)
      } else {
      }
      %add3A_365 = arith.addi %mul3A_2, %add3A_331 : i32
      %add3A_366 = arith.constant 0 : i32
      %add3A_367 = vector.broadcast %add3A_366 : i32 to vector<16xi32>
      %add3A_368 = arith.addi %broadcast_in_dim3A_143, %add3A_367 : vector<16xi32>
      %jit3A_369 = arith.constant 32 : i32
      %div3A_370 = arith.divsi %add3A_365, %jit3A_369 : i32
      %sign3A_371 = arith.constant 0 : i32
      %sign3A_372 = arith.cmpi sgt, %add3A_365, %sign3A_371 : i32
      %sign3A_373 = arith.extui %sign3A_372 : i1 to i32
      %sign3A_374 = arith.constant 0 : i32
      %sign3A_375 = arith.cmpi slt, %add3A_365, %sign3A_374 : i32
      %sign3A_376 = arith.extui %sign3A_375 : i1 to i32
      %sign3A_377 = arith.subi %sign3A_373, %sign3A_376 : i32
      %sign3A_378 = arith.constant 0 : i32
      %sign3A_379 = arith.cmpi sgt, %jit3A_369, %sign3A_378 : i32
      %sign3A_380 = arith.extui %sign3A_379 : i1 to i32
      %sign3A_381 = arith.constant 0 : i32
      %sign3A_382 = arith.cmpi slt, %jit3A_369, %sign3A_381 : i32
      %sign3A_383 = arith.extui %sign3A_382 : i1 to i32
      %sign3A_384 = arith.subi %sign3A_380, %sign3A_383 : i32
      %ne3A_385 = arith.cmpi ne, %sign3A_377, %sign3A_384 : i32
      %rem3A_386 = arith.remsi %add3A_365, %jit3A_369 : i32
      %ne3A_387 = arith.constant 0 : i32
      %ne3A_388 = arith.cmpi ne, %rem3A_386, %ne3A_387 : i32
      %and3A_389 = arith.andi %ne3A_385, %ne3A_388 : i1
      %sub3A_390 = arith.constant 1 : i32
      %sub3A_391 = arith.subi %div3A_370, %sub3A_390 : i32
      %select_n3A_392 = arith.select %and3A_389, %sub3A_391, %div3A_370 : i32
      %add3A_393 = vector.broadcast %select_n3A_392 : i32 to vector<16xi32>
      %add3A_394 = arith.addi %broadcast_in_dim3A_143, %add3A_393 : vector<16xi32>
      %gather3A = tpu.vector_load_idx %arg7[%add3A_394, %add3A_5] : memref<200x64xf32, #tpu.memory_space<vmem>>[vector<16xi32>, vector<16xi32>], vector<16xf32>,
      %gather3A_395 = tpu.vector_load_idx %arg7[%add3A_394, %add3A_8] : memref<200x64xf32, #tpu.memory_space<vmem>>[vector<16xi32>, vector<16xi32>], vector<16xf32>,
      %gather3A_396 = tpu.vector_load_idx %arg7[%add3A_394, %add3A_11] : memref<200x64xf32, #tpu.memory_space<vmem>>[vector<16xi32>, vector<16xi32>], vector<16xf32>,
      %gather3A_397 = tpu.vector_load_idx %arg7[%add3A_394, %add3A_14] : memref<200x64xf32, #tpu.memory_space<vmem>>[vector<16xi32>, vector<16xi32>], vector<16xf32>,
      %parallel_loop3A = arith.constant 0 : i32
      %parallel_loop3A_398 = arith.constant 128 : i32
      %parallel_loop3A_399 = arith.constant 1 : i32
      %parallel_loop3A_400 = arith.constant 0 : i32
      %parallel_loop3A_401 = arith.constant 0 : i32
      scf.for %parallel_loop3A_828 = %parallel_loop3A to %parallel_loop3A_398 step %parallel_loop3A_399  : i32 {
        %parallel_loop3A_829 = vector.broadcast %parallel_loop3A_828 : i32 to vector<16xi32>
        %parallel_loop3A_830 = arith.addi %broadcast_in_dim3A_143, %parallel_loop3A_829 : vector<16xi32>
        %parallel_loop3A_831 = tpu.vector_load_idx %arg9[%add3A_368, %parallel_loop3A_830] : memref<4x128xi32, #tpu.memory_space<vmem>>[vector<16xi32>, vector<16xi32>], vector<16xi32>,
        %parallel_loop3A_832 = arith.addi %add3A_5, %parallel_loop3A_831 : vector<16xi32>
        %parallel_loop3A_833 = arith.constant 0 : i32
        %parallel_loop3A_834 = arith.constant 0 : i32
        %parallel_loop3A_835 = tpu.memref_slice %arg10[%parallel_loop3A_400, %parallel_loop3A_833, %parallel_loop3A_834] : memref<4x128x128xf32, #tpu.memory_space<vmem>> -> memref<1x128x128xf32, #tpu.memory_space<vmem>>
        %parallel_loop3A_836 = tpu.memref_squeeze %parallel_loop3A_835 : memref<1x128x128xf32, #tpu.memory_space<vmem>> -> memref<128x128xf32, #tpu.memory_space<vmem>>
        %parallel_loop3A_837 = tpu.vector_load_idx %parallel_loop3A_836[%parallel_loop3A_830, %parallel_loop3A_832] : memref<128x128xf32, #tpu.memory_space<vmem>>[vector<16xi32>, vector<16xi32>], vector<16xf32>,
        %parallel_loop3A_838 = arith.addf %parallel_loop3A_837, %gather3A : vector<16xf32>
        %parallel_loop3A_839 = arith.constant 0 : i32
        %parallel_loop3A_840 = arith.constant 0 : i32
        %parallel_loop3A_841 = arith.constant 0 : i32
        %parallel_loop3A_842 = tpu.memref_slice %arg11[%parallel_loop3A_401, %parallel_loop3A_839, %parallel_loop3A_840, %parallel_loop3A_841] : memref<2x8x8x129xf32, #tpu.memory_space<vmem>> -> memref<1x8x8x129xf32, #tpu.memory_space<vmem>>
        %parallel_loop3A_843 = tpu.memref_squeeze %parallel_loop3A_842 : memref<1x8x8x129xf32, #tpu.memory_space<vmem>> -> memref<8x8x129xf32, #tpu.memory_space<vmem>>
        tpu.vector_store_idx %parallel_loop3A_843[%select_n3A, %rem3A_133, %parallel_loop3A_830], %parallel_loop3A_838 : memref<8x8x129xf32, #tpu.memory_space<vmem>>[vector<16xi32>, vector<16xi32>, vector<16xi32>], vector<16xf32>,
        %parallel_loop3A_844 = arith.addi %add3A_8, %parallel_loop3A_831 : vector<16xi32>
        %parallel_loop3A_845 = arith.constant 0 : i32
        %parallel_loop3A_846 = arith.constant 0 : i32
        %parallel_loop3A_847 = tpu.memref_slice %arg10[%parallel_loop3A_400, %parallel_loop3A_845, %parallel_loop3A_846] : memref<4x128x128xf32, #tpu.memory_space<vmem>> -> memref<1x128x128xf32, #tpu.memory_space<vmem>>
        %parallel_loop3A_848 = tpu.memref_squeeze %parallel_loop3A_847 : memref<1x128x128xf32, #tpu.memory_space<vmem>> -> memref<128x128xf32, #tpu.memory_space<vmem>>
        %parallel_loop3A_849 = tpu.vector_load_idx %parallel_loop3A_848[%parallel_loop3A_830, %parallel_loop3A_844] : memref<128x128xf32, #tpu.memory_space<vmem>>[vector<16xi32>, vector<16xi32>], vector<16xf32>,
        %parallel_loop3A_850 = arith.addf %parallel_loop3A_849, %gather3A_395 : vector<16xf32>
        %parallel_loop3A_851 = arith.constant 0 : i32
        %parallel_loop3A_852 = arith.constant 0 : i32
        %parallel_loop3A_853 = arith.constant 0 : i32
        %parallel_loop3A_854 = tpu.memref_slice %arg11[%parallel_loop3A_401, %parallel_loop3A_851, %parallel_loop3A_852, %parallel_loop3A_853] : memref<2x8x8x129xf32, #tpu.memory_space<vmem>> -> memref<1x8x8x129xf32, #tpu.memory_space<vmem>>
        %parallel_loop3A_855 = tpu.memref_squeeze %parallel_loop3A_854 : memref<1x8x8x129xf32, #tpu.memory_space<vmem>> -> memref<8x8x129xf32, #tpu.memory_space<vmem>>
        tpu.vector_store_idx %parallel_loop3A_855[%select_n3A_68, %rem3A_136, %parallel_loop3A_830], %parallel_loop3A_850 : memref<8x8x129xf32, #tpu.memory_space<vmem>>[vector<16xi32>, vector<16xi32>, vector<16xi32>], vector<16xf32>,
        %parallel_loop3A_856 = arith.addi %add3A_11, %parallel_loop3A_831 : vector<16xi32>
        %parallel_loop3A_857 = arith.constant 0 : i32
        %parallel_loop3A_858 = arith.constant 0 : i32
        %parallel_loop3A_859 = tpu.memref_slice %arg10[%parallel_loop3A_400, %parallel_loop3A_857, %parallel_loop3A_858] : memref<4x128x128xf32, #tpu.memory_space<vmem>> -> memref<1x128x128xf32, #tpu.memory_space<vmem>>
        %parallel_loop3A_860 = tpu.memref_squeeze %parallel_loop3A_859 : memref<1x128x128xf32, #tpu.memory_space<vmem>> -> memref<128x128xf32, #tpu.memory_space<vmem>>
        %parallel_loop3A_861 = tpu.vector_load_idx %parallel_loop3A_860[%parallel_loop3A_830, %parallel_loop3A_856] : memref<128x128xf32, #tpu.memory_space<vmem>>[vector<16xi32>, vector<16xi32>], vector<16xf32>,
        %parallel_loop3A_862 = arith.addf %parallel_loop3A_861, %gather3A_396 : vector<16xf32>
        %parallel_loop3A_863 = arith.constant 0 : i32
        %parallel_loop3A_864 = arith.constant 0 : i32
        %parallel_loop3A_865 = arith.constant 0 : i32
        %parallel_loop3A_866 = tpu.memref_slice %arg11[%parallel_loop3A_401, %parallel_loop3A_863, %parallel_loop3A_864, %parallel_loop3A_865] : memref<2x8x8x129xf32, #tpu.memory_space<vmem>> -> memref<1x8x8x129xf32, #tpu.memory_space<vmem>>
        %parallel_loop3A_867 = tpu.memref_squeeze %parallel_loop3A_866 : memref<1x8x8x129xf32, #tpu.memory_space<vmem>> -> memref<8x8x129xf32, #tpu.memory_space<vmem>>
        tpu.vector_store_idx %parallel_loop3A_867[%select_n3A_99, %rem3A_139, %parallel_loop3A_830], %parallel_loop3A_862 : memref<8x8x129xf32, #tpu.memory_space<vmem>>[vector<16xi32>, vector<16xi32>, vector<16xi32>], vector<16xf32>,
        %parallel_loop3A_868 = arith.addi %add3A_14, %parallel_loop3A_831 : vector<16xi32>
        %parallel_loop3A_869 = arith.constant 0 : i32
        %parallel_loop3A_870 = arith.constant 0 : i32
        %parallel_loop3A_871 = tpu.memref_slice %arg10[%parallel_loop3A_400, %parallel_loop3A_869, %parallel_loop3A_870] : memref<4x128x128xf32, #tpu.memory_space<vmem>> -> memref<1x128x128xf32, #tpu.memory_space<vmem>>
        %parallel_loop3A_872 = tpu.memref_squeeze %parallel_loop3A_871 : memref<1x128x128xf32, #tpu.memory_space<vmem>> -> memref<128x128xf32, #tpu.memory_space<vmem>>
        %parallel_loop3A_873 = tpu.vector_load_idx %parallel_loop3A_872[%parallel_loop3A_830, %parallel_loop3A_868] : memref<128x128xf32, #tpu.memory_space<vmem>>[vector<16xi32>, vector<16xi32>], vector<16xf32>,
        %parallel_loop3A_874 = arith.addf %parallel_loop3A_873, %gather3A_397 : vector<16xf32>
        %parallel_loop3A_875 = arith.constant 0 : i32
        %parallel_loop3A_876 = arith.constant 0 : i32
        %parallel_loop3A_877 = arith.constant 0 : i32
        %parallel_loop3A_878 = tpu.memref_slice %arg11[%parallel_loop3A_401, %parallel_loop3A_875, %parallel_loop3A_876, %parallel_loop3A_877] : memref<2x8x8x129xf32, #tpu.memory_space<vmem>> -> memref<1x8x8x129xf32, #tpu.memory_space<vmem>>
        %parallel_loop3A_879 = tpu.memref_squeeze %parallel_loop3A_878 : memref<1x8x8x129xf32, #tpu.memory_space<vmem>> -> memref<8x8x129xf32, #tpu.memory_space<vmem>>
        tpu.vector_store_idx %parallel_loop3A_879[%select_n3A_130, %rem3A_142, %parallel_loop3A_830], %parallel_loop3A_874 : memref<8x8x129xf32, #tpu.memory_space<vmem>>[vector<16xi32>, vector<16xi32>, vector<16xi32>], vector<16xf32>,
      } {sc.loop_unroll_factor = 8 : i64, sc.parallel_access}
      %add3A_402 = arith.addi %mul3A_2, %add3A_331 : i32
      %jit3A_403 = arith.constant 32 : i32
      %div3A_404 = arith.divsi %add3A_402, %jit3A_403 : i32
      %sign3A_405 = arith.constant 0 : i32
      %sign3A_406 = arith.cmpi sgt, %add3A_402, %sign3A_405 : i32
      %sign3A_407 = arith.extui %sign3A_406 : i1 to i32
      %sign3A_408 = arith.constant 0 : i32
      %sign3A_409 = arith.cmpi slt, %add3A_402, %sign3A_408 : i32
      %sign3A_410 = arith.extui %sign3A_409 : i1 to i32
      %sign3A_411 = arith.subi %sign3A_407, %sign3A_410 : i32
      %sign3A_412 = arith.constant 0 : i32
      %sign3A_413 = arith.cmpi sgt, %jit3A_403, %sign3A_412 : i32
      %sign3A_414 = arith.extui %sign3A_413 : i1 to i32
      %sign3A_415 = arith.constant 0 : i32
      %sign3A_416 = arith.cmpi slt, %jit3A_403, %sign3A_415 : i32
      %sign3A_417 = arith.extui %sign3A_416 : i1 to i32
      %sign3A_418 = arith.subi %sign3A_414, %sign3A_417 : i32
      %ne3A_419 = arith.cmpi ne, %sign3A_411, %sign3A_418 : i32
      %rem3A_420 = arith.remsi %add3A_402, %jit3A_403 : i32
      %ne3A_421 = arith.constant 0 : i32
      %ne3A_422 = arith.cmpi ne, %rem3A_420, %ne3A_421 : i32
      %and3A_423 = arith.andi %ne3A_419, %ne3A_422 : i1
      %sub3A_424 = arith.constant 1 : i32
      %sub3A_425 = arith.subi %div3A_404, %sub3A_424 : i32
      %select_n3A_426 = arith.select %and3A_423, %sub3A_425, %div3A_404 : i32
      %rem3A_427 = arith.constant 32 : i32
      %rem3A_428 = arith.remsi %add3A_402, %rem3A_427 : i32
      %dma_start3A_429 = arith.constant 0 : i32
      %dma_start3A_430 = arith.constant 0 : i32
      %dma_start3A_431 = arith.constant 0 : i32
      %dma_start3A_432 = arith.constant 0 : i32
      %dma_start3A_433 = tpu.memref_slice %arg11[%dma_start3A_429, %dma_start3A_430, %dma_start3A_431, %dma_start3A_432] : memref<2x8x8x129xf32, #tpu.memory_space<vmem>> -> memref<1x8x8x128xf32, #tpu.memory_space<vmem>>
      %dma_start3A_434 = tpu.memref_squeeze %dma_start3A_433 : memref<1x8x8x128xf32, #tpu.memory_space<vmem>> -> memref<8x8x128xf32, #tpu.memory_space<vmem>>
      %dma_start3A_435 = arith.constant 0 : i32
      %dma_start3A_436 = arith.constant 0 : i32
      %dma_start3A_437 = arith.constant 0 : i32
      %dma_start3A_438 = tpu.memref_slice %arg6[%select_n3A_426, %dma_start3A_435, %rem3A_428, %dma_start3A_436, %dma_start3A_437] : memref<200x8x32x8x128xf32, #tpu.memory_space<hbm>> -> memref<1x8x1x8x128xf32, #tpu.memory_space<hbm>>
      %dma_start3A_439 = tpu.memref_squeeze %dma_start3A_438 : memref<1x8x1x8x128xf32, #tpu.memory_space<hbm>> -> memref<8x8x128xf32, #tpu.memory_space<hbm>>
      %dma_start3A_440 = arith.constant 0 : i32
      %dma_start3A_441 = arith.constant 0 : i32
      %dma_start3A_442 = arith.constant 0 : i32
      %dma_start3A_443 = tpu.memref_slice %arg6[%select_n3A_426, %dma_start3A_440, %rem3A_428, %dma_start3A_441, %dma_start3A_442] : memref<200x8x32x8x128xf32, #tpu.memory_space<hbm>> -> memref<1x8x1x8x128xf32, #tpu.memory_space<hbm>>
      %dma_start3A_444 = tpu.memref_squeeze %dma_start3A_443 : memref<1x8x1x8x128xf32, #tpu.memory_space<hbm>> -> memref<8x8x128xf32, #tpu.memory_space<hbm>>
      %dma_start3A_445 = arith.constant 0 : i32
      %dma_start3A_446 = arith.constant 0 : i32
      %dma_start3A_447 = arith.constant 0 : i32
      %dma_start3A_448 = tpu.memref_slice %arg11[%dma_start3A_429, %dma_start3A_445, %dma_start3A_446, %dma_start3A_447] : memref<2x8x8x129xf32, #tpu.memory_space<vmem>> -> memref<1x8x8x128xf32, #tpu.memory_space<vmem>>
      %dma_start3A_449 = tpu.memref_squeeze %dma_start3A_448 : memref<1x8x8x128xf32, #tpu.memory_space<vmem>> -> memref<8x8x128xf32, #tpu.memory_space<vmem>>
      tpu.enqueue_dma source(%dma_start3A_449 : memref<8x8x128xf32, #tpu.memory_space<vmem>>) target(%dma_start3A_444 : memref<8x8x128xf32, #tpu.memory_space<hbm>>) target_semaphore(%arg16 : memref<!tpu.dma_semaphore, #tpu.memory_space<semaphore_mem>>)
      %add3A_450 = arith.constant 1 : i32
      %add3A_451 = arith.addi %add3A_329, %add3A_450 : i32
      %dma_wait3A_452 = arith.constant 1 : i32
      %dma_wait3A_453 = arith.constant 0 : i32
      %dma_wait3A_454 = arith.constant 0 : i32
      %dma_wait3A_455 = tpu.memref_slice %arg10[%dma_wait3A_452, %dma_wait3A_453, %dma_wait3A_454] : memref<4x128x128xf32, #tpu.memory_space<vmem>> -> memref<1x128x128xf32, #tpu.memory_space<vmem>>
      %dma_wait3A_456 = tpu.memref_squeeze %dma_wait3A_455 : memref<1x128x128xf32, #tpu.memory_space<vmem>> -> memref<128x128xf32, #tpu.memory_space<vmem>>
      %dma_wait3A_457 = arith.constant 0 : i32
      %dma_wait3A_458 = tpu.memref_slice %arg8[%add3A_451, %dma_wait3A_457] : memref<200x128xi32, #tpu.memory_space<vmem>> -> memref<1x128xi32, #tpu.memory_space<vmem>>
      %dma_wait3A_459 = tpu.memref_squeeze %dma_wait3A_458 : memref<1x128xi32, #tpu.memory_space<vmem>> -> memref<128xi32, #tpu.memory_space<vmem>>
      %dma_wait3A_460 = arith.constant 0 : i32
      %dma_wait3A_461 = arith.constant 0 : i32
      %dma_wait3A_462 = tpu.memref_slice %arg2[%dma_wait3A_460, %dma_wait3A_461] : memref<507904x128xf32, #tpu.memory_space<hbm>> -> memref<507904x128xf32, #tpu.memory_space<hbm>>
      tpu.wait_indirect_dma semaphore(%arg13 : memref<!tpu.dma_semaphore, #tpu.memory_space<semaphore_mem>>) src(%dma_wait3A_462 : memref<507904x128xf32, #tpu.memory_space<hbm>>) dst(%dma_wait3A_456 : memref<128x128xf32, #tpu.memory_space<vmem>>)
      %add3A_463 = arith.addi %mul3A_2, %add3A_451 : i32
      %dma_wait3A_464 = arith.constant 1 : i32
      %dma_wait3A_465 = arith.constant 0 : i32
      %dma_wait3A_466 = tpu.memref_slice %arg9[%dma_wait3A_464, %dma_wait3A_465] : memref<4x128xi32, #tpu.memory_space<vmem>> -> memref<1x128xi32, #tpu.memory_space<vmem>>
      %dma_wait3A_467 = tpu.memref_squeeze %dma_wait3A_466 : memref<1x128xi32, #tpu.memory_space<vmem>> -> memref<128xi32, #tpu.memory_space<vmem>>
      %dma_wait3A_468 = arith.constant 0 : i32
      %dma_wait3A_469 = tpu.memref_slice %arg4[%add3A_463, %dma_wait3A_468] : memref<6400x128xi32, #tpu.memory_space<hbm>> -> memref<1x128xi32, #tpu.memory_space<hbm>>
      %dma_wait3A_470 = tpu.memref_squeeze %dma_wait3A_469 : memref<1x128xi32, #tpu.memory_space<hbm>> -> memref<128xi32, #tpu.memory_space<hbm>>
      %dma_wait3A_471 = arith.constant 0 : i32
      %dma_wait3A_472 = tpu.memref_slice %arg9[%dma_wait3A_464, %dma_wait3A_471] : memref<4x128xi32, #tpu.memory_space<vmem>> -> memref<1x128xi32, #tpu.memory_space<vmem>>
      %dma_wait3A_473 = tpu.memref_squeeze %dma_wait3A_472 : memref<1x128xi32, #tpu.memory_space<vmem>> -> memref<128xi32, #tpu.memory_space<vmem>>
      %dma_wait3A_474 = arith.constant 0 : i32
      %dma_wait3A_475 = tpu.memref_slice %arg4[%add3A_463, %dma_wait3A_474] : memref<6400x128xi32, #tpu.memory_space<hbm>> -> memref<1x128xi32, #tpu.memory_space<hbm>>
      %dma_wait3A_476 = tpu.memref_squeeze %dma_wait3A_475 : memref<1x128xi32, #tpu.memory_space<hbm>> -> memref<128xi32, #tpu.memory_space<hbm>>
      tpu.wait_dma2 semaphore(%arg19 : memref<!tpu.dma_semaphore, #tpu.memory_space<semaphore_mem>>) src(%dma_wait3A_476 : memref<128xi32, #tpu.memory_space<hbm>>) dst(%dma_wait3A_473 : memref<128xi32, #tpu.memory_space<vmem>>)
      %add3A_477 = arith.constant 3 : i32
      %add3A_478 = arith.addi %add3A_451, %add3A_477 : i32
      %lt3A_479 = arith.constant 200 : i32
      %lt3A_480 = arith.cmpi slt, %add3A_478, %lt3A_479 : i32
      %convert_element_type3A_481 = arith.extui %lt3A_480 : i1 to i32
      %cond3A_482 = arith.constant 0 : i32
      %cond3A_483 = arith.cmpi ne, %convert_element_type3A_481, %cond3A_482 : i32
      scf.if %cond3A_483 {
        %add3A_828 = arith.constant 3 : i32
        %add3A_829 = arith.addi %add3A_451, %add3A_828 : i32
        %dma_start3A_830 = arith.constant 0 : i32
        %dma_start3A_831 = arith.constant 0 : i32
        %dma_start3A_832 = arith.constant 0 : i32
        %dma_start3A_833 = tpu.memref_slice %arg10[%dma_start3A_830, %dma_start3A_831, %dma_start3A_832] : memref<4x128x128xf32, #tpu.memory_space<vmem>> -> memref<1x128x128xf32, #tpu.memory_space<vmem>>
        %dma_start3A_834 = tpu.memref_squeeze %dma_start3A_833 : memref<1x128x128xf32, #tpu.memory_space<vmem>> -> memref<128x128xf32, #tpu.memory_space<vmem>>
        %dma_start3A_835 = arith.constant 0 : i32
        %dma_start3A_836 = tpu.memref_slice %arg8[%add3A_829, %dma_start3A_835] : memref<200x128xi32, #tpu.memory_space<vmem>> -> memref<1x128xi32, #tpu.memory_space<vmem>>
        %dma_start3A_837 = tpu.memref_squeeze %dma_start3A_836 : memref<1x128xi32, #tpu.memory_space<vmem>> -> memref<128xi32, #tpu.memory_space<vmem>>
        %dma_start3A_838 = arith.constant 0 : i32
        %dma_start3A_839 = arith.constant 0 : i32
        %dma_start3A_840 = tpu.memref_slice %arg2[%dma_start3A_838, %dma_start3A_839] : memref<507904x128xf32, #tpu.memory_space<hbm>> -> memref<507904x128xf32, #tpu.memory_space<hbm>>
        tpu.enqueue_indirect_dma source(%dma_start3A_840 : memref<507904x128xf32, #tpu.memory_space<hbm>>) target(%dma_start3A_834 : memref<128x128xf32, #tpu.memory_space<vmem>>) offsets(%dma_start3A_837 : memref<128xi32, #tpu.memory_space<vmem>>) semaphore(%arg12 : memref<!tpu.dma_semaphore, #tpu.memory_space<semaphore_mem>>)
        %add3A_841 = arith.constant 3 : i32
        %add3A_842 = arith.addi %add3A_451, %add3A_841 : i32
        %add3A_843 = arith.addi %mul3A_2, %add3A_842 : i32
        %dma_start3A_844 = arith.constant 0 : i32
        %dma_start3A_845 = arith.constant 0 : i32
        %dma_start3A_846 = tpu.memref_slice %arg9[%dma_start3A_844, %dma_start3A_845] : memref<4x128xi32, #tpu.memory_space<vmem>> -> memref<1x128xi32, #tpu.memory_space<vmem>>
        %dma_start3A_847 = tpu.memref_squeeze %dma_start3A_846 : memref<1x128xi32, #tpu.memory_space<vmem>> -> memref<128xi32, #tpu.memory_space<vmem>>
        %dma_start3A_848 = arith.constant 0 : i32
        %dma_start3A_849 = tpu.memref_slice %arg4[%add3A_843, %dma_start3A_848] : memref<6400x128xi32, #tpu.memory_space<hbm>> -> memref<1x128xi32, #tpu.memory_space<hbm>>
        %dma_start3A_850 = tpu.memref_squeeze %dma_start3A_849 : memref<1x128xi32, #tpu.memory_space<hbm>> -> memref<128xi32, #tpu.memory_space<hbm>>
        %dma_start3A_851 = arith.constant 0 : i32
        %dma_start3A_852 = tpu.memref_slice %arg9[%dma_start3A_844, %dma_start3A_851] : memref<4x128xi32, #tpu.memory_space<vmem>> -> memref<1x128xi32, #tpu.memory_space<vmem>>
        %dma_start3A_853 = tpu.memref_squeeze %dma_start3A_852 : memref<1x128xi32, #tpu.memory_space<vmem>> -> memref<128xi32, #tpu.memory_space<vmem>>
        %dma_start3A_854 = arith.constant 0 : i32
        %dma_start3A_855 = tpu.memref_slice %arg4[%add3A_843, %dma_start3A_854] : memref<6400x128xi32, #tpu.memory_space<hbm>> -> memref<1x128xi32, #tpu.memory_space<hbm>>
        %dma_start3A_856 = tpu.memref_squeeze %dma_start3A_855 : memref<1x128xi32, #tpu.memory_space<hbm>> -> memref<128xi32, #tpu.memory_space<hbm>>
        tpu.enqueue_dma source(%dma_start3A_856 : memref<128xi32, #tpu.memory_space<hbm>>) target(%dma_start3A_853 : memref<128xi32, #tpu.memory_space<vmem>>) target_semaphore(%arg18 : memref<!tpu.dma_semaphore, #tpu.memory_space<semaphore_mem>>)
      } else {
      }
      %ge3A_484 = arith.constant 2 : i32
      %ge3A_485 = arith.cmpi sge, %add3A_451, %ge3A_484 : i32
      %convert_element_type3A_486 = arith.extui %ge3A_485 : i1 to i32
      %cond3A_487 = arith.constant 0 : i32
      %cond3A_488 = arith.cmpi ne, %convert_element_type3A_486, %cond3A_487 : i32
      scf.if %cond3A_488 {
        %sub3A_828 = arith.constant 2 : i32
        %sub3A_829 = arith.subi %add3A_451, %sub3A_828 : i32
        %add3A_830 = arith.addi %mul3A_2, %sub3A_829 : i32
        %jit3A_831 = arith.constant 32 : i32
        %div3A_832 = arith.divsi %add3A_830, %jit3A_831 : i32
        %sign3A_833 = arith.constant 0 : i32
        %sign3A_834 = arith.cmpi sgt, %add3A_830, %sign3A_833 : i32
        %sign3A_835 = arith.extui %sign3A_834 : i1 to i32
        %sign3A_836 = arith.constant 0 : i32
        %sign3A_837 = arith.cmpi slt, %add3A_830, %sign3A_836 : i32
        %sign3A_838 = arith.extui %sign3A_837 : i1 to i32
        %sign3A_839 = arith.subi %sign3A_835, %sign3A_838 : i32
        %sign3A_840 = arith.constant 0 : i32
        %sign3A_841 = arith.cmpi sgt, %jit3A_831, %sign3A_840 : i32
        %sign3A_842 = arith.extui %sign3A_841 : i1 to i32
        %sign3A_843 = arith.constant 0 : i32
        %sign3A_844 = arith.cmpi slt, %jit3A_831, %sign3A_843 : i32
        %sign3A_845 = arith.extui %sign3A_844 : i1 to i32
        %sign3A_846 = arith.subi %sign3A_842, %sign3A_845 : i32
        %ne3A_847 = arith.cmpi ne, %sign3A_839, %sign3A_846 : i32
        %rem3A_848 = arith.remsi %add3A_830, %jit3A_831 : i32
        %ne3A_849 = arith.constant 0 : i32
        %ne3A_850 = arith.cmpi ne, %rem3A_848, %ne3A_849 : i32
        %and3A_851 = arith.andi %ne3A_847, %ne3A_850 : i1
        %sub3A_852 = arith.constant 1 : i32
        %sub3A_853 = arith.subi %div3A_832, %sub3A_852 : i32
        %select_n3A_854 = arith.select %and3A_851, %sub3A_853, %div3A_832 : i32
        %rem3A_855 = arith.constant 32 : i32
        %rem3A_856 = arith.remsi %add3A_830, %rem3A_855 : i32
        %dma_wait3A_857 = arith.constant 1 : i32
        %dma_wait3A_858 = arith.constant 0 : i32
        %dma_wait3A_859 = arith.constant 0 : i32
        %dma_wait3A_860 = arith.constant 0 : i32
        %dma_wait3A_861 = tpu.memref_slice %arg11[%dma_wait3A_857, %dma_wait3A_858, %dma_wait3A_859, %dma_wait3A_860] : memref<2x8x8x129xf32, #tpu.memory_space<vmem>> -> memref<1x8x8x128xf32, #tpu.memory_space<vmem>>
        %dma_wait3A_862 = tpu.memref_squeeze %dma_wait3A_861 : memref<1x8x8x128xf32, #tpu.memory_space<vmem>> -> memref<8x8x128xf32, #tpu.memory_space<vmem>>
        %dma_wait3A_863 = arith.constant 0 : i32
        %dma_wait3A_864 = arith.constant 0 : i32
        %dma_wait3A_865 = arith.constant 0 : i32
        %dma_wait3A_866 = tpu.memref_slice %arg6[%select_n3A_854, %dma_wait3A_863, %rem3A_856, %dma_wait3A_864, %dma_wait3A_865] : memref<200x8x32x8x128xf32, #tpu.memory_space<hbm>> -> memref<1x8x1x8x128xf32, #tpu.memory_space<hbm>>
        %dma_wait3A_867 = tpu.memref_squeeze %dma_wait3A_866 : memref<1x8x1x8x128xf32, #tpu.memory_space<hbm>> -> memref<8x8x128xf32, #tpu.memory_space<hbm>>
        %dma_wait3A_868 = arith.constant 0 : i32
        %dma_wait3A_869 = arith.constant 0 : i32
        %dma_wait3A_870 = arith.constant 0 : i32
        %dma_wait3A_871 = tpu.memref_slice %arg6[%select_n3A_854, %dma_wait3A_868, %rem3A_856, %dma_wait3A_869, %dma_wait3A_870] : memref<200x8x32x8x128xf32, #tpu.memory_space<hbm>> -> memref<1x8x1x8x128xf32, #tpu.memory_space<hbm>>
        %dma_wait3A_872 = tpu.memref_squeeze %dma_wait3A_871 : memref<1x8x1x8x128xf32, #tpu.memory_space<hbm>> -> memref<8x8x128xf32, #tpu.memory_space<hbm>>
        %dma_wait3A_873 = arith.constant 0 : i32
        %dma_wait3A_874 = arith.constant 0 : i32
        %dma_wait3A_875 = arith.constant 0 : i32
        %dma_wait3A_876 = tpu.memref_slice %arg11[%dma_wait3A_857, %dma_wait3A_873, %dma_wait3A_874, %dma_wait3A_875] : memref<2x8x8x129xf32, #tpu.memory_space<vmem>> -> memref<1x8x8x128xf32, #tpu.memory_space<vmem>>
        %dma_wait3A_877 = tpu.memref_squeeze %dma_wait3A_876 : memref<1x8x8x128xf32, #tpu.memory_space<vmem>> -> memref<8x8x128xf32, #tpu.memory_space<vmem>>
        tpu.wait_dma2 semaphore(%arg17 : memref<!tpu.dma_semaphore, #tpu.memory_space<semaphore_mem>>) src(%dma_wait3A_877 : memref<8x8x128xf32, #tpu.memory_space<vmem>>) dst(%dma_wait3A_872 : memref<8x8x128xf32, #tpu.memory_space<hbm>>)
      } else {
      }
      %add3A_489 = arith.addi %mul3A_2, %add3A_451 : i32
      %add3A_490 = arith.constant 1 : i32
      %add3A_491 = vector.broadcast %add3A_490 : i32 to vector<16xi32>
      %add3A_492 = arith.addi %broadcast_in_dim3A_143, %add3A_491 : vector<16xi32>
      %jit3A_493 = arith.constant 32 : i32
      %div3A_494 = arith.divsi %add3A_489, %jit3A_493 : i32
      %sign3A_495 = arith.constant 0 : i32
      %sign3A_496 = arith.cmpi sgt, %add3A_489, %sign3A_495 : i32
      %sign3A_497 = arith.extui %sign3A_496 : i1 to i32
      %sign3A_498 = arith.constant 0 : i32
      %sign3A_499 = arith.cmpi slt, %add3A_489, %sign3A_498 : i32
      %sign3A_500 = arith.extui %sign3A_499 : i1 to i32
      %sign3A_501 = arith.subi %sign3A_497, %sign3A_500 : i32
      %sign3A_502 = arith.constant 0 : i32
      %sign3A_503 = arith.cmpi sgt, %jit3A_493, %sign3A_502 : i32
      %sign3A_504 = arith.extui %sign3A_503 : i1 to i32
      %sign3A_505 = arith.constant 0 : i32
      %sign3A_506 = arith.cmpi slt, %jit3A_493, %sign3A_505 : i32
      %sign3A_507 = arith.extui %sign3A_506 : i1 to i32
      %sign3A_508 = arith.subi %sign3A_504, %sign3A_507 : i32
      %ne3A_509 = arith.cmpi ne, %sign3A_501, %sign3A_508 : i32
      %rem3A_510 = arith.remsi %add3A_489, %jit3A_493 : i32
      %ne3A_511 = arith.constant 0 : i32
      %ne3A_512 = arith.cmpi ne, %rem3A_510, %ne3A_511 : i32
      %and3A_513 = arith.andi %ne3A_509, %ne3A_512 : i1
      %sub3A_514 = arith.constant 1 : i32
      %sub3A_515 = arith.subi %div3A_494, %sub3A_514 : i32
      %select_n3A_516 = arith.select %and3A_513, %sub3A_515, %div3A_494 : i32
      %add3A_517 = vector.broadcast %select_n3A_516 : i32 to vector<16xi32>
      %add3A_518 = arith.addi %broadcast_in_dim3A_143, %add3A_517 : vector<16xi32>
      %gather3A_519 = tpu.vector_load_idx %arg7[%add3A_518, %add3A_5] : memref<200x64xf32, #tpu.memory_space<vmem>>[vector<16xi32>, vector<16xi32>], vector<16xf32>,
      %gather3A_520 = tpu.vector_load_idx %arg7[%add3A_518, %add3A_8] : memref<200x64xf32, #tpu.memory_space<vmem>>[vector<16xi32>, vector<16xi32>], vector<16xf32>,
      %gather3A_521 = tpu.vector_load_idx %arg7[%add3A_518, %add3A_11] : memref<200x64xf32, #tpu.memory_space<vmem>>[vector<16xi32>, vector<16xi32>], vector<16xf32>,
      %gather3A_522 = tpu.vector_load_idx %arg7[%add3A_518, %add3A_14] : memref<200x64xf32, #tpu.memory_space<vmem>>[vector<16xi32>, vector<16xi32>], vector<16xf32>,
      %parallel_loop3A_523 = arith.constant 0 : i32
      %parallel_loop3A_524 = arith.constant 128 : i32
      %parallel_loop3A_525 = arith.constant 1 : i32
      %parallel_loop3A_526 = arith.constant 1 : i32
      %parallel_loop3A_527 = arith.constant 1 : i32
      scf.for %parallel_loop3A_828 = %parallel_loop3A_523 to %parallel_loop3A_524 step %parallel_loop3A_525  : i32 {
        %parallel_loop3A_829 = vector.broadcast %parallel_loop3A_828 : i32 to vector<16xi32>
        %parallel_loop3A_830 = arith.addi %broadcast_in_dim3A_143, %parallel_loop3A_829 : vector<16xi32>
        %parallel_loop3A_831 = tpu.vector_load_idx %arg9[%add3A_492, %parallel_loop3A_830] : memref<4x128xi32, #tpu.memory_space<vmem>>[vector<16xi32>, vector<16xi32>], vector<16xi32>,
        %parallel_loop3A_832 = arith.addi %add3A_5, %parallel_loop3A_831 : vector<16xi32>
        %parallel_loop3A_833 = arith.constant 0 : i32
        %parallel_loop3A_834 = arith.constant 0 : i32
        %parallel_loop3A_835 = tpu.memref_slice %arg10[%parallel_loop3A_526, %parallel_loop3A_833, %parallel_loop3A_834] : memref<4x128x128xf32, #tpu.memory_space<vmem>> -> memref<1x128x128xf32, #tpu.memory_space<vmem>>
        %parallel_loop3A_836 = tpu.memref_squeeze %parallel_loop3A_835 : memref<1x128x128xf32, #tpu.memory_space<vmem>> -> memref<128x128xf32, #tpu.memory_space<vmem>>
        %parallel_loop3A_837 = tpu.vector_load_idx %parallel_loop3A_836[%parallel_loop3A_830, %parallel_loop3A_832] : memref<128x128xf32, #tpu.memory_space<vmem>>[vector<16xi32>, vector<16xi32>], vector<16xf32>,
        %parallel_loop3A_838 = arith.addf %parallel_loop3A_837, %gather3A_519 : vector<16xf32>
        %parallel_loop3A_839 = arith.constant 0 : i32
        %parallel_loop3A_840 = arith.constant 0 : i32
        %parallel_loop3A_841 = arith.constant 0 : i32
        %parallel_loop3A_842 = tpu.memref_slice %arg11[%parallel_loop3A_527, %parallel_loop3A_839, %parallel_loop3A_840, %parallel_loop3A_841] : memref<2x8x8x129xf32, #tpu.memory_space<vmem>> -> memref<1x8x8x129xf32, #tpu.memory_space<vmem>>
        %parallel_loop3A_843 = tpu.memref_squeeze %parallel_loop3A_842 : memref<1x8x8x129xf32, #tpu.memory_space<vmem>> -> memref<8x8x129xf32, #tpu.memory_space<vmem>>
        tpu.vector_store_idx %parallel_loop3A_843[%select_n3A, %rem3A_133, %parallel_loop3A_830], %parallel_loop3A_838 : memref<8x8x129xf32, #tpu.memory_space<vmem>>[vector<16xi32>, vector<16xi32>, vector<16xi32>], vector<16xf32>,
        %parallel_loop3A_844 = arith.addi %add3A_8, %parallel_loop3A_831 : vector<16xi32>
        %parallel_loop3A_845 = arith.constant 0 : i32
        %parallel_loop3A_846 = arith.constant 0 : i32
        %parallel_loop3A_847 = tpu.memref_slice %arg10[%parallel_loop3A_526, %parallel_loop3A_845, %parallel_loop3A_846] : memref<4x128x128xf32, #tpu.memory_space<vmem>> -> memref<1x128x128xf32, #tpu.memory_space<vmem>>
        %parallel_loop3A_848 = tpu.memref_squeeze %parallel_loop3A_847 : memref<1x128x128xf32, #tpu.memory_space<vmem>> -> memref<128x128xf32, #tpu.memory_space<vmem>>
        %parallel_loop3A_849 = tpu.vector_load_idx %parallel_loop3A_848[%parallel_loop3A_830, %parallel_loop3A_844] : memref<128x128xf32, #tpu.memory_space<vmem>>[vector<16xi32>, vector<16xi32>], vector<16xf32>,
        %parallel_loop3A_850 = arith.addf %parallel_loop3A_849, %gather3A_520 : vector<16xf32>
        %parallel_loop3A_851 = arith.constant 0 : i32
        %parallel_loop3A_852 = arith.constant 0 : i32
        %parallel_loop3A_853 = arith.constant 0 : i32
        %parallel_loop3A_854 = tpu.memref_slice %arg11[%parallel_loop3A_527, %parallel_loop3A_851, %parallel_loop3A_852, %parallel_loop3A_853] : memref<2x8x8x129xf32, #tpu.memory_space<vmem>> -> memref<1x8x8x129xf32, #tpu.memory_space<vmem>>
        %parallel_loop3A_855 = tpu.memref_squeeze %parallel_loop3A_854 : memref<1x8x8x129xf32, #tpu.memory_space<vmem>> -> memref<8x8x129xf32, #tpu.memory_space<vmem>>
        tpu.vector_store_idx %parallel_loop3A_855[%select_n3A_68, %rem3A_136, %parallel_loop3A_830], %parallel_loop3A_850 : memref<8x8x129xf32, #tpu.memory_space<vmem>>[vector<16xi32>, vector<16xi32>, vector<16xi32>], vector<16xf32>,
        %parallel_loop3A_856 = arith.addi %add3A_11, %parallel_loop3A_831 : vector<16xi32>
        %parallel_loop3A_857 = arith.constant 0 : i32
        %parallel_loop3A_858 = arith.constant 0 : i32
        %parallel_loop3A_859 = tpu.memref_slice %arg10[%parallel_loop3A_526, %parallel_loop3A_857, %parallel_loop3A_858] : memref<4x128x128xf32, #tpu.memory_space<vmem>> -> memref<1x128x128xf32, #tpu.memory_space<vmem>>
        %parallel_loop3A_860 = tpu.memref_squeeze %parallel_loop3A_859 : memref<1x128x128xf32, #tpu.memory_space<vmem>> -> memref<128x128xf32, #tpu.memory_space<vmem>>
        %parallel_loop3A_861 = tpu.vector_load_idx %parallel_loop3A_860[%parallel_loop3A_830, %parallel_loop3A_856] : memref<128x128xf32, #tpu.memory_space<vmem>>[vector<16xi32>, vector<16xi32>], vector<16xf32>,
        %parallel_loop3A_862 = arith.addf %parallel_loop3A_861, %gather3A_521 : vector<16xf32>
        %parallel_loop3A_863 = arith.constant 0 : i32
        %parallel_loop3A_864 = arith.constant 0 : i32
        %parallel_loop3A_865 = arith.constant 0 : i32
        %parallel_loop3A_866 = tpu.memref_slice %arg11[%parallel_loop3A_527, %parallel_loop3A_863, %parallel_loop3A_864, %parallel_loop3A_865] : memref<2x8x8x129xf32, #tpu.memory_space<vmem>> -> memref<1x8x8x129xf32, #tpu.memory_space<vmem>>
        %parallel_loop3A_867 = tpu.memref_squeeze %parallel_loop3A_866 : memref<1x8x8x129xf32, #tpu.memory_space<vmem>> -> memref<8x8x129xf32, #tpu.memory_space<vmem>>
        tpu.vector_store_idx %parallel_loop3A_867[%select_n3A_99, %rem3A_139, %parallel_loop3A_830], %parallel_loop3A_862 : memref<8x8x129xf32, #tpu.memory_space<vmem>>[vector<16xi32>, vector<16xi32>, vector<16xi32>], vector<16xf32>,
        %parallel_loop3A_868 = arith.addi %add3A_14, %parallel_loop3A_831 : vector<16xi32>
        %parallel_loop3A_869 = arith.constant 0 : i32
        %parallel_loop3A_870 = arith.constant 0 : i32
        %parallel_loop3A_871 = tpu.memref_slice %arg10[%parallel_loop3A_526, %parallel_loop3A_869, %parallel_loop3A_870] : memref<4x128x128xf32, #tpu.memory_space<vmem>> -> memref<1x128x128xf32, #tpu.memory_space<vmem>>
        %parallel_loop3A_872 = tpu.memref_squeeze %parallel_loop3A_871 : memref<1x128x128xf32, #tpu.memory_space<vmem>> -> memref<128x128xf32, #tpu.memory_space<vmem>>
        %parallel_loop3A_873 = tpu.vector_load_idx %parallel_loop3A_872[%parallel_loop3A_830, %parallel_loop3A_868] : memref<128x128xf32, #tpu.memory_space<vmem>>[vector<16xi32>, vector<16xi32>], vector<16xf32>,
        %parallel_loop3A_874 = arith.addf %parallel_loop3A_873, %gather3A_522 : vector<16xf32>
        %parallel_loop3A_875 = arith.constant 0 : i32
        %parallel_loop3A_876 = arith.constant 0 : i32
        %parallel_loop3A_877 = arith.constant 0 : i32
        %parallel_loop3A_878 = tpu.memref_slice %arg11[%parallel_loop3A_527, %parallel_loop3A_875, %parallel_loop3A_876, %parallel_loop3A_877] : memref<2x8x8x129xf32, #tpu.memory_space<vmem>> -> memref<1x8x8x129xf32, #tpu.memory_space<vmem>>
        %parallel_loop3A_879 = tpu.memref_squeeze %parallel_loop3A_878 : memref<1x8x8x129xf32, #tpu.memory_space<vmem>> -> memref<8x8x129xf32, #tpu.memory_space<vmem>>
        tpu.vector_store_idx %parallel_loop3A_879[%select_n3A_130, %rem3A_142, %parallel_loop3A_830], %parallel_loop3A_874 : memref<8x8x129xf32, #tpu.memory_space<vmem>>[vector<16xi32>, vector<16xi32>, vector<16xi32>], vector<16xf32>,
      } {sc.loop_unroll_factor = 8 : i64, sc.parallel_access}
      %add3A_528 = arith.addi %mul3A_2, %add3A_451 : i32
      %jit3A_529 = arith.constant 32 : i32
      %div3A_530 = arith.divsi %add3A_528, %jit3A_529 : i32
      %sign3A_531 = arith.constant 0 : i32
      %sign3A_532 = arith.cmpi sgt, %add3A_528, %sign3A_531 : i32
      %sign3A_533 = arith.extui %sign3A_532 : i1 to i32
      %sign3A_534 = arith.constant 0 : i32
      %sign3A_535 = arith.cmpi slt, %add3A_528, %sign3A_534 : i32
      %sign3A_536 = arith.extui %sign3A_535 : i1 to i32
      %sign3A_537 = arith.subi %sign3A_533, %sign3A_536 : i32
      %sign3A_538 = arith.constant 0 : i32
      %sign3A_539 = arith.cmpi sgt, %jit3A_529, %sign3A_538 : i32
      %sign3A_540 = arith.extui %sign3A_539 : i1 to i32
      %sign3A_541 = arith.constant 0 : i32
      %sign3A_542 = arith.cmpi slt, %jit3A_529, %sign3A_541 : i32
      %sign3A_543 = arith.extui %sign3A_542 : i1 to i32
      %sign3A_544 = arith.subi %sign3A_540, %sign3A_543 : i32
      %ne3A_545 = arith.cmpi ne, %sign3A_537, %sign3A_544 : i32
      %rem3A_546 = arith.remsi %add3A_528, %jit3A_529 : i32
      %ne3A_547 = arith.constant 0 : i32
      %ne3A_548 = arith.cmpi ne, %rem3A_546, %ne3A_547 : i32
      %and3A_549 = arith.andi %ne3A_545, %ne3A_548 : i1
      %sub3A_550 = arith.constant 1 : i32
      %sub3A_551 = arith.subi %div3A_530, %sub3A_550 : i32
      %select_n3A_552 = arith.select %and3A_549, %sub3A_551, %div3A_530 : i32
      %rem3A_553 = arith.constant 32 : i32
      %rem3A_554 = arith.remsi %add3A_528, %rem3A_553 : i32
      %dma_start3A_555 = arith.constant 1 : i32
      %dma_start3A_556 = arith.constant 0 : i32
      %dma_start3A_557 = arith.constant 0 : i32
      %dma_start3A_558 = arith.constant 0 : i32
      %dma_start3A_559 = tpu.memref_slice %arg11[%dma_start3A_555, %dma_start3A_556, %dma_start3A_557, %dma_start3A_558] : memref<2x8x8x129xf32, #tpu.memory_space<vmem>> -> memref<1x8x8x128xf32, #tpu.memory_space<vmem>>
      %dma_start3A_560 = tpu.memref_squeeze %dma_start3A_559 : memref<1x8x8x128xf32, #tpu.memory_space<vmem>> -> memref<8x8x128xf32, #tpu.memory_space<vmem>>
      %dma_start3A_561 = arith.constant 0 : i32
      %dma_start3A_562 = arith.constant 0 : i32
      %dma_start3A_563 = arith.constant 0 : i32
      %dma_start3A_564 = tpu.memref_slice %arg6[%select_n3A_552, %dma_start3A_561, %rem3A_554, %dma_start3A_562, %dma_start3A_563] : memref<200x8x32x8x128xf32, #tpu.memory_space<hbm>> -> memref<1x8x1x8x128xf32, #tpu.memory_space<hbm>>
      %dma_start3A_565 = tpu.memref_squeeze %dma_start3A_564 : memref<1x8x1x8x128xf32, #tpu.memory_space<hbm>> -> memref<8x8x128xf32, #tpu.memory_space<hbm>>
      %dma_start3A_566 = arith.constant 0 : i32
      %dma_start3A_567 = arith.constant 0 : i32
      %dma_start3A_568 = arith.constant 0 : i32
      %dma_start3A_569 = tpu.memref_slice %arg6[%select_n3A_552, %dma_start3A_566, %rem3A_554, %dma_start3A_567, %dma_start3A_568] : memref<200x8x32x8x128xf32, #tpu.memory_space<hbm>> -> memref<1x8x1x8x128xf32, #tpu.memory_space<hbm>>
      %dma_start3A_570 = tpu.memref_squeeze %dma_start3A_569 : memref<1x8x1x8x128xf32, #tpu.memory_space<hbm>> -> memref<8x8x128xf32, #tpu.memory_space<hbm>>
      %dma_start3A_571 = arith.constant 0 : i32
      %dma_start3A_572 = arith.constant 0 : i32
      %dma_start3A_573 = arith.constant 0 : i32
      %dma_start3A_574 = tpu.memref_slice %arg11[%dma_start3A_555, %dma_start3A_571, %dma_start3A_572, %dma_start3A_573] : memref<2x8x8x129xf32, #tpu.memory_space<vmem>> -> memref<1x8x8x128xf32, #tpu.memory_space<vmem>>
      %dma_start3A_575 = tpu.memref_squeeze %dma_start3A_574 : memref<1x8x8x128xf32, #tpu.memory_space<vmem>> -> memref<8x8x128xf32, #tpu.memory_space<vmem>>
      tpu.enqueue_dma source(%dma_start3A_575 : memref<8x8x128xf32, #tpu.memory_space<vmem>>) target(%dma_start3A_570 : memref<8x8x128xf32, #tpu.memory_space<hbm>>) target_semaphore(%arg17 : memref<!tpu.dma_semaphore, #tpu.memory_space<semaphore_mem>>)
      %add3A_576 = arith.constant 2 : i32
      %add3A_577 = arith.addi %add3A_329, %add3A_576 : i32
      %dma_wait3A_578 = arith.constant 2 : i32
      %dma_wait3A_579 = arith.constant 0 : i32
      %dma_wait3A_580 = arith.constant 0 : i32
      %dma_wait3A_581 = tpu.memref_slice %arg10[%dma_wait3A_578, %dma_wait3A_579, %dma_wait3A_580] : memref<4x128x128xf32, #tpu.memory_space<vmem>> -> memref<1x128x128xf32, #tpu.memory_space<vmem>>
      %dma_wait3A_582 = tpu.memref_squeeze %dma_wait3A_581 : memref<1x128x128xf32, #tpu.memory_space<vmem>> -> memref<128x128xf32, #tpu.memory_space<vmem>>
      %dma_wait3A_583 = arith.constant 0 : i32
      %dma_wait3A_584 = tpu.memref_slice %arg8[%add3A_577, %dma_wait3A_583] : memref<200x128xi32, #tpu.memory_space<vmem>> -> memref<1x128xi32, #tpu.memory_space<vmem>>
      %dma_wait3A_585 = tpu.memref_squeeze %dma_wait3A_584 : memref<1x128xi32, #tpu.memory_space<vmem>> -> memref<128xi32, #tpu.memory_space<vmem>>
      %dma_wait3A_586 = arith.constant 0 : i32
      %dma_wait3A_587 = arith.constant 0 : i32
      %dma_wait3A_588 = tpu.memref_slice %arg2[%dma_wait3A_586, %dma_wait3A_587] : memref<507904x128xf32, #tpu.memory_space<hbm>> -> memref<507904x128xf32, #tpu.memory_space<hbm>>
      tpu.wait_indirect_dma semaphore(%arg14 : memref<!tpu.dma_semaphore, #tpu.memory_space<semaphore_mem>>) src(%dma_wait3A_588 : memref<507904x128xf32, #tpu.memory_space<hbm>>) dst(%dma_wait3A_582 : memref<128x128xf32, #tpu.memory_space<vmem>>)
      %add3A_589 = arith.addi %mul3A_2, %add3A_577 : i32
      %dma_wait3A_590 = arith.constant 2 : i32
      %dma_wait3A_591 = arith.constant 0 : i32
      %dma_wait3A_592 = tpu.memref_slice %arg9[%dma_wait3A_590, %dma_wait3A_591] : memref<4x128xi32, #tpu.memory_space<vmem>> -> memref<1x128xi32, #tpu.memory_space<vmem>>
      %dma_wait3A_593 = tpu.memref_squeeze %dma_wait3A_592 : memref<1x128xi32, #tpu.memory_space<vmem>> -> memref<128xi32, #tpu.memory_space<vmem>>
      %dma_wait3A_594 = arith.constant 0 : i32
      %dma_wait3A_595 = tpu.memref_slice %arg4[%add3A_589, %dma_wait3A_594] : memref<6400x128xi32, #tpu.memory_space<hbm>> -> memref<1x128xi32, #tpu.memory_space<hbm>>
      %dma_wait3A_596 = tpu.memref_squeeze %dma_wait3A_595 : memref<1x128xi32, #tpu.memory_space<hbm>> -> memref<128xi32, #tpu.memory_space<hbm>>
      %dma_wait3A_597 = arith.constant 0 : i32
      %dma_wait3A_598 = tpu.memref_slice %arg9[%dma_wait3A_590, %dma_wait3A_597] : memref<4x128xi32, #tpu.memory_space<vmem>> -> memref<1x128xi32, #tpu.memory_space<vmem>>
      %dma_wait3A_599 = tpu.memref_squeeze %dma_wait3A_598 : memref<1x128xi32, #tpu.memory_space<vmem>> -> memref<128xi32, #tpu.memory_space<vmem>>
      %dma_wait3A_600 = arith.constant 0 : i32
      %dma_wait3A_601 = tpu.memref_slice %arg4[%add3A_589, %dma_wait3A_600] : memref<6400x128xi32, #tpu.memory_space<hbm>> -> memref<1x128xi32, #tpu.memory_space<hbm>>
      %dma_wait3A_602 = tpu.memref_squeeze %dma_wait3A_601 : memref<1x128xi32, #tpu.memory_space<hbm>> -> memref<128xi32, #tpu.memory_space<hbm>>
      tpu.wait_dma2 semaphore(%arg20 : memref<!tpu.dma_semaphore, #tpu.memory_space<semaphore_mem>>) src(%dma_wait3A_602 : memref<128xi32, #tpu.memory_space<hbm>>) dst(%dma_wait3A_599 : memref<128xi32, #tpu.memory_space<vmem>>)
      %add3A_603 = arith.constant 3 : i32
      %add3A_604 = arith.addi %add3A_577, %add3A_603 : i32
      %lt3A_605 = arith.constant 200 : i32
      %lt3A_606 = arith.cmpi slt, %add3A_604, %lt3A_605 : i32
      %convert_element_type3A_607 = arith.extui %lt3A_606 : i1 to i32
      %cond3A_608 = arith.constant 0 : i32
      %cond3A_609 = arith.cmpi ne, %convert_element_type3A_607, %cond3A_608 : i32
      scf.if %cond3A_609 {
        %add3A_828 = arith.constant 3 : i32
        %add3A_829 = arith.addi %add3A_577, %add3A_828 : i32
        %dma_start3A_830 = arith.constant 1 : i32
        %dma_start3A_831 = arith.constant 0 : i32
        %dma_start3A_832 = arith.constant 0 : i32
        %dma_start3A_833 = tpu.memref_slice %arg10[%dma_start3A_830, %dma_start3A_831, %dma_start3A_832] : memref<4x128x128xf32, #tpu.memory_space<vmem>> -> memref<1x128x128xf32, #tpu.memory_space<vmem>>
        %dma_start3A_834 = tpu.memref_squeeze %dma_start3A_833 : memref<1x128x128xf32, #tpu.memory_space<vmem>> -> memref<128x128xf32, #tpu.memory_space<vmem>>
        %dma_start3A_835 = arith.constant 0 : i32
        %dma_start3A_836 = tpu.memref_slice %arg8[%add3A_829, %dma_start3A_835] : memref<200x128xi32, #tpu.memory_space<vmem>> -> memref<1x128xi32, #tpu.memory_space<vmem>>
        %dma_start3A_837 = tpu.memref_squeeze %dma_start3A_836 : memref<1x128xi32, #tpu.memory_space<vmem>> -> memref<128xi32, #tpu.memory_space<vmem>>
        %dma_start3A_838 = arith.constant 0 : i32
        %dma_start3A_839 = arith.constant 0 : i32
        %dma_start3A_840 = tpu.memref_slice %arg2[%dma_start3A_838, %dma_start3A_839] : memref<507904x128xf32, #tpu.memory_space<hbm>> -> memref<507904x128xf32, #tpu.memory_space<hbm>>
        tpu.enqueue_indirect_dma source(%dma_start3A_840 : memref<507904x128xf32, #tpu.memory_space<hbm>>) target(%dma_start3A_834 : memref<128x128xf32, #tpu.memory_space<vmem>>) offsets(%dma_start3A_837 : memref<128xi32, #tpu.memory_space<vmem>>) semaphore(%arg13 : memref<!tpu.dma_semaphore, #tpu.memory_space<semaphore_mem>>)
        %add3A_841 = arith.constant 3 : i32
        %add3A_842 = arith.addi %add3A_577, %add3A_841 : i32
        %add3A_843 = arith.addi %mul3A_2, %add3A_842 : i32
        %dma_start3A_844 = arith.constant 1 : i32
        %dma_start3A_845 = arith.constant 0 : i32
        %dma_start3A_846 = tpu.memref_slice %arg9[%dma_start3A_844, %dma_start3A_845] : memref<4x128xi32, #tpu.memory_space<vmem>> -> memref<1x128xi32, #tpu.memory_space<vmem>>
        %dma_start3A_847 = tpu.memref_squeeze %dma_start3A_846 : memref<1x128xi32, #tpu.memory_space<vmem>> -> memref<128xi32, #tpu.memory_space<vmem>>
        %dma_start3A_848 = arith.constant 0 : i32
        %dma_start3A_849 = tpu.memref_slice %arg4[%add3A_843, %dma_start3A_848] : memref<6400x128xi32, #tpu.memory_space<hbm>> -> memref<1x128xi32, #tpu.memory_space<hbm>>
        %dma_start3A_850 = tpu.memref_squeeze %dma_start3A_849 : memref<1x128xi32, #tpu.memory_space<hbm>> -> memref<128xi32, #tpu.memory_space<hbm>>
        %dma_start3A_851 = arith.constant 0 : i32
        %dma_start3A_852 = tpu.memref_slice %arg9[%dma_start3A_844, %dma_start3A_851] : memref<4x128xi32, #tpu.memory_space<vmem>> -> memref<1x128xi32, #tpu.memory_space<vmem>>
        %dma_start3A_853 = tpu.memref_squeeze %dma_start3A_852 : memref<1x128xi32, #tpu.memory_space<vmem>> -> memref<128xi32, #tpu.memory_space<vmem>>
        %dma_start3A_854 = arith.constant 0 : i32
        %dma_start3A_855 = tpu.memref_slice %arg4[%add3A_843, %dma_start3A_854] : memref<6400x128xi32, #tpu.memory_space<hbm>> -> memref<1x128xi32, #tpu.memory_space<hbm>>
        %dma_start3A_856 = tpu.memref_squeeze %dma_start3A_855 : memref<1x128xi32, #tpu.memory_space<hbm>> -> memref<128xi32, #tpu.memory_space<hbm>>
        tpu.enqueue_dma source(%dma_start3A_856 : memref<128xi32, #tpu.memory_space<hbm>>) target(%dma_start3A_853 : memref<128xi32, #tpu.memory_space<vmem>>) target_semaphore(%arg19 : memref<!tpu.dma_semaphore, #tpu.memory_space<semaphore_mem>>)
      } else {
      }
      %ge3A_610 = arith.constant 2 : i32
      %ge3A_611 = arith.cmpi sge, %add3A_577, %ge3A_610 : i32
      %convert_element_type3A_612 = arith.extui %ge3A_611 : i1 to i32
      %cond3A_613 = arith.constant 0 : i32
      %cond3A_614 = arith.cmpi ne, %convert_element_type3A_612, %cond3A_613 : i32
      scf.if %cond3A_614 {
        %sub3A_828 = arith.constant 2 : i32
        %sub3A_829 = arith.subi %add3A_577, %sub3A_828 : i32
        %add3A_830 = arith.addi %mul3A_2, %sub3A_829 : i32
        %jit3A_831 = arith.constant 32 : i32
        %div3A_832 = arith.divsi %add3A_830, %jit3A_831 : i32
        %sign3A_833 = arith.constant 0 : i32
        %sign3A_834 = arith.cmpi sgt, %add3A_830, %sign3A_833 : i32
        %sign3A_835 = arith.extui %sign3A_834 : i1 to i32
        %sign3A_836 = arith.constant 0 : i32
        %sign3A_837 = arith.cmpi slt, %add3A_830, %sign3A_836 : i32
        %sign3A_838 = arith.extui %sign3A_837 : i1 to i32
        %sign3A_839 = arith.subi %sign3A_835, %sign3A_838 : i32
        %sign3A_840 = arith.constant 0 : i32
        %sign3A_841 = arith.cmpi sgt, %jit3A_831, %sign3A_840 : i32
        %sign3A_842 = arith.extui %sign3A_841 : i1 to i32
        %sign3A_843 = arith.constant 0 : i32
        %sign3A_844 = arith.cmpi slt, %jit3A_831, %sign3A_843 : i32
        %sign3A_845 = arith.extui %sign3A_844 : i1 to i32
        %sign3A_846 = arith.subi %sign3A_842, %sign3A_845 : i32
        %ne3A_847 = arith.cmpi ne, %sign3A_839, %sign3A_846 : i32
        %rem3A_848 = arith.remsi %add3A_830, %jit3A_831 : i32
        %ne3A_849 = arith.constant 0 : i32
        %ne3A_850 = arith.cmpi ne, %rem3A_848, %ne3A_849 : i32
        %and3A_851 = arith.andi %ne3A_847, %ne3A_850 : i1
        %sub3A_852 = arith.constant 1 : i32
        %sub3A_853 = arith.subi %div3A_832, %sub3A_852 : i32
        %select_n3A_854 = arith.select %and3A_851, %sub3A_853, %div3A_832 : i32
        %rem3A_855 = arith.constant 32 : i32
        %rem3A_856 = arith.remsi %add3A_830, %rem3A_855 : i32
        %dma_wait3A_857 = arith.constant 0 : i32
        %dma_wait3A_858 = arith.constant 0 : i32
        %dma_wait3A_859 = arith.constant 0 : i32
        %dma_wait3A_860 = arith.constant 0 : i32
        %dma_wait3A_861 = tpu.memref_slice %arg11[%dma_wait3A_857, %dma_wait3A_858, %dma_wait3A_859, %dma_wait3A_860] : memref<2x8x8x129xf32, #tpu.memory_space<vmem>> -> memref<1x8x8x128xf32, #tpu.memory_space<vmem>>
        %dma_wait3A_862 = tpu.memref_squeeze %dma_wait3A_861 : memref<1x8x8x128xf32, #tpu.memory_space<vmem>> -> memref<8x8x128xf32, #tpu.memory_space<vmem>>
        %dma_wait3A_863 = arith.constant 0 : i32
        %dma_wait3A_864 = arith.constant 0 : i32
        %dma_wait3A_865 = arith.constant 0 : i32
        %dma_wait3A_866 = tpu.memref_slice %arg6[%select_n3A_854, %dma_wait3A_863, %rem3A_856, %dma_wait3A_864, %dma_wait3A_865] : memref<200x8x32x8x128xf32, #tpu.memory_space<hbm>> -> memref<1x8x1x8x128xf32, #tpu.memory_space<hbm>>
        %dma_wait3A_867 = tpu.memref_squeeze %dma_wait3A_866 : memref<1x8x1x8x128xf32, #tpu.memory_space<hbm>> -> memref<8x8x128xf32, #tpu.memory_space<hbm>>
        %dma_wait3A_868 = arith.constant 0 : i32
        %dma_wait3A_869 = arith.constant 0 : i32
        %dma_wait3A_870 = arith.constant 0 : i32
        %dma_wait3A_871 = tpu.memref_slice %arg6[%select_n3A_854, %dma_wait3A_868, %rem3A_856, %dma_wait3A_869, %dma_wait3A_870] : memref<200x8x32x8x128xf32, #tpu.memory_space<hbm>> -> memref<1x8x1x8x128xf32, #tpu.memory_space<hbm>>
        %dma_wait3A_872 = tpu.memref_squeeze %dma_wait3A_871 : memref<1x8x1x8x128xf32, #tpu.memory_space<hbm>> -> memref<8x8x128xf32, #tpu.memory_space<hbm>>
        %dma_wait3A_873 = arith.constant 0 : i32
        %dma_wait3A_874 = arith.constant 0 : i32
        %dma_wait3A_875 = arith.constant 0 : i32
        %dma_wait3A_876 = tpu.memref_slice %arg11[%dma_wait3A_857, %dma_wait3A_873, %dma_wait3A_874, %dma_wait3A_875] : memref<2x8x8x129xf32, #tpu.memory_space<vmem>> -> memref<1x8x8x128xf32, #tpu.memory_space<vmem>>
        %dma_wait3A_877 = tpu.memref_squeeze %dma_wait3A_876 : memref<1x8x8x128xf32, #tpu.memory_space<vmem>> -> memref<8x8x128xf32, #tpu.memory_space<vmem>>
        tpu.wait_dma2 semaphore(%arg16 : memref<!tpu.dma_semaphore, #tpu.memory_space<semaphore_mem>>) src(%dma_wait3A_877 : memref<8x8x128xf32, #tpu.memory_space<vmem>>) dst(%dma_wait3A_872 : memref<8x8x128xf32, #tpu.memory_space<hbm>>)
      } else {
      }
      %add3A_615 = arith.addi %mul3A_2, %add3A_577 : i32
      %add3A_616 = arith.constant 2 : i32
      %add3A_617 = vector.broadcast %add3A_616 : i32 to vector<16xi32>
      %add3A_618 = arith.addi %broadcast_in_dim3A_143, %add3A_617 : vector<16xi32>
      %jit3A_619 = arith.constant 32 : i32
      %div3A_620 = arith.divsi %add3A_615, %jit3A_619 : i32
      %sign3A_621 = arith.constant 0 : i32
      %sign3A_622 = arith.cmpi sgt, %add3A_615, %sign3A_621 : i32
      %sign3A_623 = arith.extui %sign3A_622 : i1 to i32
      %sign3A_624 = arith.constant 0 : i32
      %sign3A_625 = arith.cmpi slt, %add3A_615, %sign3A_624 : i32
      %sign3A_626 = arith.extui %sign3A_625 : i1 to i32
      %sign3A_627 = arith.subi %sign3A_623, %sign3A_626 : i32
      %sign3A_628 = arith.constant 0 : i32
      %sign3A_629 = arith.cmpi sgt, %jit3A_619, %sign3A_628 : i32
      %sign3A_630 = arith.extui %sign3A_629 : i1 to i32
      %sign3A_631 = arith.constant 0 : i32
      %sign3A_632 = arith.cmpi slt, %jit3A_619, %sign3A_631 : i32
      %sign3A_633 = arith.extui %sign3A_632 : i1 to i32
      %sign3A_634 = arith.subi %sign3A_630, %sign3A_633 : i32
      %ne3A_635 = arith.cmpi ne, %sign3A_627, %sign3A_634 : i32
      %rem3A_636 = arith.remsi %add3A_615, %jit3A_619 : i32
      %ne3A_637 = arith.constant 0 : i32
      %ne3A_638 = arith.cmpi ne, %rem3A_636, %ne3A_637 : i32
      %and3A_639 = arith.andi %ne3A_635, %ne3A_638 : i1
      %sub3A_640 = arith.constant 1 : i32
      %sub3A_641 = arith.subi %div3A_620, %sub3A_640 : i32
      %select_n3A_642 = arith.select %and3A_639, %sub3A_641, %div3A_620 : i32
      %add3A_643 = vector.broadcast %select_n3A_642 : i32 to vector<16xi32>
      %add3A_644 = arith.addi %broadcast_in_dim3A_143, %add3A_643 : vector<16xi32>
      %gather3A_645 = tpu.vector_load_idx %arg7[%add3A_644, %add3A_5] : memref<200x64xf32, #tpu.memory_space<vmem>>[vector<16xi32>, vector<16xi32>], vector<16xf32>,
      %gather3A_646 = tpu.vector_load_idx %arg7[%add3A_644, %add3A_8] : memref<200x64xf32, #tpu.memory_space<vmem>>[vector<16xi32>, vector<16xi32>], vector<16xf32>,
      %gather3A_647 = tpu.vector_load_idx %arg7[%add3A_644, %add3A_11] : memref<200x64xf32, #tpu.memory_space<vmem>>[vector<16xi32>, vector<16xi32>], vector<16xf32>,
      %gather3A_648 = tpu.vector_load_idx %arg7[%add3A_644, %add3A_14] : memref<200x64xf32, #tpu.memory_space<vmem>>[vector<16xi32>, vector<16xi32>], vector<16xf32>,
      %parallel_loop3A_649 = arith.constant 0 : i32
      %parallel_loop3A_650 = arith.constant 128 : i32
      %parallel_loop3A_651 = arith.constant 1 : i32
      %parallel_loop3A_652 = arith.constant 2 : i32
      %parallel_loop3A_653 = arith.constant 0 : i32
      scf.for %parallel_loop3A_828 = %parallel_loop3A_649 to %parallel_loop3A_650 step %parallel_loop3A_651  : i32 {
        %parallel_loop3A_829 = vector.broadcast %parallel_loop3A_828 : i32 to vector<16xi32>
        %parallel_loop3A_830 = arith.addi %broadcast_in_dim3A_143, %parallel_loop3A_829 : vector<16xi32>
        %parallel_loop3A_831 = tpu.vector_load_idx %arg9[%add3A_618, %parallel_loop3A_830] : memref<4x128xi32, #tpu.memory_space<vmem>>[vector<16xi32>, vector<16xi32>], vector<16xi32>,
        %parallel_loop3A_832 = arith.addi %add3A_5, %parallel_loop3A_831 : vector<16xi32>
        %parallel_loop3A_833 = arith.constant 0 : i32
        %parallel_loop3A_834 = arith.constant 0 : i32
        %parallel_loop3A_835 = tpu.memref_slice %arg10[%parallel_loop3A_652, %parallel_loop3A_833, %parallel_loop3A_834] : memref<4x128x128xf32, #tpu.memory_space<vmem>> -> memref<1x128x128xf32, #tpu.memory_space<vmem>>
        %parallel_loop3A_836 = tpu.memref_squeeze %parallel_loop3A_835 : memref<1x128x128xf32, #tpu.memory_space<vmem>> -> memref<128x128xf32, #tpu.memory_space<vmem>>
        %parallel_loop3A_837 = tpu.vector_load_idx %parallel_loop3A_836[%parallel_loop3A_830, %parallel_loop3A_832] : memref<128x128xf32, #tpu.memory_space<vmem>>[vector<16xi32>, vector<16xi32>], vector<16xf32>,
        %parallel_loop3A_838 = arith.addf %parallel_loop3A_837, %gather3A_645 : vector<16xf32>
        %parallel_loop3A_839 = arith.constant 0 : i32
        %parallel_loop3A_840 = arith.constant 0 : i32
        %parallel_loop3A_841 = arith.constant 0 : i32
        %parallel_loop3A_842 = tpu.memref_slice %arg11[%parallel_loop3A_653, %parallel_loop3A_839, %parallel_loop3A_840, %parallel_loop3A_841] : memref<2x8x8x129xf32, #tpu.memory_space<vmem>> -> memref<1x8x8x129xf32, #tpu.memory_space<vmem>>
        %parallel_loop3A_843 = tpu.memref_squeeze %parallel_loop3A_842 : memref<1x8x8x129xf32, #tpu.memory_space<vmem>> -> memref<8x8x129xf32, #tpu.memory_space<vmem>>
        tpu.vector_store_idx %parallel_loop3A_843[%select_n3A, %rem3A_133, %parallel_loop3A_830], %parallel_loop3A_838 : memref<8x8x129xf32, #tpu.memory_space<vmem>>[vector<16xi32>, vector<16xi32>, vector<16xi32>], vector<16xf32>,
        %parallel_loop3A_844 = arith.addi %add3A_8, %parallel_loop3A_831 : vector<16xi32>
        %parallel_loop3A_845 = arith.constant 0 : i32
        %parallel_loop3A_846 = arith.constant 0 : i32
        %parallel_loop3A_847 = tpu.memref_slice %arg10[%parallel_loop3A_652, %parallel_loop3A_845, %parallel_loop3A_846] : memref<4x128x128xf32, #tpu.memory_space<vmem>> -> memref<1x128x128xf32, #tpu.memory_space<vmem>>
        %parallel_loop3A_848 = tpu.memref_squeeze %parallel_loop3A_847 : memref<1x128x128xf32, #tpu.memory_space<vmem>> -> memref<128x128xf32, #tpu.memory_space<vmem>>
        %parallel_loop3A_849 = tpu.vector_load_idx %parallel_loop3A_848[%parallel_loop3A_830, %parallel_loop3A_844] : memref<128x128xf32, #tpu.memory_space<vmem>>[vector<16xi32>, vector<16xi32>], vector<16xf32>,
        %parallel_loop3A_850 = arith.addf %parallel_loop3A_849, %gather3A_646 : vector<16xf32>
        %parallel_loop3A_851 = arith.constant 0 : i32
        %parallel_loop3A_852 = arith.constant 0 : i32
        %parallel_loop3A_853 = arith.constant 0 : i32
        %parallel_loop3A_854 = tpu.memref_slice %arg11[%parallel_loop3A_653, %parallel_loop3A_851, %parallel_loop3A_852, %parallel_loop3A_853] : memref<2x8x8x129xf32, #tpu.memory_space<vmem>> -> memref<1x8x8x129xf32, #tpu.memory_space<vmem>>
        %parallel_loop3A_855 = tpu.memref_squeeze %parallel_loop3A_854 : memref<1x8x8x129xf32, #tpu.memory_space<vmem>> -> memref<8x8x129xf32, #tpu.memory_space<vmem>>
        tpu.vector_store_idx %parallel_loop3A_855[%select_n3A_68, %rem3A_136, %parallel_loop3A_830], %parallel_loop3A_850 : memref<8x8x129xf32, #tpu.memory_space<vmem>>[vector<16xi32>, vector<16xi32>, vector<16xi32>], vector<16xf32>,
        %parallel_loop3A_856 = arith.addi %add3A_11, %parallel_loop3A_831 : vector<16xi32>
        %parallel_loop3A_857 = arith.constant 0 : i32
        %parallel_loop3A_858 = arith.constant 0 : i32
        %parallel_loop3A_859 = tpu.memref_slice %arg10[%parallel_loop3A_652, %parallel_loop3A_857, %parallel_loop3A_858] : memref<4x128x128xf32, #tpu.memory_space<vmem>> -> memref<1x128x128xf32, #tpu.memory_space<vmem>>
        %parallel_loop3A_860 = tpu.memref_squeeze %parallel_loop3A_859 : memref<1x128x128xf32, #tpu.memory_space<vmem>> -> memref<128x128xf32, #tpu.memory_space<vmem>>
        %parallel_loop3A_861 = tpu.vector_load_idx %parallel_loop3A_860[%parallel_loop3A_830, %parallel_loop3A_856] : memref<128x128xf32, #tpu.memory_space<vmem>>[vector<16xi32>, vector<16xi32>], vector<16xf32>,
        %parallel_loop3A_862 = arith.addf %parallel_loop3A_861, %gather3A_647 : vector<16xf32>
        %parallel_loop3A_863 = arith.constant 0 : i32
        %parallel_loop3A_864 = arith.constant 0 : i32
        %parallel_loop3A_865 = arith.constant 0 : i32
        %parallel_loop3A_866 = tpu.memref_slice %arg11[%parallel_loop3A_653, %parallel_loop3A_863, %parallel_loop3A_864, %parallel_loop3A_865] : memref<2x8x8x129xf32, #tpu.memory_space<vmem>> -> memref<1x8x8x129xf32, #tpu.memory_space<vmem>>
        %parallel_loop3A_867 = tpu.memref_squeeze %parallel_loop3A_866 : memref<1x8x8x129xf32, #tpu.memory_space<vmem>> -> memref<8x8x129xf32, #tpu.memory_space<vmem>>
        tpu.vector_store_idx %parallel_loop3A_867[%select_n3A_99, %rem3A_139, %parallel_loop3A_830], %parallel_loop3A_862 : memref<8x8x129xf32, #tpu.memory_space<vmem>>[vector<16xi32>, vector<16xi32>, vector<16xi32>], vector<16xf32>,
        %parallel_loop3A_868 = arith.addi %add3A_14, %parallel_loop3A_831 : vector<16xi32>
        %parallel_loop3A_869 = arith.constant 0 : i32
        %parallel_loop3A_870 = arith.constant 0 : i32
        %parallel_loop3A_871 = tpu.memref_slice %arg10[%parallel_loop3A_652, %parallel_loop3A_869, %parallel_loop3A_870] : memref<4x128x128xf32, #tpu.memory_space<vmem>> -> memref<1x128x128xf32, #tpu.memory_space<vmem>>
        %parallel_loop3A_872 = tpu.memref_squeeze %parallel_loop3A_871 : memref<1x128x128xf32, #tpu.memory_space<vmem>> -> memref<128x128xf32, #tpu.memory_space<vmem>>
        %parallel_loop3A_873 = tpu.vector_load_idx %parallel_loop3A_872[%parallel_loop3A_830, %parallel_loop3A_868] : memref<128x128xf32, #tpu.memory_space<vmem>>[vector<16xi32>, vector<16xi32>], vector<16xf32>,
        %parallel_loop3A_874 = arith.addf %parallel_loop3A_873, %gather3A_648 : vector<16xf32>
        %parallel_loop3A_875 = arith.constant 0 : i32
        %parallel_loop3A_876 = arith.constant 0 : i32
        %parallel_loop3A_877 = arith.constant 0 : i32
        %parallel_loop3A_878 = tpu.memref_slice %arg11[%parallel_loop3A_653, %parallel_loop3A_875, %parallel_loop3A_876, %parallel_loop3A_877] : memref<2x8x8x129xf32, #tpu.memory_space<vmem>> -> memref<1x8x8x129xf32, #tpu.memory_space<vmem>>
        %parallel_loop3A_879 = tpu.memref_squeeze %parallel_loop3A_878 : memref<1x8x8x129xf32, #tpu.memory_space<vmem>> -> memref<8x8x129xf32, #tpu.memory_space<vmem>>
        tpu.vector_store_idx %parallel_loop3A_879[%select_n3A_130, %rem3A_142, %parallel_loop3A_830], %parallel_loop3A_874 : memref<8x8x129xf32, #tpu.memory_space<vmem>>[vector<16xi32>, vector<16xi32>, vector<16xi32>], vector<16xf32>,
      } {sc.loop_unroll_factor = 8 : i64, sc.parallel_access}
      %add3A_654 = arith.addi %mul3A_2, %add3A_577 : i32
      %jit3A_655 = arith.constant 32 : i32
      %div3A_656 = arith.divsi %add3A_654, %jit3A_655 : i32
      %sign3A_657 = arith.constant 0 : i32
      %sign3A_658 = arith.cmpi sgt, %add3A_654, %sign3A_657 : i32
      %sign3A_659 = arith.extui %sign3A_658 : i1 to i32
      %sign3A_660 = arith.constant 0 : i32
      %sign3A_661 = arith.cmpi slt, %add3A_654, %sign3A_660 : i32
      %sign3A_662 = arith.extui %sign3A_661 : i1 to i32
      %sign3A_663 = arith.subi %sign3A_659, %sign3A_662 : i32
      %sign3A_664 = arith.constant 0 : i32
      %sign3A_665 = arith.cmpi sgt, %jit3A_655, %sign3A_664 : i32
      %sign3A_666 = arith.extui %sign3A_665 : i1 to i32
      %sign3A_667 = arith.constant 0 : i32
      %sign3A_668 = arith.cmpi slt, %jit3A_655, %sign3A_667 : i32
      %sign3A_669 = arith.extui %sign3A_668 : i1 to i32
      %sign3A_670 = arith.subi %sign3A_666, %sign3A_669 : i32
      %ne3A_671 = arith.cmpi ne, %sign3A_663, %sign3A_670 : i32
      %rem3A_672 = arith.remsi %add3A_654, %jit3A_655 : i32
      %ne3A_673 = arith.constant 0 : i32
      %ne3A_674 = arith.cmpi ne, %rem3A_672, %ne3A_673 : i32
      %and3A_675 = arith.andi %ne3A_671, %ne3A_674 : i1
      %sub3A_676 = arith.constant 1 : i32
      %sub3A_677 = arith.subi %div3A_656, %sub3A_676 : i32
      %select_n3A_678 = arith.select %and3A_675, %sub3A_677, %div3A_656 : i32
      %rem3A_679 = arith.constant 32 : i32
      %rem3A_680 = arith.remsi %add3A_654, %rem3A_679 : i32
      %dma_start3A_681 = arith.constant 0 : i32
      %dma_start3A_682 = arith.constant 0 : i32
      %dma_start3A_683 = arith.constant 0 : i32
      %dma_start3A_684 = arith.constant 0 : i32
      %dma_start3A_685 = tpu.memref_slice %arg11[%dma_start3A_681, %dma_start3A_682, %dma_start3A_683, %dma_start3A_684] : memref<2x8x8x129xf32, #tpu.memory_space<vmem>> -> memref<1x8x8x128xf32, #tpu.memory_space<vmem>>
      %dma_start3A_686 = tpu.memref_squeeze %dma_start3A_685 : memref<1x8x8x128xf32, #tpu.memory_space<vmem>> -> memref<8x8x128xf32, #tpu.memory_space<vmem>>
      %dma_start3A_687 = arith.constant 0 : i32
      %dma_start3A_688 = arith.constant 0 : i32
      %dma_start3A_689 = arith.constant 0 : i32
      %dma_start3A_690 = tpu.memref_slice %arg6[%select_n3A_678, %dma_start3A_687, %rem3A_680, %dma_start3A_688, %dma_start3A_689] : memref<200x8x32x8x128xf32, #tpu.memory_space<hbm>> -> memref<1x8x1x8x128xf32, #tpu.memory_space<hbm>>
      %dma_start3A_691 = tpu.memref_squeeze %dma_start3A_690 : memref<1x8x1x8x128xf32, #tpu.memory_space<hbm>> -> memref<8x8x128xf32, #tpu.memory_space<hbm>>
      %dma_start3A_692 = arith.constant 0 : i32
      %dma_start3A_693 = arith.constant 0 : i32
      %dma_start3A_694 = arith.constant 0 : i32
      %dma_start3A_695 = tpu.memref_slice %arg6[%select_n3A_678, %dma_start3A_692, %rem3A_680, %dma_start3A_693, %dma_start3A_694] : memref<200x8x32x8x128xf32, #tpu.memory_space<hbm>> -> memref<1x8x1x8x128xf32, #tpu.memory_space<hbm>>
      %dma_start3A_696 = tpu.memref_squeeze %dma_start3A_695 : memref<1x8x1x8x128xf32, #tpu.memory_space<hbm>> -> memref<8x8x128xf32, #tpu.memory_space<hbm>>
      %dma_start3A_697 = arith.constant 0 : i32
      %dma_start3A_698 = arith.constant 0 : i32
      %dma_start3A_699 = arith.constant 0 : i32
      %dma_start3A_700 = tpu.memref_slice %arg11[%dma_start3A_681, %dma_start3A_697, %dma_start3A_698, %dma_start3A_699] : memref<2x8x8x129xf32, #tpu.memory_space<vmem>> -> memref<1x8x8x128xf32, #tpu.memory_space<vmem>>
      %dma_start3A_701 = tpu.memref_squeeze %dma_start3A_700 : memref<1x8x8x128xf32, #tpu.memory_space<vmem>> -> memref<8x8x128xf32, #tpu.memory_space<vmem>>
      tpu.enqueue_dma source(%dma_start3A_701 : memref<8x8x128xf32, #tpu.memory_space<vmem>>) target(%dma_start3A_696 : memref<8x8x128xf32, #tpu.memory_space<hbm>>) target_semaphore(%arg16 : memref<!tpu.dma_semaphore, #tpu.memory_space<semaphore_mem>>)
      %add3A_702 = arith.constant 3 : i32
      %add3A_703 = arith.addi %add3A_329, %add3A_702 : i32
      %dma_wait3A_704 = arith.constant 3 : i32
      %dma_wait3A_705 = arith.constant 0 : i32
      %dma_wait3A_706 = arith.constant 0 : i32
      %dma_wait3A_707 = tpu.memref_slice %arg10[%dma_wait3A_704, %dma_wait3A_705, %dma_wait3A_706] : memref<4x128x128xf32, #tpu.memory_space<vmem>> -> memref<1x128x128xf32, #tpu.memory_space<vmem>>
      %dma_wait3A_708 = tpu.memref_squeeze %dma_wait3A_707 : memref<1x128x128xf32, #tpu.memory_space<vmem>> -> memref<128x128xf32, #tpu.memory_space<vmem>>
      %dma_wait3A_709 = arith.constant 0 : i32
      %dma_wait3A_710 = tpu.memref_slice %arg8[%add3A_703, %dma_wait3A_709] : memref<200x128xi32, #tpu.memory_space<vmem>> -> memref<1x128xi32, #tpu.memory_space<vmem>>
      %dma_wait3A_711 = tpu.memref_squeeze %dma_wait3A_710 : memref<1x128xi32, #tpu.memory_space<vmem>> -> memref<128xi32, #tpu.memory_space<vmem>>
      %dma_wait3A_712 = arith.constant 0 : i32
      %dma_wait3A_713 = arith.constant 0 : i32
      %dma_wait3A_714 = tpu.memref_slice %arg2[%dma_wait3A_712, %dma_wait3A_713] : memref<507904x128xf32, #tpu.memory_space<hbm>> -> memref<507904x128xf32, #tpu.memory_space<hbm>>
      tpu.wait_indirect_dma semaphore(%arg15 : memref<!tpu.dma_semaphore, #tpu.memory_space<semaphore_mem>>) src(%dma_wait3A_714 : memref<507904x128xf32, #tpu.memory_space<hbm>>) dst(%dma_wait3A_708 : memref<128x128xf32, #tpu.memory_space<vmem>>)
      %add3A_715 = arith.addi %mul3A_2, %add3A_703 : i32
      %dma_wait3A_716 = arith.constant 3 : i32
      %dma_wait3A_717 = arith.constant 0 : i32
      %dma_wait3A_718 = tpu.memref_slice %arg9[%dma_wait3A_716, %dma_wait3A_717] : memref<4x128xi32, #tpu.memory_space<vmem>> -> memref<1x128xi32, #tpu.memory_space<vmem>>
      %dma_wait3A_719 = tpu.memref_squeeze %dma_wait3A_718 : memref<1x128xi32, #tpu.memory_space<vmem>> -> memref<128xi32, #tpu.memory_space<vmem>>
      %dma_wait3A_720 = arith.constant 0 : i32
      %dma_wait3A_721 = tpu.memref_slice %arg4[%add3A_715, %dma_wait3A_720] : memref<6400x128xi32, #tpu.memory_space<hbm>> -> memref<1x128xi32, #tpu.memory_space<hbm>>
      %dma_wait3A_722 = tpu.memref_squeeze %dma_wait3A_721 : memref<1x128xi32, #tpu.memory_space<hbm>> -> memref<128xi32, #tpu.memory_space<hbm>>
      %dma_wait3A_723 = arith.constant 0 : i32
      %dma_wait3A_724 = tpu.memref_slice %arg9[%dma_wait3A_716, %dma_wait3A_723] : memref<4x128xi32, #tpu.memory_space<vmem>> -> memref<1x128xi32, #tpu.memory_space<vmem>>
      %dma_wait3A_725 = tpu.memref_squeeze %dma_wait3A_724 : memref<1x128xi32, #tpu.memory_space<vmem>> -> memref<128xi32, #tpu.memory_space<vmem>>
      %dma_wait3A_726 = arith.constant 0 : i32
      %dma_wait3A_727 = tpu.memref_slice %arg4[%add3A_715, %dma_wait3A_726] : memref<6400x128xi32, #tpu.memory_space<hbm>> -> memref<1x128xi32, #tpu.memory_space<hbm>>
      %dma_wait3A_728 = tpu.memref_squeeze %dma_wait3A_727 : memref<1x128xi32, #tpu.memory_space<hbm>> -> memref<128xi32, #tpu.memory_space<hbm>>
      tpu.wait_dma2 semaphore(%arg21 : memref<!tpu.dma_semaphore, #tpu.memory_space<semaphore_mem>>) src(%dma_wait3A_728 : memref<128xi32, #tpu.memory_space<hbm>>) dst(%dma_wait3A_725 : memref<128xi32, #tpu.memory_space<vmem>>)
      %add3A_729 = arith.constant 3 : i32
      %add3A_730 = arith.addi %add3A_703, %add3A_729 : i32
      %lt3A_731 = arith.constant 200 : i32
      %lt3A_732 = arith.cmpi slt, %add3A_730, %lt3A_731 : i32
      %convert_element_type3A_733 = arith.extui %lt3A_732 : i1 to i32
      %cond3A_734 = arith.constant 0 : i32
      %cond3A_735 = arith.cmpi ne, %convert_element_type3A_733, %cond3A_734 : i32
      scf.if %cond3A_735 {
        %add3A_828 = arith.constant 3 : i32
        %add3A_829 = arith.addi %add3A_703, %add3A_828 : i32
        %dma_start3A_830 = arith.constant 2 : i32
        %dma_start3A_831 = arith.constant 0 : i32
        %dma_start3A_832 = arith.constant 0 : i32
        %dma_start3A_833 = tpu.memref_slice %arg10[%dma_start3A_830, %dma_start3A_831, %dma_start3A_832] : memref<4x128x128xf32, #tpu.memory_space<vmem>> -> memref<1x128x128xf32, #tpu.memory_space<vmem>>
        %dma_start3A_834 = tpu.memref_squeeze %dma_start3A_833 : memref<1x128x128xf32, #tpu.memory_space<vmem>> -> memref<128x128xf32, #tpu.memory_space<vmem>>
        %dma_start3A_835 = arith.constant 0 : i32
        %dma_start3A_836 = tpu.memref_slice %arg8[%add3A_829, %dma_start3A_835] : memref<200x128xi32, #tpu.memory_space<vmem>> -> memref<1x128xi32, #tpu.memory_space<vmem>>
        %dma_start3A_837 = tpu.memref_squeeze %dma_start3A_836 : memref<1x128xi32, #tpu.memory_space<vmem>> -> memref<128xi32, #tpu.memory_space<vmem>>
        %dma_start3A_838 = arith.constant 0 : i32
        %dma_start3A_839 = arith.constant 0 : i32
        %dma_start3A_840 = tpu.memref_slice %arg2[%dma_start3A_838, %dma_start3A_839] : memref<507904x128xf32, #tpu.memory_space<hbm>> -> memref<507904x128xf32, #tpu.memory_space<hbm>>
        tpu.enqueue_indirect_dma source(%dma_start3A_840 : memref<507904x128xf32, #tpu.memory_space<hbm>>) target(%dma_start3A_834 : memref<128x128xf32, #tpu.memory_space<vmem>>) offsets(%dma_start3A_837 : memref<128xi32, #tpu.memory_space<vmem>>) semaphore(%arg14 : memref<!tpu.dma_semaphore, #tpu.memory_space<semaphore_mem>>)
        %add3A_841 = arith.constant 3 : i32
        %add3A_842 = arith.addi %add3A_703, %add3A_841 : i32
        %add3A_843 = arith.addi %mul3A_2, %add3A_842 : i32
        %dma_start3A_844 = arith.constant 2 : i32
        %dma_start3A_845 = arith.constant 0 : i32
        %dma_start3A_846 = tpu.memref_slice %arg9[%dma_start3A_844, %dma_start3A_845] : memref<4x128xi32, #tpu.memory_space<vmem>> -> memref<1x128xi32, #tpu.memory_space<vmem>>
        %dma_start3A_847 = tpu.memref_squeeze %dma_start3A_846 : memref<1x128xi32, #tpu.memory_space<vmem>> -> memref<128xi32, #tpu.memory_space<vmem>>
        %dma_start3A_848 = arith.constant 0 : i32
        %dma_start3A_849 = tpu.memref_slice %arg4[%add3A_843, %dma_start3A_848] : memref<6400x128xi32, #tpu.memory_space<hbm>> -> memref<1x128xi32, #tpu.memory_space<hbm>>
        %dma_start3A_850 = tpu.memref_squeeze %dma_start3A_849 : memref<1x128xi32, #tpu.memory_space<hbm>> -> memref<128xi32, #tpu.memory_space<hbm>>
        %dma_start3A_851 = arith.constant 0 : i32
        %dma_start3A_852 = tpu.memref_slice %arg9[%dma_start3A_844, %dma_start3A_851] : memref<4x128xi32, #tpu.memory_space<vmem>> -> memref<1x128xi32, #tpu.memory_space<vmem>>
        %dma_start3A_853 = tpu.memref_squeeze %dma_start3A_852 : memref<1x128xi32, #tpu.memory_space<vmem>> -> memref<128xi32, #tpu.memory_space<vmem>>
        %dma_start3A_854 = arith.constant 0 : i32
        %dma_start3A_855 = tpu.memref_slice %arg4[%add3A_843, %dma_start3A_854] : memref<6400x128xi32, #tpu.memory_space<hbm>> -> memref<1x128xi32, #tpu.memory_space<hbm>>
        %dma_start3A_856 = tpu.memref_squeeze %dma_start3A_855 : memref<1x128xi32, #tpu.memory_space<hbm>> -> memref<128xi32, #tpu.memory_space<hbm>>
        tpu.enqueue_dma source(%dma_start3A_856 : memref<128xi32, #tpu.memory_space<hbm>>) target(%dma_start3A_853 : memref<128xi32, #tpu.memory_space<vmem>>) target_semaphore(%arg20 : memref<!tpu.dma_semaphore, #tpu.memory_space<semaphore_mem>>)
      } else {
      }
      %ge3A_736 = arith.constant 2 : i32
      %ge3A_737 = arith.cmpi sge, %add3A_703, %ge3A_736 : i32
      %convert_element_type3A_738 = arith.extui %ge3A_737 : i1 to i32
      %cond3A_739 = arith.constant 0 : i32
      %cond3A_740 = arith.cmpi ne, %convert_element_type3A_738, %cond3A_739 : i32
      scf.if %cond3A_740 {
        %sub3A_828 = arith.constant 2 : i32
        %sub3A_829 = arith.subi %add3A_703, %sub3A_828 : i32
        %add3A_830 = arith.addi %mul3A_2, %sub3A_829 : i32
        %jit3A_831 = arith.constant 32 : i32
        %div3A_832 = arith.divsi %add3A_830, %jit3A_831 : i32
        %sign3A_833 = arith.constant 0 : i32
        %sign3A_834 = arith.cmpi sgt, %add3A_830, %sign3A_833 : i32
        %sign3A_835 = arith.extui %sign3A_834 : i1 to i32
        %sign3A_836 = arith.constant 0 : i32
        %sign3A_837 = arith.cmpi slt, %add3A_830, %sign3A_836 : i32
        %sign3A_838 = arith.extui %sign3A_837 : i1 to i32
        %sign3A_839 = arith.subi %sign3A_835, %sign3A_838 : i32
        %sign3A_840 = arith.constant 0 : i32
        %sign3A_841 = arith.cmpi sgt, %jit3A_831, %sign3A_840 : i32
        %sign3A_842 = arith.extui %sign3A_841 : i1 to i32
        %sign3A_843 = arith.constant 0 : i32
        %sign3A_844 = arith.cmpi slt, %jit3A_831, %sign3A_843 : i32
        %sign3A_845 = arith.extui %sign3A_844 : i1 to i32
        %sign3A_846 = arith.subi %sign3A_842, %sign3A_845 : i32
        %ne3A_847 = arith.cmpi ne, %sign3A_839, %sign3A_846 : i32
        %rem3A_848 = arith.remsi %add3A_830, %jit3A_831 : i32
        %ne3A_849 = arith.constant 0 : i32
        %ne3A_850 = arith.cmpi ne, %rem3A_848, %ne3A_849 : i32
        %and3A_851 = arith.andi %ne3A_847, %ne3A_850 : i1
        %sub3A_852 = arith.constant 1 : i32
        %sub3A_853 = arith.subi %div3A_832, %sub3A_852 : i32
        %select_n3A_854 = arith.select %and3A_851, %sub3A_853, %div3A_832 : i32
        %rem3A_855 = arith.constant 32 : i32
        %rem3A_856 = arith.remsi %add3A_830, %rem3A_855 : i32
        %dma_wait3A_857 = arith.constant 1 : i32
        %dma_wait3A_858 = arith.constant 0 : i32
        %dma_wait3A_859 = arith.constant 0 : i32
        %dma_wait3A_860 = arith.constant 0 : i32
        %dma_wait3A_861 = tpu.memref_slice %arg11[%dma_wait3A_857, %dma_wait3A_858, %dma_wait3A_859, %dma_wait3A_860] : memref<2x8x8x129xf32, #tpu.memory_space<vmem>> -> memref<1x8x8x128xf32, #tpu.memory_space<vmem>>
        %dma_wait3A_862 = tpu.memref_squeeze %dma_wait3A_861 : memref<1x8x8x128xf32, #tpu.memory_space<vmem>> -> memref<8x8x128xf32, #tpu.memory_space<vmem>>
        %dma_wait3A_863 = arith.constant 0 : i32
        %dma_wait3A_864 = arith.constant 0 : i32
        %dma_wait3A_865 = arith.constant 0 : i32
        %dma_wait3A_866 = tpu.memref_slice %arg6[%select_n3A_854, %dma_wait3A_863, %rem3A_856, %dma_wait3A_864, %dma_wait3A_865] : memref<200x8x32x8x128xf32, #tpu.memory_space<hbm>> -> memref<1x8x1x8x128xf32, #tpu.memory_space<hbm>>
        %dma_wait3A_867 = tpu.memref_squeeze %dma_wait3A_866 : memref<1x8x1x8x128xf32, #tpu.memory_space<hbm>> -> memref<8x8x128xf32, #tpu.memory_space<hbm>>
        %dma_wait3A_868 = arith.constant 0 : i32
        %dma_wait3A_869 = arith.constant 0 : i32
        %dma_wait3A_870 = arith.constant 0 : i32
        %dma_wait3A_871 = tpu.memref_slice %arg6[%select_n3A_854, %dma_wait3A_868, %rem3A_856, %dma_wait3A_869, %dma_wait3A_870] : memref<200x8x32x8x128xf32, #tpu.memory_space<hbm>> -> memref<1x8x1x8x128xf32, #tpu.memory_space<hbm>>
        %dma_wait3A_872 = tpu.memref_squeeze %dma_wait3A_871 : memref<1x8x1x8x128xf32, #tpu.memory_space<hbm>> -> memref<8x8x128xf32, #tpu.memory_space<hbm>>
        %dma_wait3A_873 = arith.constant 0 : i32
        %dma_wait3A_874 = arith.constant 0 : i32
        %dma_wait3A_875 = arith.constant 0 : i32
        %dma_wait3A_876 = tpu.memref_slice %arg11[%dma_wait3A_857, %dma_wait3A_873, %dma_wait3A_874, %dma_wait3A_875] : memref<2x8x8x129xf32, #tpu.memory_space<vmem>> -> memref<1x8x8x128xf32, #tpu.memory_space<vmem>>
        %dma_wait3A_877 = tpu.memref_squeeze %dma_wait3A_876 : memref<1x8x8x128xf32, #tpu.memory_space<vmem>> -> memref<8x8x128xf32, #tpu.memory_space<vmem>>
        tpu.wait_dma2 semaphore(%arg17 : memref<!tpu.dma_semaphore, #tpu.memory_space<semaphore_mem>>) src(%dma_wait3A_877 : memref<8x8x128xf32, #tpu.memory_space<vmem>>) dst(%dma_wait3A_872 : memref<8x8x128xf32, #tpu.memory_space<hbm>>)
      } else {
      }
      %add3A_741 = arith.addi %mul3A_2, %add3A_703 : i32
      %add3A_742 = arith.constant 3 : i32
      %add3A_743 = vector.broadcast %add3A_742 : i32 to vector<16xi32>
      %add3A_744 = arith.addi %broadcast_in_dim3A_143, %add3A_743 : vector<16xi32>
      %jit3A_745 = arith.constant 32 : i32
      %div3A_746 = arith.divsi %add3A_741, %jit3A_745 : i32
      %sign3A_747 = arith.constant 0 : i32
      %sign3A_748 = arith.cmpi sgt, %add3A_741, %sign3A_747 : i32
      %sign3A_749 = arith.extui %sign3A_748 : i1 to i32
      %sign3A_750 = arith.constant 0 : i32
      %sign3A_751 = arith.cmpi slt, %add3A_741, %sign3A_750 : i32
      %sign3A_752 = arith.extui %sign3A_751 : i1 to i32
      %sign3A_753 = arith.subi %sign3A_749, %sign3A_752 : i32
      %sign3A_754 = arith.constant 0 : i32
      %sign3A_755 = arith.cmpi sgt, %jit3A_745, %sign3A_754 : i32
      %sign3A_756 = arith.extui %sign3A_755 : i1 to i32
      %sign3A_757 = arith.constant 0 : i32
      %sign3A_758 = arith.cmpi slt, %jit3A_745, %sign3A_757 : i32
      %sign3A_759 = arith.extui %sign3A_758 : i1 to i32
      %sign3A_760 = arith.subi %sign3A_756, %sign3A_759 : i32
      %ne3A_761 = arith.cmpi ne, %sign3A_753, %sign3A_760 : i32
      %rem3A_762 = arith.remsi %add3A_741, %jit3A_745 : i32
      %ne3A_763 = arith.constant 0 : i32
      %ne3A_764 = arith.cmpi ne, %rem3A_762, %ne3A_763 : i32
      %and3A_765 = arith.andi %ne3A_761, %ne3A_764 : i1
      %sub3A_766 = arith.constant 1 : i32
      %sub3A_767 = arith.subi %div3A_746, %sub3A_766 : i32
      %select_n3A_768 = arith.select %and3A_765, %sub3A_767, %div3A_746 : i32
      %add3A_769 = vector.broadcast %select_n3A_768 : i32 to vector<16xi32>
      %add3A_770 = arith.addi %broadcast_in_dim3A_143, %add3A_769 : vector<16xi32>
      %gather3A_771 = tpu.vector_load_idx %arg7[%add3A_770, %add3A_5] : memref<200x64xf32, #tpu.memory_space<vmem>>[vector<16xi32>, vector<16xi32>], vector<16xf32>,
      %gather3A_772 = tpu.vector_load_idx %arg7[%add3A_770, %add3A_8] : memref<200x64xf32, #tpu.memory_space<vmem>>[vector<16xi32>, vector<16xi32>], vector<16xf32>,
      %gather3A_773 = tpu.vector_load_idx %arg7[%add3A_770, %add3A_11] : memref<200x64xf32, #tpu.memory_space<vmem>>[vector<16xi32>, vector<16xi32>], vector<16xf32>,
      %gather3A_774 = tpu.vector_load_idx %arg7[%add3A_770, %add3A_14] : memref<200x64xf32, #tpu.memory_space<vmem>>[vector<16xi32>, vector<16xi32>], vector<16xf32>,
      %parallel_loop3A_775 = arith.constant 0 : i32
      %parallel_loop3A_776 = arith.constant 128 : i32
      %parallel_loop3A_777 = arith.constant 1 : i32
      %parallel_loop3A_778 = arith.constant 3 : i32
      %parallel_loop3A_779 = arith.constant 1 : i32
      scf.for %parallel_loop3A_828 = %parallel_loop3A_775 to %parallel_loop3A_776 step %parallel_loop3A_777  : i32 {
        %parallel_loop3A_829 = vector.broadcast %parallel_loop3A_828 : i32 to vector<16xi32>
        %parallel_loop3A_830 = arith.addi %broadcast_in_dim3A_143, %parallel_loop3A_829 : vector<16xi32>
        %parallel_loop3A_831 = tpu.vector_load_idx %arg9[%add3A_744, %parallel_loop3A_830] : memref<4x128xi32, #tpu.memory_space<vmem>>[vector<16xi32>, vector<16xi32>], vector<16xi32>,
        %parallel_loop3A_832 = arith.addi %add3A_5, %parallel_loop3A_831 : vector<16xi32>
        %parallel_loop3A_833 = arith.constant 0 : i32
        %parallel_loop3A_834 = arith.constant 0 : i32
        %parallel_loop3A_835 = tpu.memref_slice %arg10[%parallel_loop3A_778, %parallel_loop3A_833, %parallel_loop3A_834] : memref<4x128x128xf32, #tpu.memory_space<vmem>> -> memref<1x128x128xf32, #tpu.memory_space<vmem>>
        %parallel_loop3A_836 = tpu.memref_squeeze %parallel_loop3A_835 : memref<1x128x128xf32, #tpu.memory_space<vmem>> -> memref<128x128xf32, #tpu.memory_space<vmem>>
        %parallel_loop3A_837 = tpu.vector_load_idx %parallel_loop3A_836[%parallel_loop3A_830, %parallel_loop3A_832] : memref<128x128xf32, #tpu.memory_space<vmem>>[vector<16xi32>, vector<16xi32>], vector<16xf32>,
        %parallel_loop3A_838 = arith.addf %parallel_loop3A_837, %gather3A_771 : vector<16xf32>
        %parallel_loop3A_839 = arith.constant 0 : i32
        %parallel_loop3A_840 = arith.constant 0 : i32
        %parallel_loop3A_841 = arith.constant 0 : i32
        %parallel_loop3A_842 = tpu.memref_slice %arg11[%parallel_loop3A_779, %parallel_loop3A_839, %parallel_loop3A_840, %parallel_loop3A_841] : memref<2x8x8x129xf32, #tpu.memory_space<vmem>> -> memref<1x8x8x129xf32, #tpu.memory_space<vmem>>
        %parallel_loop3A_843 = tpu.memref_squeeze %parallel_loop3A_842 : memref<1x8x8x129xf32, #tpu.memory_space<vmem>> -> memref<8x8x129xf32, #tpu.memory_space<vmem>>
        tpu.vector_store_idx %parallel_loop3A_843[%select_n3A, %rem3A_133, %parallel_loop3A_830], %parallel_loop3A_838 : memref<8x8x129xf32, #tpu.memory_space<vmem>>[vector<16xi32>, vector<16xi32>, vector<16xi32>], vector<16xf32>,
        %parallel_loop3A_844 = arith.addi %add3A_8, %parallel_loop3A_831 : vector<16xi32>
        %parallel_loop3A_845 = arith.constant 0 : i32
        %parallel_loop3A_846 = arith.constant 0 : i32
        %parallel_loop3A_847 = tpu.memref_slice %arg10[%parallel_loop3A_778, %parallel_loop3A_845, %parallel_loop3A_846] : memref<4x128x128xf32, #tpu.memory_space<vmem>> -> memref<1x128x128xf32, #tpu.memory_space<vmem>>
        %parallel_loop3A_848 = tpu.memref_squeeze %parallel_loop3A_847 : memref<1x128x128xf32, #tpu.memory_space<vmem>> -> memref<128x128xf32, #tpu.memory_space<vmem>>
        %parallel_loop3A_849 = tpu.vector_load_idx %parallel_loop3A_848[%parallel_loop3A_830, %parallel_loop3A_844] : memref<128x128xf32, #tpu.memory_space<vmem>>[vector<16xi32>, vector<16xi32>], vector<16xf32>,
        %parallel_loop3A_850 = arith.addf %parallel_loop3A_849, %gather3A_772 : vector<16xf32>
        %parallel_loop3A_851 = arith.constant 0 : i32
        %parallel_loop3A_852 = arith.constant 0 : i32
        %parallel_loop3A_853 = arith.constant 0 : i32
        %parallel_loop3A_854 = tpu.memref_slice %arg11[%parallel_loop3A_779, %parallel_loop3A_851, %parallel_loop3A_852, %parallel_loop3A_853] : memref<2x8x8x129xf32, #tpu.memory_space<vmem>> -> memref<1x8x8x129xf32, #tpu.memory_space<vmem>>
        %parallel_loop3A_855 = tpu.memref_squeeze %parallel_loop3A_854 : memref<1x8x8x129xf32, #tpu.memory_space<vmem>> -> memref<8x8x129xf32, #tpu.memory_space<vmem>>
        tpu.vector_store_idx %parallel_loop3A_855[%select_n3A_68, %rem3A_136, %parallel_loop3A_830], %parallel_loop3A_850 : memref<8x8x129xf32, #tpu.memory_space<vmem>>[vector<16xi32>, vector<16xi32>, vector<16xi32>], vector<16xf32>,
        %parallel_loop3A_856 = arith.addi %add3A_11, %parallel_loop3A_831 : vector<16xi32>
        %parallel_loop3A_857 = arith.constant 0 : i32
        %parallel_loop3A_858 = arith.constant 0 : i32
        %parallel_loop3A_859 = tpu.memref_slice %arg10[%parallel_loop3A_778, %parallel_loop3A_857, %parallel_loop3A_858] : memref<4x128x128xf32, #tpu.memory_space<vmem>> -> memref<1x128x128xf32, #tpu.memory_space<vmem>>
        %parallel_loop3A_860 = tpu.memref_squeeze %parallel_loop3A_859 : memref<1x128x128xf32, #tpu.memory_space<vmem>> -> memref<128x128xf32, #tpu.memory_space<vmem>>
        %parallel_loop3A_861 = tpu.vector_load_idx %parallel_loop3A_860[%parallel_loop3A_830, %parallel_loop3A_856] : memref<128x128xf32, #tpu.memory_space<vmem>>[vector<16xi32>, vector<16xi32>], vector<16xf32>,
        %parallel_loop3A_862 = arith.addf %parallel_loop3A_861, %gather3A_773 : vector<16xf32>
        %parallel_loop3A_863 = arith.constant 0 : i32
        %parallel_loop3A_864 = arith.constant 0 : i32
        %parallel_loop3A_865 = arith.constant 0 : i32
        %parallel_loop3A_866 = tpu.memref_slice %arg11[%parallel_loop3A_779, %parallel_loop3A_863, %parallel_loop3A_864, %parallel_loop3A_865] : memref<2x8x8x129xf32, #tpu.memory_space<vmem>> -> memref<1x8x8x129xf32, #tpu.memory_space<vmem>>
        %parallel_loop3A_867 = tpu.memref_squeeze %parallel_loop3A_866 : memref<1x8x8x129xf32, #tpu.memory_space<vmem>> -> memref<8x8x129xf32, #tpu.memory_space<vmem>>
        tpu.vector_store_idx %parallel_loop3A_867[%select_n3A_99, %rem3A_139, %parallel_loop3A_830], %parallel_loop3A_862 : memref<8x8x129xf32, #tpu.memory_space<vmem>>[vector<16xi32>, vector<16xi32>, vector<16xi32>], vector<16xf32>,
        %parallel_loop3A_868 = arith.addi %add3A_14, %parallel_loop3A_831 : vector<16xi32>
        %parallel_loop3A_869 = arith.constant 0 : i32
        %parallel_loop3A_870 = arith.constant 0 : i32
        %parallel_loop3A_871 = tpu.memref_slice %arg10[%parallel_loop3A_778, %parallel_loop3A_869, %parallel_loop3A_870] : memref<4x128x128xf32, #tpu.memory_space<vmem>> -> memref<1x128x128xf32, #tpu.memory_space<vmem>>
        %parallel_loop3A_872 = tpu.memref_squeeze %parallel_loop3A_871 : memref<1x128x128xf32, #tpu.memory_space<vmem>> -> memref<128x128xf32, #tpu.memory_space<vmem>>
        %parallel_loop3A_873 = tpu.vector_load_idx %parallel_loop3A_872[%parallel_loop3A_830, %parallel_loop3A_868] : memref<128x128xf32, #tpu.memory_space<vmem>>[vector<16xi32>, vector<16xi32>], vector<16xf32>,
        %parallel_loop3A_874 = arith.addf %parallel_loop3A_873, %gather3A_774 : vector<16xf32>
        %parallel_loop3A_875 = arith.constant 0 : i32
        %parallel_loop3A_876 = arith.constant 0 : i32
        %parallel_loop3A_877 = arith.constant 0 : i32
        %parallel_loop3A_878 = tpu.memref_slice %arg11[%parallel_loop3A_779, %parallel_loop3A_875, %parallel_loop3A_876, %parallel_loop3A_877] : memref<2x8x8x129xf32, #tpu.memory_space<vmem>> -> memref<1x8x8x129xf32, #tpu.memory_space<vmem>>
        %parallel_loop3A_879 = tpu.memref_squeeze %parallel_loop3A_878 : memref<1x8x8x129xf32, #tpu.memory_space<vmem>> -> memref<8x8x129xf32, #tpu.memory_space<vmem>>
        tpu.vector_store_idx %parallel_loop3A_879[%select_n3A_130, %rem3A_142, %parallel_loop3A_830], %parallel_loop3A_874 : memref<8x8x129xf32, #tpu.memory_space<vmem>>[vector<16xi32>, vector<16xi32>, vector<16xi32>], vector<16xf32>,
      } {sc.loop_unroll_factor = 8 : i64, sc.parallel_access}
      %add3A_780 = arith.addi %mul3A_2, %add3A_703 : i32
      %jit3A_781 = arith.constant 32 : i32
      %div3A_782 = arith.divsi %add3A_780, %jit3A_781 : i32
      %sign3A_783 = arith.constant 0 : i32
      %sign3A_784 = arith.cmpi sgt, %add3A_780, %sign3A_783 : i32
      %sign3A_785 = arith.extui %sign3A_784 : i1 to i32
      %sign3A_786 = arith.constant 0 : i32
      %sign3A_787 = arith.cmpi slt, %add3A_780, %sign3A_786 : i32
      %sign3A_788 = arith.extui %sign3A_787 : i1 to i32
      %sign3A_789 = arith.subi %sign3A_785, %sign3A_788 : i32
      %sign3A_790 = arith.constant 0 : i32
      %sign3A_791 = arith.cmpi sgt, %jit3A_781, %sign3A_790 : i32
      %sign3A_792 = arith.extui %sign3A_791 : i1 to i32
      %sign3A_793 = arith.constant 0 : i32
      %sign3A_794 = arith.cmpi slt, %jit3A_781, %sign3A_793 : i32
      %sign3A_795 = arith.extui %sign3A_794 : i1 to i32
      %sign3A_796 = arith.subi %sign3A_792, %sign3A_795 : i32
      %ne3A_797 = arith.cmpi ne, %sign3A_789, %sign3A_796 : i32
      %rem3A_798 = arith.remsi %add3A_780, %jit3A_781 : i32
      %ne3A_799 = arith.constant 0 : i32
      %ne3A_800 = arith.cmpi ne, %rem3A_798, %ne3A_799 : i32
      %and3A_801 = arith.andi %ne3A_797, %ne3A_800 : i1
      %sub3A_802 = arith.constant 1 : i32
      %sub3A_803 = arith.subi %div3A_782, %sub3A_802 : i32
      %select_n3A_804 = arith.select %and3A_801, %sub3A_803, %div3A_782 : i32
      %rem3A_805 = arith.constant 32 : i32
      %rem3A_806 = arith.remsi %add3A_780, %rem3A_805 : i32
      %dma_start3A_807 = arith.constant 1 : i32
      %dma_start3A_808 = arith.constant 0 : i32
      %dma_start3A_809 = arith.constant 0 : i32
      %dma_start3A_810 = arith.constant 0 : i32
      %dma_start3A_811 = tpu.memref_slice %arg11[%dma_start3A_807, %dma_start3A_808, %dma_start3A_809, %dma_start3A_810] : memref<2x8x8x129xf32, #tpu.memory_space<vmem>> -> memref<1x8x8x128xf32, #tpu.memory_space<vmem>>
      %dma_start3A_812 = tpu.memref_squeeze %dma_start3A_811 : memref<1x8x8x128xf32, #tpu.memory_space<vmem>> -> memref<8x8x128xf32, #tpu.memory_space<vmem>>
      %dma_start3A_813 = arith.constant 0 : i32
      %dma_start3A_814 = arith.constant 0 : i32
      %dma_start3A_815 = arith.constant 0 : i32
      %dma_start3A_816 = tpu.memref_slice %arg6[%select_n3A_804, %dma_start3A_813, %rem3A_806, %dma_start3A_814, %dma_start3A_815] : memref<200x8x32x8x128xf32, #tpu.memory_space<hbm>> -> memref<1x8x1x8x128xf32, #tpu.memory_space<hbm>>
      %dma_start3A_817 = tpu.memref_squeeze %dma_start3A_816 : memref<1x8x1x8x128xf32, #tpu.memory_space<hbm>> -> memref<8x8x128xf32, #tpu.memory_space<hbm>>
      %dma_start3A_818 = arith.constant 0 : i32
      %dma_start3A_819 = arith.constant 0 : i32
      %dma_start3A_820 = arith.constant 0 : i32
      %dma_start3A_821 = tpu.memref_slice %arg6[%select_n3A_804, %dma_start3A_818, %rem3A_806, %dma_start3A_819, %dma_start3A_820] : memref<200x8x32x8x128xf32, #tpu.memory_space<hbm>> -> memref<1x8x1x8x128xf32, #tpu.memory_space<hbm>>
      %dma_start3A_822 = tpu.memref_squeeze %dma_start3A_821 : memref<1x8x1x8x128xf32, #tpu.memory_space<hbm>> -> memref<8x8x128xf32, #tpu.memory_space<hbm>>
      %dma_start3A_823 = arith.constant 0 : i32
      %dma_start3A_824 = arith.constant 0 : i32
      %dma_start3A_825 = arith.constant 0 : i32
      %dma_start3A_826 = tpu.memref_slice %arg11[%dma_start3A_807, %dma_start3A_823, %dma_start3A_824, %dma_start3A_825] : memref<2x8x8x129xf32, #tpu.memory_space<vmem>> -> memref<1x8x8x128xf32, #tpu.memory_space<vmem>>
      %dma_start3A_827 = tpu.memref_squeeze %dma_start3A_826 : memref<1x8x8x128xf32, #tpu.memory_space<vmem>> -> memref<8x8x128xf32, #tpu.memory_space<vmem>>
      tpu.enqueue_dma source(%dma_start3A_827 : memref<8x8x128xf32, #tpu.memory_space<vmem>>) target(%dma_start3A_822 : memref<8x8x128xf32, #tpu.memory_space<hbm>>) target_semaphore(%arg17 : memref<!tpu.dma_semaphore, #tpu.memory_space<semaphore_mem>>)
    }
    %scan3A_227 = arith.constant 50 : i32
    %add3A_228 = arith.constant 198 : i32
    %add3A_229 = arith.addi %mul3A_2, %add3A_228 : i32
    %jit3A_230 = arith.constant 32 : i32
    %div3A_231 = arith.divsi %add3A_229, %jit3A_230 : i32
    %sign3A_232 = arith.constant 0 : i32
    %sign3A_233 = arith.cmpi sgt, %add3A_229, %sign3A_232 : i32
    %sign3A_234 = arith.extui %sign3A_233 : i1 to i32
    %sign3A_235 = arith.constant 0 : i32
    %sign3A_236 = arith.cmpi slt, %add3A_229, %sign3A_235 : i32
    %sign3A_237 = arith.extui %sign3A_236 : i1 to i32
    %sign3A_238 = arith.subi %sign3A_234, %sign3A_237 : i32
    %sign3A_239 = arith.constant 0 : i32
    %sign3A_240 = arith.cmpi sgt, %jit3A_230, %sign3A_239 : i32
    %sign3A_241 = arith.extui %sign3A_240 : i1 to i32
    %sign3A_242 = arith.constant 0 : i32
    %sign3A_243 = arith.cmpi slt, %jit3A_230, %sign3A_242 : i32
    %sign3A_244 = arith.extui %sign3A_243 : i1 to i32
    %sign3A_245 = arith.subi %sign3A_241, %sign3A_244 : i32
    %ne3A_246 = arith.cmpi ne, %sign3A_238, %sign3A_245 : i32
    %rem3A_247 = arith.remsi %add3A_229, %jit3A_230 : i32
    %ne3A_248 = arith.constant 0 : i32
    %ne3A_249 = arith.cmpi ne, %rem3A_247, %ne3A_248 : i32
    %and3A_250 = arith.andi %ne3A_246, %ne3A_249 : i1
    %sub3A_251 = arith.constant 1 : i32
    %sub3A_252 = arith.subi %div3A_231, %sub3A_251 : i32
    %select_n3A_253 = arith.select %and3A_250, %sub3A_252, %div3A_231 : i32
    %rem3A_254 = arith.constant 32 : i32
    %rem3A_255 = arith.remsi %add3A_229, %rem3A_254 : i32
    %dma_wait3A = arith.constant 0 : i32
    %dma_wait3A_256 = arith.constant 0 : i32
    %dma_wait3A_257 = arith.constant 0 : i32
    %dma_wait3A_258 = arith.constant 0 : i32
    %dma_wait3A_259 = tpu.memref_slice %arg11[%dma_wait3A, %dma_wait3A_256, %dma_wait3A_257, %dma_wait3A_258] : memref<2x8x8x129xf32, #tpu.memory_space<vmem>> -> memref<1x8x8x128xf32, #tpu.memory_space<vmem>>
    %dma_wait3A_260 = tpu.memref_squeeze %dma_wait3A_259 : memref<1x8x8x128xf32, #tpu.memory_space<vmem>> -> memref<8x8x128xf32, #tpu.memory_space<vmem>>
    %dma_wait3A_261 = arith.constant 0 : i32
    %dma_wait3A_262 = arith.constant 0 : i32
    %dma_wait3A_263 = arith.constant 0 : i32
    %dma_wait3A_264 = tpu.memref_slice %arg6[%select_n3A_253, %dma_wait3A_261, %rem3A_255, %dma_wait3A_262, %dma_wait3A_263] : memref<200x8x32x8x128xf32, #tpu.memory_space<hbm>> -> memref<1x8x1x8x128xf32, #tpu.memory_space<hbm>>
    %dma_wait3A_265 = tpu.memref_squeeze %dma_wait3A_264 : memref<1x8x1x8x128xf32, #tpu.memory_space<hbm>> -> memref<8x8x128xf32, #tpu.memory_space<hbm>>
    %dma_wait3A_266 = arith.constant 0 : i32
    %dma_wait3A_267 = arith.constant 0 : i32
    %dma_wait3A_268 = arith.constant 0 : i32
    %dma_wait3A_269 = tpu.memref_slice %arg6[%select_n3A_253, %dma_wait3A_266, %rem3A_255, %dma_wait3A_267, %dma_wait3A_268] : memref<200x8x32x8x128xf32, #tpu.memory_space<hbm>> -> memref<1x8x1x8x128xf32, #tpu.memory_space<hbm>>
    %dma_wait3A_270 = tpu.memref_squeeze %dma_wait3A_269 : memref<1x8x1x8x128xf32, #tpu.memory_space<hbm>> -> memref<8x8x128xf32, #tpu.memory_space<hbm>>
    %dma_wait3A_271 = arith.constant 0 : i32
    %dma_wait3A_272 = arith.constant 0 : i32
    %dma_wait3A_273 = arith.constant 0 : i32
    %dma_wait3A_274 = tpu.memref_slice %arg11[%dma_wait3A, %dma_wait3A_271, %dma_wait3A_272, %dma_wait3A_273] : memref<2x8x8x129xf32, #tpu.memory_space<vmem>> -> memref<1x8x8x128xf32, #tpu.memory_space<vmem>>
    %dma_wait3A_275 = tpu.memref_squeeze %dma_wait3A_274 : memref<1x8x8x128xf32, #tpu.memory_space<vmem>> -> memref<8x8x128xf32, #tpu.memory_space<vmem>>
    tpu.wait_dma2 semaphore(%arg16 : memref<!tpu.dma_semaphore, #tpu.memory_space<semaphore_mem>>) src(%dma_wait3A_275 : memref<8x8x128xf32, #tpu.memory_space<vmem>>) dst(%dma_wait3A_270 : memref<8x8x128xf32, #tpu.memory_space<hbm>>)
    %add3A_276 = arith.constant 199 : i32
    %add3A_277 = arith.addi %mul3A_2, %add3A_276 : i32
    %jit3A_278 = arith.constant 32 : i32
    %div3A_279 = arith.divsi %add3A_277, %jit3A_278 : i32
    %sign3A_280 = arith.constant 0 : i32
    %sign3A_281 = arith.cmpi sgt, %add3A_277, %sign3A_280 : i32
    %sign3A_282 = arith.extui %sign3A_281 : i1 to i32
    %sign3A_283 = arith.constant 0 : i32
    %sign3A_284 = arith.cmpi slt, %add3A_277, %sign3A_283 : i32
    %sign3A_285 = arith.extui %sign3A_284 : i1 to i32
    %sign3A_286 = arith.subi %sign3A_282, %sign3A_285 : i32
    %sign3A_287 = arith.constant 0 : i32
    %sign3A_288 = arith.cmpi sgt, %jit3A_278, %sign3A_287 : i32
    %sign3A_289 = arith.extui %sign3A_288 : i1 to i32
    %sign3A_290 = arith.constant 0 : i32
    %sign3A_291 = arith.cmpi slt, %jit3A_278, %sign3A_290 : i32
    %sign3A_292 = arith.extui %sign3A_291 : i1 to i32
    %sign3A_293 = arith.subi %sign3A_289, %sign3A_292 : i32
    %ne3A_294 = arith.cmpi ne, %sign3A_286, %sign3A_293 : i32
    %rem3A_295 = arith.remsi %add3A_277, %jit3A_278 : i32
    %ne3A_296 = arith.constant 0 : i32
    %ne3A_297 = arith.cmpi ne, %rem3A_295, %ne3A_296 : i32
    %and3A_298 = arith.andi %ne3A_294, %ne3A_297 : i1
    %sub3A_299 = arith.constant 1 : i32
    %sub3A_300 = arith.subi %div3A_279, %sub3A_299 : i32
    %select_n3A_301 = arith.select %and3A_298, %sub3A_300, %div3A_279 : i32
    %rem3A_302 = arith.constant 32 : i32
    %rem3A_303 = arith.remsi %add3A_277, %rem3A_302 : i32
    %dma_wait3A_304 = arith.constant 1 : i32
    %dma_wait3A_305 = arith.constant 0 : i32
    %dma_wait3A_306 = arith.constant 0 : i32
    %dma_wait3A_307 = arith.constant 0 : i32
    %dma_wait3A_308 = tpu.memref_slice %arg11[%dma_wait3A_304, %dma_wait3A_305, %dma_wait3A_306, %dma_wait3A_307] : memref<2x8x8x129xf32, #tpu.memory_space<vmem>> -> memref<1x8x8x128xf32, #tpu.memory_space<vmem>>
    %dma_wait3A_309 = tpu.memref_squeeze %dma_wait3A_308 : memref<1x8x8x128xf32, #tpu.memory_space<vmem>> -> memref<8x8x128xf32, #tpu.memory_space<vmem>>
    %dma_wait3A_310 = arith.constant 0 : i32
    %dma_wait3A_311 = arith.constant 0 : i32
    %dma_wait3A_312 = arith.constant 0 : i32
    %dma_wait3A_313 = tpu.memref_slice %arg6[%select_n3A_301, %dma_wait3A_310, %rem3A_303, %dma_wait3A_311, %dma_wait3A_312] : memref<200x8x32x8x128xf32, #tpu.memory_space<hbm>> -> memref<1x8x1x8x128xf32, #tpu.memory_space<hbm>>
    %dma_wait3A_314 = tpu.memref_squeeze %dma_wait3A_313 : memref<1x8x1x8x128xf32, #tpu.memory_space<hbm>> -> memref<8x8x128xf32, #tpu.memory_space<hbm>>
    %dma_wait3A_315 = arith.constant 0 : i32
    %dma_wait3A_316 = arith.constant 0 : i32
    %dma_wait3A_317 = arith.constant 0 : i32
    %dma_wait3A_318 = tpu.memref_slice %arg6[%select_n3A_301, %dma_wait3A_315, %rem3A_303, %dma_wait3A_316, %dma_wait3A_317] : memref<200x8x32x8x128xf32, #tpu.memory_space<hbm>> -> memref<1x8x1x8x128xf32, #tpu.memory_space<hbm>>
    %dma_wait3A_319 = tpu.memref_squeeze %dma_wait3A_318 : memref<1x8x1x8x128xf32, #tpu.memory_space<hbm>> -> memref<8x8x128xf32, #tpu.memory_space<hbm>>
    %dma_wait3A_320 = arith.constant 0 : i32
    %dma_wait3A_321 = arith.constant 0 : i32
    %dma_wait3A_322 = arith.constant 0 : i32
    %dma_wait3A_323 = tpu.memref_slice %arg11[%dma_wait3A_304, %dma_wait3A_320, %dma_wait3A_321, %dma_wait3A_322] : memref<2x8x8x129xf32, #tpu.memory_space<vmem>> -> memref<1x8x8x128xf32, #tpu.memory_space<vmem>>
    %dma_wait3A_324 = tpu.memref_squeeze %dma_wait3A_323 : memref<1x8x8x128xf32, #tpu.memory_space<vmem>> -> memref<8x8x128xf32, #tpu.memory_space<vmem>>
    tpu.wait_dma2 semaphore(%arg17 : memref<!tpu.dma_semaphore, #tpu.memory_space<semaphore_mem>>) src(%dma_wait3A_324 : memref<8x8x128xf32, #tpu.memory_space<vmem>>) dst(%dma_wait3A_319 : memref<8x8x128xf32, #tpu.memory_space<hbm>>)
    return
  }
}

</mosaic_0001>

<sc_bundles>
// kernel: _sc_embed.3.cloned.1.call-start
scs
__scs_entry_jumppad:
0x0: {  	(pc) =	sbr.rel $0x88, $3  }
0x1: {  	(tag) =	ssettag $0x0;
	lr =	simm.s32 $0x1  }
0x2: {  	[smem:$0x3F9D] =	sst lr;
	_ =	strace $0xD0000000  }
0x3: {  	_ = 	snop  }
0x4: {  	_ = 	snop  }
0x5: {  	_ = 	snop  }
0x6: {  	_ = 	snop  }
0x7: {  	_ = 	snop  }
__scs_overlays_trampoline_lowered:
0x8: {  	[smem:$0x3FAC] =	sst s0  }
0x9: {  	[smem:$0x3FAD] =	sst s1  }
0xa: {  	[smem:$0x3FAE] =	sst s2  }
0xb: {  	[smem:$0x3FAF] =	sst s3  }
0xc: {  	[smem:$0x3FB0] =	sst s4  }
0xd: {  	[smem:$0x3FB1] =	sst s5  }
0xe: {  	[smem:$0x3FB2] =	sst s6  }
0xf: {  	[smem:$0x3FB3] =	sst s7  }
0x10: {  	[smem:$0x3FB4] =	sst s8  }
0x11: {  	[smem:$0x3FB5] =	sst s9;
	s0 =	simm.s32 @!p0 $0x0  }
0x12: {  	s1 =	sld [smem:$0x3F9B];
	s0 =	simm.s32 @p0 $0x1  }
0x13: {  	[smem:$0x3FB6] =	sst s0;
	s0 =	simm.s32 @!p1 $0x0  }
0x14: {  	s2 =	sld [smem:$0x3F9A];
	s0 =	simm.s32 @p1 $0x1  }
0x15: {  	[smem:$0x3FB7] =	sst s0;
	s0 =	simm.s32 @!p2 $0x0  }
0x16: {  	s3 =	sld [smem:$0x3FDB];
	s0 =	simm.s32 @p2 $0x1  }
0x17: {  	s4 =	simm.s32 $0x1BF5;
	[smem:$0x3FB9] =	sst s0  }
0x18: {  	s0 =	sld [smem:$0x3F9C];
	_ =	swait.ge [sflag:s4], $0x0  }
0x19: {  	s7 =	sld [smem:$0x3F9D]  }
0x1a: {  	s8 =	sadd.s32 $0xFFFFE003, lr  }
0x1b: {  	s9 =	sadd.s32 $0xFFFFFEF7, lr;
	s5 =	simm.s32 $0xFFFFFFFF;
	p2 =	slt.u32 s8, $0xFFFFF086  }
0x1c: {  	p1 =	slt.u32 s9, $0xF7A;
	s5 =	simm.s32 @!p2 $0x0  }
0x1d: {  	s5 =	simm.s32 @p1 $0x1;
	p0 =	seq.s32 s7, s2  }
0x1e: {  	s7 =	smul.u32 @!p0 $0xF7A, s2;
	p2 =	seq.s32 @!p0 s5, $0x0  }
0x1f: {  	s9 =	smul.u32 $0xF7A, s1;
	s8 =	simm.s32 @!p0 $0x1BF5;
	p2 =	por !p2, p0  }
0x20: {  	[sflag:s8] =	ssyncset.s32 @!p0 $0xFFFFF086;
	s6 =	sadd.s32 @!p0 s3, s7;
	s7 =	simm.s32 @!p0 $0x108  }
0x21: {  	s3 =	sadd.s32 s3, s9;
	s6 =	sadd.s32 @!p0 $0x88, s6;
	s7 =	simm.s32 @p2 $0x1082  }
0x22: {  	[simem:s7], [sflag:s8] =	dma.local @!p0 [hbm:s6], $0xF7A  }
0x23: {  	s9 =	sor.u32 $0xD0000000, s2;
	s6 =	simm.s32 $0x108;
	_ =	swait.ge @!p0 [sflag:s8], $0x0  }
0x24: {  	s3 =	sadd.s32 $0x88, s3;
	s6 =	simm.s32 @!p1 $0x1082;
	[sflag:s4] =	ssyncset.s32 $0xFFFFF086  }
0x25: {  	[simem:s6], [sflag:s4] =	dma.local [hbm:s3], $0xF7A  }
0x26: {  	[smem:$0x3F9D] =	sst s1;
	(tag) =	ssettag s2;
	_ =	strace s9  }
0x27: {  	s1 =	sld [smem:$0x3FAD]  }
0x28: {  	s2 =	sld [smem:$0x3FAE]  }
0x29: {  	s4 =	sld [smem:$0x3FB0]  }
0x2a: {  	p0 =	seq.s32 s5, $0x0;
	s5 =	sld [smem:$0x3FB1]  }
0x2b: {  	s6 =	sld [smem:$0x3FB2]  }
0x2c: {  	s7 =	sld [smem:$0x3FB3]  }
0x2d: {  	s3 =	simm.s32 $0x108;
	s8 =	sld [smem:$0x3FB4]  }
0x2e: {  	s3 =	simm.s32 @!p0 $0x1082;
	s9 =	sld [smem:$0x3FB5]  }
0x2f: {  	lr =	sadd.s32 s0, s3;
	s0 =	sld [smem:$0x3FAC]  }
0x30: {  	s3 =	sld [smem:$0x3FAF]  }
0x31: {  	[smem:$0x3FB8] =	sst s10  }
0x32: {  	s10 =	sld [smem:$0x3FB6];
	_ =	sdelay $0x3  }
0x33: {  	p0 =	seq.s32 s10, $0x1;
	s10 =	sld [smem:$0x3FB8];
	_ =	sdelay $0x3  }
0x34: {  	[smem:$0x3FB8] =	sst s10  }
0x35: {  	s10 =	sld [smem:$0x3FB7];
	_ =	sdelay $0x3  }
0x36: {  	p1 =	seq.s32 s10, $0x1;
	s10 =	sld [smem:$0x3FB8];
	_ =	sdelay $0x3  }
0x37: {  	[smem:$0x3FB8] =	sst s10  }
0x38: {  	s10 =	sld [smem:$0x3FB9]  }
0x39: {  	_ = 	snop;
	(pc) =	sbr.ind lr, $3  }
0x3a: {  	_ = 	snop  }
0x3b: {  	_ = 	snop  }
0x3c: {  	p2 =	seq.s32 s10, $0x1;
	s10 =	sld [smem:$0x3FB8]  }
0x3d: {  	_ =	shalt  }
0x3e: {  	_ =	shalt  }
0x3f: {  	_ =	shalt  }
0x40: {  	_ =	shalt  }
0x41: {  	_ =	shalt  }
0x42: {  	_ =	shalt  }
0x43: {  	_ =	shalt  }
0x44: {  	_ =	shalt  }
0x45: {  	_ =	shalt  }
0x46: {  	_ =	shalt  }
0x47: {  	_ =	shalt  }
0x48: {  	_ =	shalt  }
0x49: {  	_ =	shalt  }
0x4a: {  	_ =	shalt  }
0x4b: {  	_ =	shalt  }
0x4c: {  	_ =	shalt  }
0x4d: {  	_ =	shalt  }
0x4e: {  	_ =	shalt  }
0x4f: {  	_ =	shalt  }
0x50: {  	_ =	shalt  }
0x51: {  	_ =	shalt  }
0x52: {  	_ =	shalt  }
0x53: {  	_ =	shalt  }
0x54: {  	_ =	shalt  }
0x55: {  	_ =	shalt  }
0x56: {  	_ =	shalt  }
0x57: {  	_ =	shalt  }
0x58: {  	_ =	shalt  }
0x59: {  	_ =	shalt  }
0x5a: {  	_ =	shalt  }
0x5b: {  	_ =	shalt  }
0x5c: {  	_ =	shalt  }
0x5d: {  	_ =	shalt  }
0x5e: {  	_ =	shalt  }
0x5f: {  	_ =	shalt  }
0x60: {  	_ =	shalt  }
0x61: {  	_ =	shalt  }
0x62: {  	_ =	shalt  }
0x63: {  	_ =	shalt  }
0x64: {  	_ =	shalt  }
0x65: {  	_ =	shalt  }
0x66: {  	_ =	shalt  }
0x67: {  	_ =	shalt  }
0x68: {  	_ =	shalt  }
0x69: {  	_ =	shalt  }
0x6a: {  	_ =	shalt  }
0x6b: {  	_ =	shalt  }
0x6c: {  	_ =	shalt  }
0x6d: {  	_ =	shalt  }
0x6e: {  	_ =	shalt  }
0x6f: {  	_ =	shalt  }
0x70: {  	_ =	shalt  }
0x71: {  	_ =	shalt  }
0x72: {  	_ =	shalt  }
0x73: {  	_ =	shalt  }
0x74: {  	_ =	shalt  }
0x75: {  	_ =	shalt  }
0x76: {  	_ =	shalt  }
0x77: {  	_ =	shalt  }
0x78: {  	_ =	shalt  }
0x79: {  	_ =	shalt  }
0x7a: {  	_ =	shalt  }
0x7b: {  	_ =	shalt  }
0x7c: {  	_ =	shalt  }
0x7d: {  	_ =	shalt  }
0x7e: {  	_ =	shalt  }
0x7f: {  	_ =	shalt  }
0x80: {  	_ =	shalt  }
0x81: {  	_ =	shalt  }
0x82: {  	_ =	shalt  }
0x83: {  	_ =	shalt  }
0x84: {  	_ =	shalt  }
0x85: {  	_ =	shalt  }
0x86: {  	_ =	shalt  }
0x87: {  	_ =	shalt  }
.Lfunc_end0:
.L_simem_size_0:
called_computation_lowered:
.L_overlay_start_0:
0x88: {  	s2 =	sld [smem:$0x3FD9]  }
0x89: {  	s3 =	sld [smem:$0x3FFE];
	_ =	sdelay $0x1  }
0x8a: {  	s1 =	srdreg.scid  }
0x8b: {  	s0 =	sand.u32 $0x1, s1  }
0x8c: {  	s17 =	sshll.u32 s0, $0xA;
	s2 =	sadd.s32 s3, s2  }
0x8d: {  	s2 =	sadd.s32 s2, s17  }
0x8e: {  	[smem:$0x3FC4] =	sst s2  }
0x8f: {  	_ = 	snop  }
0x90: {  	s2 =	sld [smem:$0x3FC9]  }
0x91: {  	s18 =	sld [smem:$0x3FC8]  }
0x92: {  	s4 =	sld [smem:$0x3FC7]  }
0x93: {  	s5 =	sld [smem:$0x3FD0];
	(tm) =	ssettm $0x1  }
0x94: {  	s6 =	sld [smem:$0x3FFB];
	_ =	sdelay $0x3  }
0x95: {  	_ =	strace s6  }
0x96: {  	s6 =	sld [smem:$0x3FFC];
	_ =	sdelay $0x3  }
0x97: {  	_ =	strace s6  }
0x98: {  	s6 =	sld [smem:$0x3FFD];
	_ =	sdelay $0x3  }
0x99: {  	_ =	strace s6  }
0x9a: {  	_ =	strace $0x8FFFFFFF  }
0x9b: {  	s19 =	sld [smem:$0x3FDB];
	_ =	sdelay $0x1  }
0x9c: {  	s7 =	simm.s32 $_scs_section_size  }
0x9d: {  	s8 =	simm.s32 $_size__tile_overlayer_lowered;
	s9 =	simm.s32 $_tile_overlayer_lowered  }
0x9e: {  	s22 =	simm.s32 $0x1BFF;
	s21 =	sshll.u32 s9, $0x1;
	s6 =	sadd.s32 s7, s19  }
0x9f: {  	s10 =	simm.s32 $0x0;
	s20 =	sshll.u32 s8, $0x1;
	s8 =	sadd.s32 s21, s6  }
0xa0: {  	[timem:s10], [sflag:s22] =	dma.local [hbm:s8], s20  }
0xa1: {  	_ =	swait.ge [sflag:s22], s20  }
0xa2: {  	s7 =	ssub.s32 $0x0, s20;
	[sflag:s22] =	ssyncset.done $0x0  }
0xa3: {  	[sflag:s22] =	ssyncadd.s32 s7;
	_ =	sdelay $0x1  }
0xa4: {  	s23 =	simm.s32 $0x1B8B  }
0xa5: {  	_ =	swait.ge [sflag:s23], $0x1  }
0xa6: {  	[sflag:s23] =	ssyncset.done $0x0  }
0xa7: {  	s25 =	simm.s32 $0x1B8E;
	s24 =	sld [smem:$0x3FFE];
	[sflag:s23] =	ssyncadd.s32 $0xFFFFFFFF  }
0xa8: {  	s26 =	simm.s32 $execute0_lowered;
	[smem:$0x3FD2] =	sst s25  }
0xa9: {  	s8 =	sshll.u32 s26, $0x1;
	_ =	strace $0x80000046;
	[dreg:$0x1] =	wrdreg $0xFFFFFFFF  }
0xaa: {  	s28 =	simm.s32 $_size_execute0_lowered;
	s6 =	sadd.s32 s6, s8;
	[dreg:$0x0] =	wrdreg $0x0  }
0xab: {  	s8 =	sshll.u32 s28, $0x1;
	[dreg:$0x2] =	wrdreg s6  }
0xac: {  	[dreg:$0x3] =	wrdreg s8  }
0xad: {  	[dreg:$0x4] =	wrdreg $0xC0  }
0xae: {  	_ =	task [dreg:s10], $0x5FFFF  }
0xaf: {  	[dreg:$0x1] =	wrdreg $0xFFFFFFFF  }
0xb0: {  	[dreg:$0x0] =	wrdreg $0x60  }
0xb1: {  	[dreg:$0x2] =	wrdreg s2  }
0xb2: {  	[dreg:$0x3] =	wrdreg s18  }
0xb3: {  	[dreg:$0x4] =	wrdreg s4  }
0xb4: {  	[dreg:$0x5] =	wrdreg s24  }
0xb5: {  	[dreg:$0x6] =	wrdreg s5  }
0xb6: {  	[dreg:$0x7] =	wrdreg $0x9  }
0xb7: {  	_ =	task.clear_ibuf [dreg:s10], $0x8FFFF;
	_ =	strace $0x90000046  }
0xb8: {  	s29 =	simm.s32 $0x9;
	_ =	strace $0x80000048  }
0xb9: {  	_ =	swait.ge [sflag:s29], $0x1  }
0xba: {  	[sflag:s29] =	ssyncadd.s32 $0xFFFFFFFF  }
0xbb: {  	_ =	strace $0x90000048  }
0xbc: {  	_ =	sfence  }
0xbd: {  	s30 =	sld [smem:$0x0];
	_ =	sdelay $0x2  }
0xbe: {  	s31 =	sshll.u32 s1, $0xD;
	s1 =	sshrl.u32 s1, $0x2  }
0xbf: {  	s3 =	sand.u32 $0x4000, s31;
	s1 =	sadd.s32 s1, s30  }
0xc0: {  	s0 =	sor.u32 s3, s0;
	s1 =	sshll.u32 s1, $0x11  }
0xc1: {  	s0 =	sor.u32 s1, s0  }
0xc2: {  	s0 =	sadd.s32 $0x8F2B, s0  }
0xc3: {  	[sflag:s0] =	ssyncadd.remote.s32 $0x1  }
0xc4: {  	_ =	sfence.sel $0xFFFF  }
0xc5: {  	[dreg:$0x0] =	wrdreg $0xFFFFFFFF;
	(pc) =	sbr.abs _section_cstart, $3  }
0xc6: {  	[dreg:$0x1] =	wrdreg $0xFFFFFFFF  }
0xc7: {  	_ =	task.clear_ibuf [dreg:s10], $0x2FFFF;
	_ =	strace $0x9FFFFFFF  }
0xc8: {  	(tm) =	ssettm $0x7FFFFFFF  }
0xc9: {  	_ =	shalt  }
tec
execute0_lowered:
.L_overlay_start_1:
0x0: {  	(tag) =	ssettag $0x1  }
0x1: {  	s0 =	rddreg [dreg:$0x0]  }
0x2: {  	s1 =	rddreg [dreg:$0x1]  }
0x3: {  	s2 =	rddreg [dreg:$0x2];
	s5 =	srdreg.scid  }
0x4: {  	s3 =	rddreg [dreg:$0x3];
	v34 =	vlaneseq.u32;
	s6 =	sand.u32 $0x1, s5;
	s5 =	simm.s32 $0x0  }
0x5: {  	v35 =	vmul.u32 $0x88, v34;
	v42 =	vor.u32 $0x10, v34;
	[smem:$0x7FF] =	sst s5  }
0x6: {  	s4 =	rddreg [dreg:$0x4];
	_ =	strace $0x80000047;
	[tilespmem:$0x1FFB0] =	vst v42  }
0x7: {  	v44 =	vor.u32 $0x20, v34;
	[tilespmem:$0x1FFC0] =	vst v35  }
0x8: {  	v0 =	vadd.s32 $0x882, v35;
	[tilespmem:$0x1FFE0] =	vst v44  }
0x9: {  	v1 =	vadd.s32 $0x1987, v35;
	[tilespmem:$0x1FE40] =	vst v0  }
0xa: {  	v60 =	vor.u32 $0x1, v35;
	[tilespmem:$0x1FE90] =	vst v1  }
0xb: {  	v53 =	vadd.s32 $0x1980, v35;
	[tilespmem:$0x1FEA0] =	vst v60  }
0xc: {  	v29 =	vadd.s32 $0x885, v35;
	[tilespmem:$0x1FEB0] =	vst v53  }
0xd: {  	v30 =	vadd.s32 $0x1105, v35;
	[tilespmem:$0x1FED0] =	vst v29  }
0xe: {  	v31 =	vadd.s32 $0x1985, v35;
	[tilespmem:$0x1FEE0] =	vst v30  }
0xf: {  	v32 =	vor.u32 $0x6, v35;
	[tilespmem:$0x1FEF0] =	vst v31  }
0x10: {  	v3 =	vadd.s32 $0x886, v35;
	[tilespmem:$0x1FF00] =	vst v32  }
0x11: {  	v4 =	vadd.s32 $0x1106, v35;
	[tilespmem:$0x1FF10] =	vst v3  }
0x12: {  	v33 =	vadd.s32 $0x1986, v35;
	[tilespmem:$0x1FF20] =	vst v4  }
0x13: {  	v2 =	vor.u32 $0x7, v35;
	[tilespmem:$0x1FF30] =	vst v33  }
0x14: {  	v36 =	vadd.s32 $0x887, v35;
	[tilespmem:$0x1FF40] =	vst v2  }
0x15: {  	s7 =	stileid.u32;
	v37 =	vadd.s32 $0x1107, v35;
	[tilespmem:$0x1FF50] =	vst v36  }
0x16: {  	s16 =	simm.s32 $0x9800;
	s17 =	simm.s32 $0x9600;
	s19 =	simm.s32 $0xD800;
	v5 =	vadd.s32 $0x1103, v35;
	[tilespmem:$0x1FF60] =	vst v37  }
0x17: {  	s22 =	simm.s32 $0x11800;
	s29 =	simm.s32 $0x19800;
	s30 =	simm.s32 $0x2;
	v8 =	vadd.s32 $0x884, v35;
	[tilespmem:$0x1FF70] =	vst v5  }
0x18: {  	s31 =	simm.s32 $0x8;
	s18 =	simm.s32 $0x9;
	s7 =	sshll.u32 s7, $0x1;
	v15 =	vadd.s32 $0x1982, v35;
	[tilespmem:$0x1FF80] =	vst v8  }
0x19: {  	s20 =	simm.s32 $0x5;
	s21 =	simm.s32 $0x4;
	s7 =	sor.u32 s6, s7;
	v25 =	vor.u32 $0x3, v35;
	[tilespmem:$0x1FF90] =	vst v15  }
0x1a: {  	s3 =	sadd.s32 $0x400, s3;
	s6 =	ssub.s32 $0x2, s6;
	s8 =	smul.u32 $0xC80, s7;
	v23 =	vadd.s32 $0x1104, v35;
	[tilespmem:$0x1FFA0] =	vst v25  }
0x1b: {  	s14 =	simm.s32 $0x6;
	[dreg:$0x6] =	wrdreg s3;
	s23 =	sshrl.u32 s6, $0x1;
	v27 =	vadd.s32 $0x883, v35;
	[tilespmem:$0x1FFD0] =	vst v23  }
0x1c: {  	s7 =	smul.u32 $0xC8, s7;
	s3 =	ssub.s32 s6, s23;
	v0 =	vadd.s32 $0x1102, v35;
	[tilespmem:$0x1FFF0] =	vst v27;
	s1 =	sadd.s32 s1, s8  }
0x1d: {  	s23 =	simm.s32 $0xA;
	s24 =	sadd.s32 s2, s8;
	[tilespmem:$0x1FE50] =	vst v0;
	v0 =	vadd.s32 $0x1983, v35;
	[dreg:$0x8] =	wrdreg s1  }
0x1e: {  	s28 =	smax.u32 s3, $0x1;
	s3 =	simm.s32 $0x1BA00;
	[dreg:$0x7] =	wrdreg s24;
	[tilespmem:$0x1FE60] =	vst v0;
	v0 =	vor.u32 $0x4, v35  }
0x1f: {  	v46 =	vor.u32 $0x30, v34;
	v48 =	vadd.s32 $0x880, v35;
	s8 =	simm.s32 $0x0;
	s25 =	sadd.s32 $0x10, s24;
	[dreg:$0xb] =	wrdreg s28;
	[tilespmem:$0x1FE70] =	vst v0;
	v0 =	vadd.s32 $0x1984, v35  }
0x20: {  	v49 =	vadd.s32 $0x1100, v35;
	v55 =	vadd.s32 $0x881, v35;
	s26 =	sadd.s32 $0x20, s24;
	s1 =	simm.s32 $0x3;
	[dreg:$0x9] =	wrdreg s25;
	[tilespmem:$0x1FE80] =	vst v0;
	v0 =	vor.u32 $0x5, v35  }
0x21: {  	v57 =	vadd.s32 $0x1101, v35;
	v56 =	vadd.s32 $0x1981, v35;
	v63 =	vor.u32 $0x2, v35;
	[dreg:$0xa] =	wrdreg s26;
	s25 =	simm.s32 $0x7;
	s26 =	simm.s32 $0x15800;
	[tilespmem:$0x1FEC0] =	vst v0  }
.LBB2_1:
0x22: {  	[dreg:$0xc] =	wrdreg s8  }
0x23: {  	s6 =	rddreg [dreg:$0x6];
	s15 =	simm.s32 $0xB  }
0x24: {  	[tilespmem:s5], [sflag:$0xB] =	stream.linear.gather [hbm4b:s6+s5], $0x3200, $0x38;
	[tilespmem:$0x1DC00] =	vst v63  }
0x25: {  	_ =	swait.ge [sflag:s15], $0x3200  }
0x26: {  	[sflag:s15] =	ssyncset.done $0x0  }
0x27: {  	s9 =	simm.s32 $0x3200;
	s24 =	rddreg [dreg:$0x8];
	[sflag:s15] =	ssyncadd.s32 $0xFFFFCE00  }
0x28: {  	[tilespmem:s9], [sflag:$0xB] =	stream.linear.gather [hbm4b:s24+s5], $0x6400, $0x38;
	[tilespmem:$0x1DC00] =	vst v63  }
0x29: {  	_ =	swait.ge [sflag:s15], $0x6400  }
0x2a: {  	[sflag:s15] =	ssyncset.done $0x0  }
0x2b: {  	s28 =	simm.s32 $0x80;
	[sflag:s15] =	ssyncadd.s32 $0xFFFF9C00  }
0x2c: {  	[tilespmem:s16], [sflag:$0x1] =	stream.indirect.gather [hbm4b:s0+s28], $0x80, s9, s28, $0xb8;
	[tilespmem:$0x1DC00] =	vst v63  }
0x2d: {  	s10 =	rddreg [dreg:$0x7]  }
0x2e: {  	[tilespmem:s17], [sflag:$0x7] =	stream.linear.gather [hbm4b:s10+s5], $0x80, $0x38;
	[tilespmem:$0x1DC00] =	vst v63  }
0x2f: {  	s11 =	simm.s32 $0x3280  }
0x30: {  	[tilespmem:s19], [sflag:$0x2] =	stream.indirect.gather [hbm4b:s0+s28], $0x80, s11, s28, $0xb8;
	[tilespmem:$0x1DC00] =	vst v63  }
0x31: {  	s13 =	simm.s32 $0x9680;
	s12 =	rddreg [dreg:$0x9]  }
0x32: {  	[tilespmem:s13], [sflag:$0x8] =	stream.linear.gather [hbm4b:s12+s5], $0x80, $0x38;
	[tilespmem:$0x1DC00] =	vst v63  }
0x33: {  	s15 =	simm.s32 $0x3300  }
0x34: {  	[tilespmem:s22], [sflag:$0x3] =	stream.indirect.gather [hbm4b:s0+s28], $0x80, s15, s28, $0xb8;
	[tilespmem:$0x1DC00] =	vst v63  }
0x35: {  	s24 =	rddreg [dreg:$0xa];
	s9 =	simm.s32 $0x0;
	s28 =	simm.s32 $0x9700  }
0x36: {  	[tilespmem:s28], [sflag:$0x9] =	stream.linear.gather [hbm4b:s24+s5], $0x80, $0x38;
	[tilespmem:$0x1DC00] =	vst v63  }
.LBB2_2:
0x37: {  	s6 =	simm.s32 $0x1  }
0x38: {  	_ =	swait.ge [sflag:s6], $0x4000  }
0x39: {  	[sflag:s6] =	ssyncset.done $0x0  }
0x3a: {  	s24 =	sshllo.u32 s9, $0x2;
	[sflag:s6] =	ssyncadd.s32 $0xFFFFC000  }
0x3b: {  	s8 =	sshll.u32 s24, $0x7;
	_ =	swait.ge [sflag:s25], $0x80  }
0x3c: {  	s8 =	sand.u32 $0x3FFFFF80, s8;
	[sflag:s25] =	ssyncset.done $0x0  }
0x3d: {  	s10 =	simm.s32 $0x80;
	s8 =	sadd.s32 $0x3200, s8;
	[sflag:s25] =	ssyncadd.s32 $0xFFFFFF80  }
0x3e: {  	[tilespmem:s26], [sflag:$0x4] =	stream.indirect.gather [hbm4b:s0+s10], $0x80, s8, s10, $0xb8;
	[tilespmem:$0x1DC00] =	vst v63  }
0x3f: {  	s10 =	sadd.s32 s7, s24  }
0x40: {  	s6 =	sshll.u32 s10, $0x4  }
0x41: {  	s11 =	sshll.u32 s9, $0x2;
	s6 =	sand.u32 $0x1FFFFFF0, s6  }
0x42: {  	s12 =	simm.s32 $0x9780;
	s8 =	sadd.s32 s7, s11;
	s6 =	sadd.s32 s2, s6  }
0x43: {  	[tilespmem:s12], [sflag:$0xA] =	stream.linear.gather [hbm4b:s6+s5], $0x80, $0x38;
	[tilespmem:$0x1DC00] =	vst v63  }
0x44: {  	s12 =	sshrl.u32 s8, $0x5  }
0x45: {  	s28 =	sshll.u32 s12, $0x6  }
0x46: {  	v13 =	vor.u32 s28, v34  }
0x47: {  	p0 =	seq.s32 s9, $0x0;
	s24 =	simm.s32 $0x6;
	v19 =	vor.u32 s28, v42;
	v20 =	vor.u32 s28, v44;
	v1 =	vor.u32 s28, v46;
	s28 =	simm.s32 $0x2  }
0x48: {  	s15 =	simm.s32 $0x3;
	s13 =	simm.s32 @!p0 $0x5;
	v22 =	vmov s24;
	s24 =	simm.s32 $0x7;
	[tilespmem:$0x1FCF0] =	vst v1;
	v17 =	vmov s28  }
0x49: {  	v7 =	vmov s24;
	s6 =	simm.s32 $0x1;
	v1 =	vmov s15;
	_ =	swait.ge @!p0 [sflag:s13], $0x2000;
	v9 =	vand.u32 $0x78, v17  }
0x4a: {  	v16 =	vmov s6;
	s6 =	simm.s32 $0x4;
	[tilespmem:$0x1FD60] =	vst v9;
	v9 =	vand.u32 $0x78, v7  }
0x4b: {  	v6 =	vmov s6;
	[tilespmem:$0x1FDF0] =	vst v9;
	v2 =	vadd.s32 v2, v9  }
0x4c: {  	s28 =	simm.s32 $0x5;
	v47 =	vand.u32 $0x78, v6;
	[sflag:s13] =	ssyncset.done @!p0 $0x0;
	v9 =	vand.u32 $0x78, v16;
	[tilespmem:$0x1FD80] =	vst v2  }
0x4d: {  	v10 =	vmov s28;
	[sflag:s13] =	ssyncadd.s32 @!p0 $0xFFFFE000;
	[tilespmem:$0x1FD90] =	vst v9;
	v2 =	vadd.s32 v23, v47  }
0x4e: {  	v11 =	vand.u32 $0x78, v10;
	v43 =	vld.idx.msk [tilespmem:v1+s17+$0x0], $0xffff;
	[tilespmem:$0x1FE00] =	vst v2  }
0x4f: {  	v2 =	vadd.s32 v60, v9;
	[tilespmem:$0x1FE10] =	vst v11  }
0x50: {  	s13 =	simm.s32 $0x0;
	[tilespmem:$0x1FD50] =	vst v2;
	v2 =	vadd.s32 v29, v11  }
0x51: {  	[tilespmem:$0x1FDB0] =	vst v2;
	v2 =	vadd.s32 s13, v35  }
0x52: {  	v0 =	vadd.s32 v0, v11;
	v38 =	vld.idx.msk [tilespmem:v22+s17+$0x0], $0xffff;
	[tilespmem:$0x1FD40] =	vst v2  }
0x53: {  	v52 =	vand.u32 $0x78, v1;
	v2 =	vadd.s32 v8, v47;
	[tilespmem:$0x1FD30] =	vst v0  }
0x54: {  	v0 =	vadd.s32 v27, v52;
	[tilespmem:$0x1FD00] =	vst v2;
	v2 =	vand.u32 $0x78, v22  }
0x55: {  	v51 =	vld.idx.msk [tilespmem:v10+s17+$0x0], $0xffff;
	[tilespmem:$0x1FD10] =	vst v0;
	v0 =	vadd.s32 v4, v2  }
0x56: {  	[tilespmem:$0x1FDA0] =	vst v0;
	v0 =	vadd.s32 v3, v2  }
0x57: {  	[tilespmem:$0x1FD20] =	vst v0  }
0x58: {  	v11 =	vld.idx.msk [tilespmem:v6+s17+$0x0], $0xffff  }
0x59: {  	v0 =	vadd.s32 v5, v52  }
0x5a: {  	v58 =	vlaneseq.u32;
	[tilespmem:$0x1FD70] =	vst v0;
	v0 =	vadd.s32 v46, v38  }
0x5b: {  	v18 =	vshll.u32 v6, $0x7;
	v12 =	vadd.s32 v34, v43;
	[tilespmem:$0x1FDD0] =	vst v0;
	v0 =	vand.u32 $0xFFFFFFF8, v0  }
0x5c: {  	v34 =	vmovc v42;
	v6 =	vadd.s32 v42, v38;
	v42 =	vshll.u32 v1, $0x7;
	v1 =	vand.u32 $0xFFFFFFF8, v12;
	[tilespmem:$0x1FDC0] =	vst v0  }
0x5d: {  	v39 =	vand.u32 $0x7, v12;
	v1 =	vadd.s32 v42, v1;
	v3 =	vld.idx.msk [tilespmem:v16+s17+$0x0], $0xffff;
	v41 =	vadd.s32 v58, v11  }
0x5e: {  	v9 =	vor.u32 v39, v1;
	v1 =	vand.u32 $0xFFFFFFF8, v41  }
0x5f: {  	v54 =	vand.u32 $0x7, v41;
	v1 =	vadd.s32 v18, v1  }
0x60: {  	v5 =	vor.u32 v54, v1  }
0x61: {  	v28 =	vshll.u32 v16, $0x7;
	v59 =	vshll.u32 v17, $0x7;
	v24 =	vadd.s32 v25, v52  }
0x62: {  	v22 =	vshll.u32 v22, $0x7;
	v45 =	vadd.s32 v44, v43;
	v1 =	vadd.s32 v58, v3  }
0x63: {  	v25 =	vand.u32 $0xFFFFFFF8, v45;
	v40 =	vadd.s32 v58, v38;
	v0 =	vld.idx.msk [tilespmem:v17+s17+$0x0], $0xffff;
	v26 =	vand.u32 $0xFFFFFFF8, v1  }
0x64: {  	v54 =	vld.idx.msk [tilespmem:v13+s13+$0x0], $0xffff;
	v1 =	vand.u32 $0x7, v1;
	v13 =	vadd.s32 v28, v26;
	v26 =	vadd.s32 v34, v11  }
0x65: {  	v17 =	vand.u32 $0x7, v45;
	v45 =	vor.u32 v1, v13;
	v1 =	vand.u32 $0xFFFFFFF8, v26;
	v41 =	vld.idx.msk [tilespmem:v5+s16+$0x0], $0xffff  }
0x66: {  	v14 =	vand.u32 $0xFFFFFFF8, v40;
	v13 =	vand.u32 $0x7, v26;
	v1 =	vadd.s32 v18, v1;
	v5 =	vld [tilespmem:$0x1FE70]  }
0x67: {  	v16 =	vadd.s32 v22, v14;
	v14 =	vor.u32 v13, v1;
	v13 =	vld.idx.msk [tilespmem:v9+s16+$0x0], $0xffff  }
0x68: {  	v9 =	vld [tilespmem:$0x1FCF0]  }
0x69: {  	v21 =	vand.u32 $0x7, v40  }
0x6a: {  	v15 =	vor.u32 v21, v16;
	_ =	sdelay $0x1  }
0x6b: {  	v50 =	vshll.u32 v10, $0x7;
	v23 =	vshll.u32 v7, $0x7;
	v10 =	vld.idx.msk [tilespmem:v7+s17+$0x0], $0xffff;
	v7 =	vadd.s32 v5, v47  }
0x6c: {  	v62 =	vadd.s32 v44, v38;
	v38 =	vand.u32 $0xFFFFFFF8, v6;
	v40 =	vld.idx.msk [tilespmem:v20+s13+$0x0], $0xffff  }
0x6d: {  	v61 =	vadd.s32 v58, v51;
	v39 =	vld.idx.msk [tilespmem:v19+s13+$0x0], $0xffff;
	v16 =	vadd.s32 v42, v25;
	v25 =	vand.u32 $0x7, v6  }
0x6e: {  	v4 =	vadd.s32 v46, v11;
	v27 =	vadd.s32 v44, v11;
	v11 =	vld.idx.msk [tilespmem:v15+s16+$0x0], $0xffff;
	v6 =	vadd.f32 v41, v54  }
0x6f: {  	v1 =	vadd.s32 v34, v43;
	v5 =	vand.u32 $0xFFFFFFF8, v61;
	v41 =	vld.idx.msk [tilespmem:v9+s13+$0x0], $0xffff  }
0x70: {  	v9 =	vadd.s32 v50, v5;
	v5 =	vand.u32 $0xFFFFFFF8, v1;
	[tilespmem:v7+s29+$0x0] =	vst.idx.msk $0xffff, v6;
	v6 =	vadd.s32 v32, v2  }
0x71: {  	v1 =	vand.u32 $0x7, v1;
	v5 =	vadd.s32 v42, v5  }
0x72: {  	v5 =	vor.u32 v1, v5;
	v1 =	vadd.f32 v13, v54  }
0x73: {  	v8 =	vmov s13;
	v11 =	vadd.f32 v11, v54  }
0x74: {  	[tilespmem:v24+s29+$0x0] =	vst.idx.msk $0xffff, v1  }
0x75: {  	[tilespmem:v6+s29+$0x0] =	vst.idx.msk $0xffff, v11  }
0x76: {  	v24 =	vld [tilespmem:$0x1FD00]  }
0x77: {  	v14 =	vld.idx.msk [tilespmem:v14+s16+$0x0], $0xffff  }
0x78: {  	v15 =	vld.idx.msk [tilespmem:v8+s17+$0x0], $0xffff;
	_ =	sdelay $0x2  }
0x79: {  	v20 =	vadd.s32 v58, v0  }
0x7a: {  	v7 =	vor.u32 v17, v16;
	v16 =	vadd.s32 v34, v0;
	v14 =	vadd.f32 v14, v39  }
0x7b: {  	v17 =	vadd.s32 v58, v10;
	v32 =	vand.u32 $0x7, v61;
	v61 =	vadd.s32 v58, v15  }
0x7c: {  	v58 =	vand.u32 $0xFFFFFFF8, v17;
	v1 =	vshll.u32 v8, $0x7;
	v8 =	vor.u32 v32, v9;
	[tilespmem:v24+s29+$0x0] =	vst.idx.msk $0xffff, v14  }
0x7d: {  	v32 =	vand.u32 $0x7, v16;
	v6 =	vand.u32 $0xFFFFFFF8, v16;
	v16 =	vadd.s32 v23, v58;
	v58 =	vld [tilespmem:$0x1FD10]  }
0x7e: {  	v5 =	vld.idx.msk [tilespmem:v5+s16+$0x0], $0xffff;
	_ =	sdelay $0x2  }
0x7f: {  	v19 =	vadd.s32 v22, v38  }
0x80: {  	v19 =	vor.u32 v25, v19  }
0x81: {  	v12 =	vadd.s32 v34, v51;
	v5 =	vadd.f32 v5, v39  }
0x82: {  	v26 =	vand.u32 $0x7, v12;
	v12 =	vand.u32 $0xFFFFFFF8, v12  }
0x83: {  	v12 =	vadd.s32 v50, v12;
	[tilespmem:v58+s29+$0x0] =	vst.idx.msk $0xffff, v5  }
0x84: {  	v12 =	vor.u32 v26, v12;
	v26 =	vld [tilespmem:$0x1FD20]  }
0x85: {  	v13 =	vld.idx.msk [tilespmem:v19+s16+$0x0], $0xffff;
	_ =	sdelay $0x3  }
0x86: {  	v9 =	vand.u32 $0xFFFFFFF8, v61;
	v11 =	vand.u32 $0x7, v61;
	v61 =	vand.u32 $0xFFFFFFF8, v62  }
0x87: {  	v6 =	vadd.s32 v59, v6;
	v13 =	vadd.f32 v13, v39;
	v14 =	vadd.s32 v44, v3  }
0x88: {  	v6 =	vor.u32 v32, v6;
	v24 =	vadd.s32 v22, v61;
	v61 =	vand.u32 $0xFFFFFFF8, v14  }
0x89: {  	v32 =	vand.u32 $0x7, v62;
	v62 =	vand.u32 $0x7, v14;
	[tilespmem:v26+s29+$0x0] =	vst.idx.msk $0xffff, v13;
	v26 =	vadd.s32 v28, v61  }
0x8a: {  	v13 =	vor.u32 v62, v26;
	v26 =	vld [tilespmem:$0x1FD30]  }
0x8b: {  	v8 =	vld.idx.msk [tilespmem:v8+s16+$0x0], $0xffff;
	_ =	sdelay $0x2  }
0x8c: {  	v9 =	vadd.s32 v1, v9  }
0x8d: {  	v9 =	vor.u32 v11, v9  }
0x8e: {  	v8 =	vadd.f32 v8, v54;
	_ =	sdelay $0x1  }
0x8f: {  	[tilespmem:v26+s29+$0x0] =	vst.idx.msk $0xffff, v8  }
0x90: {  	v62 =	vld [tilespmem:$0x1FD40]  }
0x91: {  	v9 =	vld.idx.msk [tilespmem:v9+s16+$0x0], $0xffff;
	_ =	sdelay $0x4  }
0x92: {  	v9 =	vadd.f32 v9, v54;
	_ =	sdelay $0x1  }
0x93: {  	v24 =	vor.u32 v32, v24;
	v32 =	vand.u32 $0xFFFFFFF8, v27;
	[tilespmem:v62+s29+$0x0] =	vst.idx.msk $0xffff, v9  }
0x94: {  	v14 =	vadd.s32 v18, v32;
	v32 =	vld [tilespmem:$0x1FD50]  }
0x95: {  	v45 =	vld.idx.msk [tilespmem:v45+s16+$0x0], $0xffff;
	_ =	sdelay $0x4  }
0x96: {  	v45 =	vadd.f32 v45, v54;
	_ =	sdelay $0x1  }
0x97: {  	[tilespmem:v32+s29+$0x0] =	vst.idx.msk $0xffff, v45  }
0x98: {  	v62 =	vld [tilespmem:$0x1FD70]  }
0x99: {  	v7 =	vld.idx.msk [tilespmem:v7+s16+$0x0], $0xffff;
	_ =	sdelay $0x2  }
0x9a: {  	v17 =	vand.u32 $0x7, v17  }
0x9b: {  	v16 =	vor.u32 v17, v16  }
0x9c: {  	v7 =	vadd.f32 v7, v40;
	_ =	sdelay $0x1  }
0x9d: {  	v32 =	vld [tilespmem:$0x1FD60];
	[tilespmem:v62+s29+$0x0] =	vst.idx.msk $0xffff, v7  }
0x9e: {  	v26 =	vld [tilespmem:$0x1FD80]  }
0x9f: {  	v16 =	vld.idx.msk [tilespmem:v16+s16+$0x0], $0xffff;
	_ =	sdelay $0x4  }
0xa0: {  	v16 =	vadd.f32 v16, v54  }
0xa1: {  	v21 =	vadd.s32 v34, v3  }
0xa2: {  	v38 =	vand.u32 $0xFFFFFFF8, v21;
	[tilespmem:v26+s29+$0x0] =	vst.idx.msk $0xffff, v16  }
0xa3: {  	v25 =	vand.u32 $0x7, v21;
	v11 =	vadd.s32 v34, v10;
	v17 =	vadd.s32 v44, v10;
	v21 =	vld [tilespmem:$0x1FDA0]  }
0xa4: {  	v61 =	vand.u32 $0xFFFFFFF8, v20;
	v9 =	vadd.s32 v46, v10;
	v10 =	vand.u32 $0x7, v20;
	v20 =	vld.idx.msk [tilespmem:v24+s16+$0x0], $0xffff;
	_ =	sdelay $0x4  }
0xa5: {  	v20 =	vadd.f32 v20, v40;
	_ =	sdelay $0x1  }
0xa6: {  	v58 =	vand.u32 $0x7, v27;
	v62 =	vadd.s32 v34, v15;
	v34 =	vld [tilespmem:$0x1FD90];
	[tilespmem:v21+s29+$0x0] =	vst.idx.msk $0xffff, v20  }
0xa7: {  	v8 =	vor.u32 v58, v14;
	v14 =	vadd.s32 v59, v61;
	v20 =	vld [tilespmem:$0x1FDB0]  }
0xa8: {  	v12 =	vld.idx.msk [tilespmem:v12+s16+$0x0], $0xffff;
	v10 =	vor.u32 v10, v14;
	_ =	sdelay $0x4  }
0xa9: {  	v61 =	vadd.s32 v28, v38;
	v12 =	vadd.f32 v12, v39;
	v58 =	vand.u32 $0xFFFFFFF8, v9;
	v10 =	vld.idx.msk [tilespmem:v10+s16+$0x0], $0xffff  }
0xaa: {  	v14 =	vadd.s32 v23, v58;
	v58 =	vor.u32 v25, v61  }
0xab: {  	v45 =	vadd.s32 v63, v32;
	[tilespmem:v20+s29+$0x0] =	vst.idx.msk $0xffff, v12  }
0xac: {  	v25 =	vand.u32 $0xFFFFFFF8, v4;
	v26 =	vand.u32 $0x7, v4;
	v4 =	vld [tilespmem:$0x1FDD0];
	_ =	sdelay $0x1  }
0xad: {  	v8 =	vld.idx.msk [tilespmem:v8+s16+$0x0], $0xffff;
	v10 =	vadd.f32 v10, v54  }
0xae: {  	v5 =	vand.u32 $0xFFFFFFF8, v17;
	v38 =	vand.u32 $0x7, v17;
	v17 =	vld.idx.msk [tilespmem:v58+s16+$0x0], $0xffff;
	[tilespmem:$0x1FDE0] =	vst v54  }
0xaf: {  	v19 =	vand.u32 $0x7, v11;
	v11 =	vand.u32 $0xFFFFFFF8, v11;
	v5 =	vadd.s32 v23, v5;
	v12 =	vld [tilespmem:$0x1FDC0];
	[tilespmem:v45+s29+$0x0] =	vst.idx.msk $0xffff, v10  }
0xb0: {  	v11 =	vadd.s32 v23, v11;
	v5 =	vor.u32 v38, v5;
	v38 =	vand.u32 $0x7, v4;
	v4 =	vld [tilespmem:$0x1FE00]  }
0xb1: {  	v7 =	vor.u32 v19, v11;
	_ =	sdelay $0x1  }
0xb2: {  	v23 =	vld [tilespmem:$0x1FDF0];
	_ =	sdelay $0x1  }
0xb3: {  	v11 =	vadd.s32 v44, v51  }
0xb4: {  	v8 =	vadd.f32 v8, v40;
	v61 =	vand.u32 $0xFFFFFFF8, v11;
	v7 =	vld.idx.msk [tilespmem:v7+s16+$0x0], $0xffff  }
0xb5: {  	v11 =	vand.u32 $0x7, v11;
	v19 =	vadd.s32 v50, v61;
	v54 =	vadd.s32 v55, v34  }
0xb6: {  	v11 =	vor.u32 v11, v19;
	v19 =	vand.u32 $0xFFFFFFF8, v62;
	v10 =	vadd.s32 v36, v23;
	[tilespmem:v4+s29+$0x0] =	vst.idx.msk $0xffff, v8  }
0xb7: {  	v24 =	vand.u32 $0x7, v62;
	v19 =	vadd.s32 v1, v19;
	v4 =	vld [tilespmem:$0x1FE40]  }
0xb8: {  	v17 =	vadd.f32 v17, v39;
	v16 =	vor.u32 v24, v19;
	v24 =	vld [tilespmem:$0x1FE10]  }
0xb9: {  	v18 =	vadd.s32 v18, v25;
	v7 =	vadd.f32 v7, v39  }
0xba: {  	v18 =	vor.u32 v26, v18;
	[tilespmem:v54+s29+$0x0] =	vst.idx.msk $0xffff, v17  }
0xbb: {  	v11 =	vld.idx.msk [tilespmem:v11+s16+$0x0], $0xffff;
	[tilespmem:v10+s29+$0x0] =	vst.idx.msk $0xffff, v7  }
0xbc: {  	v25 =	vadd.s32 v4, v32;
	v4 =	vld [tilespmem:$0x1FE80]  }
0xbd: {  	v6 =	vld.idx.msk [tilespmem:v6+s16+$0x0], $0xffff;
	v12 =	vadd.s32 v22, v12;
	v8 =	vadd.s32 v30, v24  }
0xbe: {  	v16 =	vld.idx.msk [tilespmem:v16+s16+$0x0], $0xffff;
	v12 =	vor.u32 v38, v12  }
0xbf: {  	v58 =	vadd.s32 v46, v43;
	v18 =	vld.idx.msk [tilespmem:v18+s16+$0x0], $0xffff  }
0xc0: {  	v61 =	vand.u32 $0xFFFFFFF8, v58;
	v11 =	vadd.f32 v11, v40;
	v36 =	vadd.s32 s13, v48  }
0xc1: {  	v62 =	vadd.s32 v44, v0;
	v26 =	vadd.s32 v46, v51;
	v38 =	vadd.s32 v4, v47  }
0xc2: {  	v21 =	vadd.s32 v42, v61;
	v20 =	vand.u32 $0x7, v58;
	v6 =	vadd.f32 v6, v39;
	[tilespmem:v8+s29+$0x0] =	vst.idx.msk $0xffff, v11  }
0xc3: {  	v16 =	vadd.f32 v16, v39;
	v12 =	vld.idx.msk [tilespmem:v12+s16+$0x0], $0xffff;
	v7 =	vor.u32 v20, v21;
	v10 =	vand.u32 $0xFFFFFFF8, v26;
	[tilespmem:$0x1FE20] =	vst v39  }
0xc4: {  	v17 =	vand.u32 $0x7, v26;
	v18 =	vadd.f32 v18, v41;
	v8 =	vadd.s32 v50, v10;
	[tilespmem:v25+s29+$0x0] =	vst.idx.msk $0xffff, v6  }
0xc5: {  	v10 =	vand.u32 $0xFFFFFFF8, v62;
	v8 =	vor.u32 v17, v8;
	[tilespmem:v36+s29+$0x0] =	vst.idx.msk $0xffff, v16  }
0xc6: {  	v11 =	vand.u32 $0x7, v62;
	v6 =	vadd.s32 v44, v15;
	v44 =	vadd.s32 v33, v2;
	[tilespmem:v38+s29+$0x0] =	vst.idx.msk $0xffff, v18  }
0xc7: {  	v47 =	vadd.s32 v46, v0;
	v10 =	vadd.s32 v59, v10;
	v43 =	vand.u32 $0xFFFFFFF8, v6;
	v0 =	vld [tilespmem:$0x1FE60]  }
0xc8: {  	v10 =	vor.u32 v11, v10;
	v7 =	vld.idx.msk [tilespmem:v7+s16+$0x0], $0xffff;
	v6 =	vand.u32 $0x7, v6;
	v11 =	vadd.s32 v1, v43  }
0xc9: {  	v12 =	vadd.f32 v12, v41;
	v13 =	vld.idx.msk [tilespmem:v13+s16+$0x0], $0xffff;
	v6 =	vor.u32 v6, v11  }
0xca: {  	v5 =	vld.idx.msk [tilespmem:v5+s16+$0x0], $0xffff  }
0xcb: {  	v9 =	vand.u32 $0x7, v9;
	v51 =	vadd.s32 v57, v34;
	v8 =	vld.idx.msk [tilespmem:v8+s16+$0x0], $0xffff;
	[tilespmem:v44+s29+$0x0] =	vst.idx.msk $0xffff, v12  }
0xcc: {  	v9 =	vor.u32 v9, v14;
	v11 =	vadd.s32 v46, v3;
	v50 =	vadd.s32 v0, v52;
	v0 =	vld [tilespmem:$0x1FE50]  }
0xcd: {  	v54 =	vadd.s32 v37, v23;
	v58 =	vadd.s32 v31, v24;
	v45 =	vand.u32 $0xFFFFFFF8, v11  }
0xce: {  	v11 =	vand.u32 $0x7, v11;
	v14 =	vadd.s32 v28, v45;
	v13 =	vadd.f32 v13, v40;
	v6 =	vld.idx.msk [tilespmem:v6+s16+$0x0], $0xffff  }
0xcf: {  	v10 =	vld.idx.msk [tilespmem:v10+s16+$0x0], $0xffff;
	v7 =	vadd.f32 v7, v41;
	v11 =	vor.u32 v11, v14  }
0xd0: {  	v62 =	vadd.s32 s13, v49;
	v5 =	vadd.f32 v5, v40;
	[tilespmem:v51+s29+$0x0] =	vst.idx.msk $0xffff, v13  }
0xd1: {  	v61 =	vadd.s32 v0, v32;
	[tilespmem:v50+s29+$0x0] =	vst.idx.msk $0xffff, v7;
	v7 =	vadd.f32 v8, v41  }
0xd2: {  	[tilespmem:v54+s29+$0x0] =	vst.idx.msk $0xffff, v5  }
0xd3: {  	v6 =	vadd.f32 v6, v40;
	[tilespmem:v58+s29+$0x0] =	vst.idx.msk $0xffff, v7  }
0xd4: {  	v10 =	vadd.f32 v10, v40;
	v5 =	vld.idx.msk [tilespmem:v11+s16+$0x0], $0xffff;
	[tilespmem:$0x1FE30] =	vst v40  }
0xd5: {  	v52 =	vand.u32 $0xFFFFFFF8, v47;
	[tilespmem:v62+s29+$0x0] =	vst.idx.msk $0xffff, v6  }
0xd6: {  	v16 =	vand.u32 $0x7, v47;
	v17 =	vadd.s32 v59, v52;
	[tilespmem:v61+s29+$0x0] =	vst.idx.msk $0xffff, v10  }
0xd7: {  	v16 =	vor.u32 v16, v17;
	v0 =	vld [tilespmem:$0x1FE90];
	_ =	sdelay $0x1  }
0xd8: {  	v8 =	vadd.s32 v46, v15  }
0xd9: {  	v7 =	vand.u32 $0xFFFFFFF8, v8  }
0xda: {  	v8 =	vand.u32 $0x7, v8;
	v1 =	vadd.s32 v1, v7;
	v7 =	vld.idx.msk [tilespmem:v9+s16+$0x0], $0xffff  }
0xdb: {  	s6 =	simm.s32 $0x8;
	v6 =	vor.u32 v8, v1;
	v8 =	vld.idx.msk [tilespmem:v16+s16+$0x0], $0xffff;
	v1 =	vadd.s32 v0, v23  }
.LBB2_3:
0xdc: {  	v0 =	vld [tilespmem:$0x1FF90];
	_ =	sdelay $0x4  }
0xdd: {  	s28 =	sadd.s32 $0x2, s6;
	v11 =	vadd.s32 v0, v32;
	v0 =	vld [tilespmem:$0x1FF40]  }
0xde: {  	v12 =	vmov s28;
	s28 =	sadd.s32 $0x6, s6;
	v9 =	vadd.s32 s13, v53;
	s13 =	smov.u32 s6  }
0xdf: {  	v19 =	vmov s28;
	s28 =	sadd.s32 $0x7, s13  }
0xe0: {  	v20 =	vmov s28  }
0xe1: {  	v42 =	vand.u32 $0x78, v20  }
0xe2: {  	v0 =	vadd.s32 v0, v42  }
0xe3: {  	[tilespmem:$0x1FC90] =	vst v0;
	v0 =	vld [tilespmem:$0x1FFD0]  }
0xe4: {  	s15 =	sadd.s32 $0x1, s6  }
0xe5: {  	v15 =	vmov s15;
	s15 =	sadd.s32 $0x4, s6  }
0xe6: {  	s24 =	sadd.s32 $0x3, s6;
	v17 =	vmov s15;
	v7 =	vadd.f32 v7, v41  }
0xe7: {  	v16 =	vmov s24;
	s24 =	sadd.s32 $0x5, s6;
	v44 =	vand.u32 $0x78, v17  }
0xe8: {  	v18 =	vmov s24;
	[tilespmem:v1+s29+$0x0] =	vst.idx.msk $0xffff, v7;
	v1 =	vand.u32 $0x78, v15;
	v0 =	vadd.s32 v0, v44  }
0xe9: {  	v43 =	vand.u32 $0x78, v18;
	[tilespmem:$0x1FCD0] =	vst v0;
	v0 =	vadd.s32 v60, v1  }
0xea: {  	[tilespmem:$0x1FC70] =	vst v0;
	v0 =	vadd.s32 v29, v43  }
0xeb: {  	[tilespmem:$0x1FCB0] =	vst v0;
	v0 =	vadd.s32 s13, v35  }
0xec: {  	[tilespmem:$0x1FC60] =	vst v0;
	v0 =	vld [tilespmem:$0x1FF80];
	_ =	sdelay $0x4  }
0xed: {  	v10 =	vadd.s32 v56, v34;
	v7 =	vadd.s32 v0, v44;
	v0 =	vld [tilespmem:$0x1FEC0]  }
0xee: {  	v6 =	vld.idx.msk [tilespmem:v6+s16+$0x0], $0xffff  }
0xef: {  	v54 =	vld [tilespmem:$0x1FFE0]  }
0xf0: {  	v5 =	vadd.f32 v5, v41;
	v53 =	vld [tilespmem:$0x1FFB0]  }
0xf1: {  	v13 =	vld.idx.msk [tilespmem:v16+s17+$0x0], $0xffff  }
0xf2: {  	[tilespmem:v10+s29+$0x0] =	vst.idx.msk $0xffff, v5;
	v5 =	vld.idx.msk [tilespmem:v19+s17+$0x0], $0xffff;
	v0 =	vadd.s32 v0, v43  }
0xf3: {  	[tilespmem:$0x1FC40] =	vst v0;
	v0 =	vld [tilespmem:$0x1FFA0]  }
0xf4: {  	v8 =	vadd.f32 v8, v41;
	v51 =	vld.idx.msk [tilespmem:v18+s17+$0x0], $0xffff  }
0xf5: {  	v45 =	vand.u32 $0x78, v16;
	v61 =	vshll.u32 v16, $0x7;
	v16 =	vld.idx.msk [tilespmem:v17+s17+$0x0], $0xffff  }
0xf6: {  	v58 =	vshll.u32 v15, $0x7;
	v15 =	vld.idx.msk [tilespmem:v15+s17+$0x0], $0xffff;
	[tilespmem:v11+s29+$0x0] =	vst.idx.msk $0xffff, v8  }
0xf7: {  	v38 =	vlaneseq.u32;
	v8 =	vld.idx.msk [tilespmem:v12+s17+$0x0], $0xffff  }
0xf8: {  	v37 =	vand.u32 $0x78, v12;
	v50 =	vshll.u32 v12, $0x7;
	v14 =	vadd.s32 v0, v45;
	v0 =	vld [tilespmem:$0x1FFF0]  }
0xf9: {  	v47 =	vand.u32 $0x78, v19;
	v59 =	vshll.u32 v17, $0x7;
	v52 =	vshll.u32 v18, $0x7;
	v10 =	vld.idx.msk [tilespmem:v20+s17+$0x0], $0xffff  }
0xfa: {  	v18 =	vshll.u32 v20, $0x7;
	v62 =	vadd.s32 v46, v13;
	v22 =	vadd.s32 v53, v5  }
0xfb: {  	v12 =	vadd.s32 v46, v5;
	v23 =	vadd.s32 v38, v51;
	v21 =	vadd.s32 v54, v5  }
0xfc: {  	v25 =	vadd.s32 v53, v51;
	v28 =	vadd.s32 v38, v15;
	v40 =	vadd.s32 v53, v16  }
0xfd: {  	[tilespmem:$0x1FD90] =	vst v1;
	v36 =	vand.u32 $0x7, v28;
	v20 =	vadd.s32 v38, v8;
	v0 =	vadd.s32 v0, v45  }
0xfe: {  	v4 =	vadd.s32 v53, v10;
	v1 =	vadd.f32 v6, v41;
	v6 =	vadd.s32 v38, v13;
	[tilespmem:$0x1FC20] =	vst v0;
	v0 =	vld [tilespmem:$0x1FF20]  }
0xff: {  	v60 =	vadd.s32 v38, v5;
	v5 =	vadd.s32 v54, v13;
	v13 =	vadd.s32 v53, v13  }
0x100: {  	v11 =	vand.u32 $0xFFFFFFF8, v6;
	v32 =	vand.u32 $0xFFFFFFF8, v60;
	v26 =	vand.u32 $0x7, v5  }
0x101: {  	v17 =	vand.u32 $0x7, v60;
	v33 =	vand.u32 $0xFFFFFFF8, v5;
	v5 =	vadd.s32 v38, v16  }
0x102: {  	v29 =	vand.u32 $0xFFFFFFF8, v28;
	v28 =	vand.u32 $0xFFFFFFF8, v22;
	v60 =	vand.u32 $0x7, v40  }
0x103: {  	[tilespmem:v9+s29+$0x0] =	vst.idx.msk $0xffff, v1;
	v9 =	vand.u32 $0x7, v6;
	v11 =	vadd.s32 v61, v11;
	v0 =	vadd.s32 v0, v47  }
0x104: {  	v34 =	vand.u32 $0xFFFFFFF8, v5;
	v35 =	vand.u32 $0x7, v5;
	v30 =	vadd.s32 v61, v33;
	[tilespmem:$0x1FCA0] =	vst v0;
	v0 =	vld [tilespmem:$0x1FF10]  }
0x105: {  	v39 =	vadd.s32 v58, v29;
	v29 =	vand.u32 $0xFFFFFFF8, v40;
	v33 =	vand.u32 $0x7, v22  }
0x106: {  	v40 =	vand.u32 $0xFFFFFFF8, v25;
	v24 =	vor.u32 v9, v11;
	v9 =	vshll.u32 v19, $0x7  }
0x107: {  	v11 =	vadd.s32 v46, v8;
	v26 =	vor.u32 v26, v30;
	v19 =	vadd.s32 v9, v32  }
0x108: {  	v28 =	vadd.s32 v9, v28;
	v32 =	vand.u32 $0x7, v25;
	v27 =	vor.u32 v17, v19  }
0x109: {  	v1 =	vld [tilespmem:$0x1FE70];
	v17 =	vadd.s32 v59, v34;
	v19 =	vor.u32 v36, v39;
	v0 =	vadd.s32 v0, v47  }
0x10a: {  	v34 =	vadd.s32 v54, v8;
	v36 =	vadd.s32 v59, v29;
	v39 =	vand.u32 $0xFFFFFFF8, v23;
	[tilespmem:$0x1FC30] =	vst v0;
	v0 =	vld [tilespmem:$0x1FF70]  }
0x10b: {  	v8 =	vadd.s32 v53, v8;
	v28 =	vor.u32 v33, v28;
	v31 =	vor.u32 v35, v17  }
0x10c: {  	v33 =	vadd.s32 v54, v10;
	v29 =	vor.u32 v60, v36;
	v3 =	vadd.s32 v52, v39  }
0x10d: {  	v60 =	vadd.s32 v38, v10;
	v39 =	vand.u32 $0xFFFFFFF8, v8;
	v8 =	vand.u32 $0x7, v8  }
0x10e: {  	v2 =	vadd.s32 v1, v44;
	v36 =	vadd.s32 v50, v39;
	v25 =	vand.u32 $0xFFFFFFF8, v60  }
0x10f: {  	v39 =	vld [tilespmem:$0x1FDE0];
	v1 =	vor.u32 v8, v36;
	v36 =	vadd.s32 v46, v10;
	v0 =	vadd.s32 v0, v45  }
0x110: {  	v30 =	vld.idx.msk [tilespmem:v31+s16+$0x0], $0xffff;
	v31 =	vand.u32 $0x7, v60;
	v60 =	vand.u32 $0xFFFFFFF8, v33;
	[tilespmem:$0x1FC80] =	vst v0;
	v0 =	vadd.s32 v46, v15  }
0x111: {  	v5 =	vadd.s32 v46, v16;
	v24 =	vld.idx.msk [tilespmem:v24+s16+$0x0], $0xffff;
	v10 =	vand.u32 $0xFFFFFFF8, v36;
	[tilespmem:$0x1FC50] =	vst v0;
	v0 =	vadd.s32 v54, v16  }
0x112: {  	v16 =	vadd.s32 v52, v40;
	v40 =	vadd.s32 v18, v25;
	v25 =	vadd.s32 v18, v60  }
0x113: {  	v60 =	vmovc v56;
	v56 =	vmovc v57;
	v57 =	vmov v55;
	v55 =	vmov v48;
	v48 =	vadd.s32 v54, v15  }
0x114: {  	[tilespmem:$0x1FCC0] =	vst v1;
	v8 =	vmovc v46;
	v1 =	vadd.s32 v18, v10;
	v46 =	vmov s13;
	v10 =	vand.u32 $0xFFFFFFF8, v48  }
0x115: {  	v30 =	vadd.f32 v30, v39;
	v48 =	vand.u32 $0x7, v48;
	v10 =	vadd.s32 v58, v10  }
0x116: {  	v22 =	vand.u32 $0x7, v4;
	v24 =	vadd.f32 v24, v39;
	v10 =	vor.u32 v48, v10;
	v48 =	vld [tilespmem:$0x1FF00]  }
0x117: {  	v4 =	vand.u32 $0xFFFFFFF8, v4;
	v23 =	vand.u32 $0x7, v23;
	v17 =	vadd.s32 v53, v15;
	[tilespmem:v2+s29+$0x0] =	vst.idx.msk $0xffff, v30  }
0x118: {  	v3 =	vor.u32 v23, v3;
	v27 =	vld.idx.msk [tilespmem:v27+s16+$0x0], $0xffff;
	[tilespmem:v14+s29+$0x0] =	vst.idx.msk $0xffff, v24;
	v14 =	vand.u32 $0xFFFFFFF8, v13;
	v13 =	vand.u32 $0x7, v13  }
0x119: {  	v14 =	vadd.s32 v61, v14;
	v15 =	vadd.s32 v63, v37;
	v2 =	vand.u32 $0xFFFFFFF8, v0;
	v24 =	vld.idx.msk [tilespmem:v46+s17+$0x0], $0xffff  }
0x11a: {  	v31 =	vor.u32 v31, v40;
	v0 =	vand.u32 $0x7, v0;
	v2 =	vadd.s32 v59, v2  }
0x11b: {  	v40 =	vmovc v63;
	v63 =	vmovc v49;
	v49 =	vand.u32 $0xFFFFFFF8, v34;
	v0 =	vor.u32 v0, v2;
	v48 =	vadd.s32 v48, v47  }
0x11c: {  	v2 =	vor.u32 v13, v14;
	v13 =	vand.u32 $0x7, v34;
	v34 =	vld [tilespmem:$0x1FE40];
	v30 =	vadd.s32 v50, v49  }
0x11d: {  	v4 =	vadd.s32 v18, v4;
	v27 =	vadd.f32 v27, v39;
	v13 =	vor.u32 v13, v30  }
0x11e: {  	v29 =	vld.idx.msk [tilespmem:v29+s16+$0x0], $0xffff;
	v30 =	vand.u32 $0x7, v33;
	v33 =	vshll.u32 v46, $0x7;
	v38 =	vadd.s32 v38, v24  }
0x11f: {  	v23 =	vadd.s32 v53, v24;
	v53 =	vand.u32 $0xFFFFFFF8, v38;
	v18 =	vand.u32 $0x7, v38;
	v38 =	vld [tilespmem:$0x1FE20]  }
0x120: {  	v6 =	vand.u32 $0xFFFFFFF8, v12;
	v3 =	vld.idx.msk [tilespmem:v3+s16+$0x0], $0xffff;
	[tilespmem:v48+s29+$0x0] =	vst.idx.msk $0xffff, v27;
	v27 =	vadd.s32 v33, v53  }
0x121: {  	v14 =	vadd.s32 v34, v37;
	v34 =	vadd.s32 v54, v24;
	v18 =	vor.u32 v18, v27  }
0x122: {  	v27 =	vand.u32 $0x7, v12;
	v12 =	vor.u32 v30, v25;
	v30 =	vadd.s32 v54, v51;
	v54 =	vld [tilespmem:$0x1FC40];
	_ =	sdelay $0x1  }
0x123: {  	v6 =	vadd.s32 v9, v6;
	v35 =	vand.u32 $0xFFFFFFF8, v17;
	v29 =	vadd.f32 v29, v38  }
0x124: {  	v3 =	vadd.f32 v3, v39;
	v32 =	vor.u32 v32, v16;
	v16 =	vand.u32 $0xFFFFFFF8, v11  }
0x125: {  	v19 =	vld.idx.msk [tilespmem:v19+s16+$0x0], $0xffff;
	v49 =	vand.u32 $0x7, v21;
	v21 =	vand.u32 $0xFFFFFFF8, v21;
	[tilespmem:v7+s29+$0x0] =	vst.idx.msk $0xffff, v29;
	v7 =	vand.u32 $0xFFFFFFF8, v34  }
0x126: {  	v21 =	vadd.s32 v9, v21;
	v53 =	vld [tilespmem:$0x1FC30];
	v25 =	vadd.s32 v33, v7;
	v7 =	vand.u32 $0xFFFFFFF8, v20  }
0x127: {  	v9 =	vand.u32 $0x7, v17;
	v28 =	vld.idx.msk [tilespmem:v28+s16+$0x0], $0xffff;
	v20 =	vand.u32 $0x7, v20;
	v7 =	vadd.s32 v50, v7  }
0x128: {  	v17 =	vand.u32 $0xFFFFFFF8, v62;
	v20 =	vor.u32 v20, v7;
	v7 =	vand.u32 $0x7, v11;
	v11 =	vld [tilespmem:$0x1FC20]  }
0x129: {  	v17 =	vadd.s32 v61, v17;
	v2 =	vld.idx.msk [tilespmem:v2+s16+$0x0], $0xffff;
	[tilespmem:v54+s29+$0x0] =	vst.idx.msk $0xffff, v3;
	v54 =	vand.u32 $0x7, v62  }
0x12a: {  	v21 =	vor.u32 v49, v21;
	v17 =	vor.u32 v54, v17;
	v54 =	vld [tilespmem:$0x1FC70]  }
0x12b: {  	v6 =	vor.u32 v27, v6;
	v27 =	vld.idx.msk [tilespmem:v32+s16+$0x0], $0xffff  }
0x12c: {  	v28 =	vadd.f32 v28, v38;
	v32 =	vld [tilespmem:$0x1FC50];
	_ =	sdelay $0x1  }
0x12d: {  	v24 =	vadd.s32 v8, v24;
	v2 =	vadd.f32 v2, v38;
	v18 =	vld.idx.msk [tilespmem:v18+s16+$0x0], $0xffff;
	[tilespmem:v53+s29+$0x0] =	vst.idx.msk $0xffff, v28  }
0x12e: {  	v19 =	vadd.f32 v19, v39;
	v49 =	vmovc v63;
	v63 =	vmovc v40;
	v40 =	vand.u32 $0xFFFFFFF8, v30;
	v29 =	vand.u32 $0xFFFFFFF8, v24;
	v3 =	vld.idx.msk [tilespmem:v21+s16+$0x0], $0xffff  }
0x12f: {  	v48 =	vadd.s32 v52, v40;
	v40 =	vand.u32 $0x7, v36;
	[tilespmem:v11+s29+$0x0] =	vst.idx.msk $0xffff, v2;
	v11 =	vadd.s32 v33, v29;
	v29 =	vld [tilespmem:$0x1FC60]  }
0x130: {  	v21 =	vor.u32 v40, v1;
	v40 =	vld [tilespmem:$0x1FE30];
	v28 =	vand.u32 $0xFFFFFFF8, v32  }
0x131: {  	v35 =	vadd.s32 v58, v35;
	[tilespmem:v54+s29+$0x0] =	vst.idx.msk $0xffff, v19;
	v19 =	vadd.s32 v58, v28;
	v58 =	vld [tilespmem:$0x1FC80]  }
0x132: {  	v26 =	vld.idx.msk [tilespmem:v26+s16+$0x0], $0xffff;
	_ =	sdelay $0x2  }
0x133: {  	v1 =	vadd.f32 v18, v39  }
0x134: {  	v46 =	vand.u32 $0x7, v23  }
0x135: {  	v23 =	vand.u32 $0xFFFFFFF8, v23;
	[tilespmem:v29+s29+$0x0] =	vst.idx.msk $0xffff, v1;
	v1 =	vadd.f32 v26, v40  }
0x136: {  	v23 =	vadd.s32 v33, v23  }
0x137: {  	[tilespmem:v58+s29+$0x0] =	vst.idx.msk $0xffff, v1;
	v1 =	vadd.f32 v3, v40;
	v3 =	vor.u32 v46, v23;
	v46 =	vmov v8;
	v8 =	vld [tilespmem:$0x1FC90]  }
0x138: {  	v31 =	vld.idx.msk [tilespmem:v31+s16+$0x0], $0xffff;
	_ =	sdelay $0x4  }
0x139: {  	v18 =	vld.idx.msk [tilespmem:v20+s16+$0x0], $0xffff;
	v20 =	vadd.f32 v31, v39;
	_ =	sdelay $0x1  }
0x13a: {  	[tilespmem:v8+s29+$0x0] =	vst.idx.msk $0xffff, v20;
	v8 =	vld [tilespmem:$0x1FCA0];
	_ =	sdelay $0x6  }
0x13b: {  	v9 =	vor.u32 v9, v35;
	v35 =	vld [tilespmem:$0x1FFC0]  }
0x13c: {  	[tilespmem:v8+s29+$0x0] =	vst.idx.msk $0xffff, v1;
	v1 =	vld [tilespmem:$0x1FCB0]  }
0x13d: {  	[tilespmem:$0x1FCE0] =	vst v10;
	v10 =	vmov v37;
	v37 =	vld [tilespmem:$0x1FF60]  }
0x13e: {  	v16 =	vadd.s32 v50, v16;
	v50 =	vld [tilespmem:$0x1FCD0];
	v62 =	vand.u32 $0xFFFFFFF8, v5  }
0x13f: {  	v4 =	vor.u32 v22, v4;
	v22 =	vadd.s32 v59, v62;
	v59 =	vand.u32 $0x7, v34;
	v34 =	vld [tilespmem:$0x1FD90]  }
0x140: {  	v0 =	vld.idx.msk [tilespmem:v0+s16+$0x0], $0xffff  }
0x141: {  	v5 =	vand.u32 $0x7, v5;
	v61 =	vadd.f32 v27, v38;
	v27 =	vand.u32 $0x7, v32;
	v32 =	vmovc v10;
	v10 =	vld [tilespmem:$0x1FCE0]  }
0x142: {  	v30 =	vand.u32 $0x7, v30;
	v5 =	vor.u32 v5, v22;
	v62 =	vor.u32 v59, v25;
	v9 =	vld.idx.msk [tilespmem:v9+s16+$0x0], $0xffff  }
0x143: {  	v36 =	vld [tilespmem:$0x1FF50];
	v2 =	vor.u32 v30, v48;
	v48 =	vmovc v55;
	v55 =	vmov v57;
	v18 =	vadd.f32 v18, v39  }
0x144: {  	v33 =	vld [tilespmem:$0x1FF30];
	v39 =	vadd.s32 v55, v34;
	[tilespmem:v1+s29+$0x0] =	vst.idx.msk $0xffff, v61;
	v1 =	vadd.s32 v46, v51  }
0x145: {  	v0 =	vadd.f32 v0, v40;
	v25 =	vand.u32 $0xFFFFFFF8, v1;
	v26 =	vand.u32 $0x7, v1;
	v1 =	vld [tilespmem:$0x1FCC0]  }
0x146: {  	v30 =	vld [tilespmem:$0x1FEE0]  }
0x147: {  	[tilespmem:v50+s29+$0x0] =	vst.idx.msk $0xffff, v0;
	v54 =	vld [tilespmem:$0x1FE80];
	v9 =	vadd.f32 v9, v38  }
0x148: {  	v5 =	vld.idx.msk [tilespmem:v5+s16+$0x0], $0xffff  }
0x149: {  	v29 =	vadd.s32 v33, v47;
	v47 =	vld [tilespmem:$0x1FE60];
	[tilespmem:v39+s29+$0x0] =	vst.idx.msk $0xffff, v9  }
0x14a: {  	v10 =	vld.idx.msk [tilespmem:v10+s16+$0x0], $0xffff  }
0x14b: {  	v4 =	vld.idx.msk [tilespmem:v4+s16+$0x0], $0xffff  }
0x14c: {  	[tilespmem:v15+s29+$0x0] =	vst.idx.msk $0xffff, v18;
	v23 =	vadd.s32 v54, v44;
	v2 =	vld.idx.msk [tilespmem:v2+s16+$0x0], $0xffff  }
0x14d: {  	v51 =	vadd.s32 v36, v42;
	v8 =	vld.idx.msk [tilespmem:v1+s16+$0x0], $0xffff  }
0x14e: {  	v58 =	vadd.s32 v30, v43;
	v3 =	vld.idx.msk [tilespmem:v3+s16+$0x0], $0xffff;
	v15 =	vadd.s32 v52, v25  }
0x14f: {  	v5 =	vadd.f32 v5, v41;
	v6 =	vld.idx.msk [tilespmem:v6+s16+$0x0], $0xffff;
	v0 =	vor.u32 v26, v15  }
0x150: {  	v31 =	vld [tilespmem:$0x1FEF0];
	v57 =	vmov v56;
	v4 =	vadd.f32 v4, v38;
	v52 =	vadd.s32 s13, v48  }
0x151: {  	v59 =	vadd.s32 v57, v34;
	v17 =	vld.idx.msk [tilespmem:v17+s16+$0x0], $0xffff;
	[tilespmem:v23+s29+$0x0] =	vst.idx.msk $0xffff, v5;
	v2 =	vadd.f32 v2, v40  }
0x152: {  	[tilespmem:v51+s29+$0x0] =	vst.idx.msk $0xffff, v4;
	v4 =	vadd.s32 v47, v45;
	v45 =	vld [tilespmem:$0x1FE50];
	v8 =	vadd.f32 v8, v38  }
0x153: {  	v9 =	vor.u32 v27, v19;
	v3 =	vadd.f32 v3, v38;
	[tilespmem:v58+s29+$0x0] =	vst.idx.msk $0xffff, v2;
	v2 =	vld.idx.msk [tilespmem:v12+s16+$0x0], $0xffff  }
0x154: {  	v5 =	vadd.f32 v10, v40;
	v28 =	vadd.f32 v6, v41;
	v0 =	vld.idx.msk [tilespmem:v0+s16+$0x0], $0xffff;
	[tilespmem:v14+s29+$0x0] =	vst.idx.msk $0xffff, v8  }
0x155: {  	v6 =	vand.u32 $0x7, v24;
	v61 =	vadd.s32 v37, v42;
	[tilespmem:v52+s29+$0x0] =	vst.idx.msk $0xffff, v3;
	v3 =	vld.idx.msk [tilespmem:v13+s16+$0x0], $0xffff  }
0x156: {  	v6 =	vor.u32 v6, v11;
	v11 =	vld.idx.msk [tilespmem:v62+s16+$0x0], $0xffff;
	v62 =	vadd.s32 v31, v43;
	v8 =	vadd.f32 v17, v41  }
0x157: {  	v53 =	vld [tilespmem:$0x1FEB0];
	[tilespmem:v59+s29+$0x0] =	vst.idx.msk $0xffff, v5;
	v10 =	vadd.s32 v45, v32  }
0x158: {  	p0 =	slt.u32 s6, $0x78;
	v1 =	vld [tilespmem:$0x1FE90];
	v2 =	vadd.f32 v2, v40;
	[tilespmem:v4+s29+$0x0] =	vst.idx.msk $0xffff, v8;
	v4 =	vadd.s32 s13, v49;
	v8 =	vor.u32 v7, v16  }
.Ltmp0:
0x159: {  	v56 =	vmov v60;
	v60 =	vld [tilespmem:$0x1FEA0];
	[tilespmem:v29+s29+$0x0] =	vst.idx.msk $0xffff, v28;
	v0 =	vadd.f32 v0, v41;
	(pc) =	sbr.rel @p0 .LBB2_3-.Ltmp0, $4  }
0x15a: {  	v5 =	vld.idx.msk [tilespmem:v9+s16+$0x0], $0xffff;
	[tilespmem:v61+s29+$0x0] =	vst.idx.msk $0xffff, v2;
	v3 =	vadd.f32 v3, v40  }
0x15b: {  	v29 =	vld [tilespmem:$0x1FED0];
	v2 =	vadd.f32 v11, v40;
	[tilespmem:v62+s29+$0x0] =	vst.idx.msk $0xffff, v0  }
0x15c: {  	v7 =	vld.idx.msk [tilespmem:v21+s16+$0x0], $0xffff;
	[tilespmem:v10+s29+$0x0] =	vst.idx.msk $0xffff, v3  }
0x15d: {  	s6 =	sadd.s32 $0x8, s6;
	v1 =	vadd.s32 v1, v42;
	[tilespmem:v4+s29+$0x0] =	vst.idx.msk $0xffff, v2;
	v8 =	vld.idx.msk [tilespmem:v8+s16+$0x0], $0xffff  }
0x15e: {  	_ =	sdelay $0x1  }
0x15f: {  	v15 =	vld [tilespmem:$0x1FF90];
	_ =	sdelay $0x1  }
0x160: {  	v0 =	vld.idx.msk [tilespmem:v6+s16+$0x0], $0xffff  }
0x161: {  	v11 =	vld [tilespmem:$0x1FFD0];
	v2 =	vadd.s32 v56, v34  }
0x162: {  	v9 =	vld [tilespmem:$0x1FFF0];
	v4 =	vadd.s32 s13, v53  }
0x163: {  	v12 =	vld [tilespmem:$0x1FFA0];
	v61 =	vadd.f32 v7, v41;
	v3 =	vadd.s32 v15, v32  }
0x164: {  	v44 =	vld [tilespmem:$0x1FFE0];
	v5 =	vadd.f32 v5, v41  }
0x165: {  	v42 =	vld [tilespmem:$0x1FFB0];
	s6 =	sshll.u32 s8, $0x7;
	[tilespmem:v1+s29+$0x0] =	vst.idx.msk $0xffff, v61;
	v0 =	vadd.f32 v0, v41  }
0x166: {  	s6 =	sand.u32 $0xE00, s6;
	v62 =	vadd.f32 v8, v41;
	[tilespmem:v2+s29+$0x0] =	vst.idx.msk $0xffff, v5  }
0x167: {  	s15 =	sshll.u32 s12, $0xF;
	s6 =	sadd.s32 s4, s6;
	[tilespmem:v4+s29+$0x0] =	vst.idx.msk $0xffff, v0  }
0x168: {  	s24 =	simm.s32 $0x19800;
	s8 =	sadd.s32 s15, s6;
	[tilespmem:v3+s29+$0x0] =	vst.idx.msk $0xffff, v62  }
0x169: {  	[hbm4b:s8+s5] =	stream.linear.scatter [tilespmem:s24], [sflag:$0x5], $0x80, $0x38;
	[tilespmem:$0x1DC00] =	vst v63  }
0x16a: {  	s12 =	simm.s32 $0x19888;
	s13 =	sadd.s32 $0x10, s8  }
0x16b: {  	[hbm4b:s13+s5] =	stream.linear.scatter [tilespmem:s12], [sflag:$0x5], $0x80, $0x38;
	[tilespmem:$0x1DC00] =	vst v63  }
0x16c: {  	s15 =	simm.s32 $0x19910;
	s6 =	simm.s32 $0x440;
	s24 =	sadd.s32 $0x20, s8  }
0x16d: {  	[hbm4b:s24+s5] =	stream.linear.scatter [tilespmem:s15], [sflag:$0x5], $0x80, $0x38;
	[tilespmem:$0x1DC00] =	vst v63  }
0x16e: {  	s28 =	sadd.s32 $0x70, s8;
	s12 =	simm.s32 $0x19998;
	s13 =	sadd.s32 $0x30, s8  }
0x16f: {  	[hbm4b:s13+s5] =	stream.linear.scatter [tilespmem:s12], [sflag:$0x5], $0x80, $0x38;
	[tilespmem:$0x1DC00] =	vst v63  }
0x170: {  	s15 =	simm.s32 $0x19A20;
	s24 =	sadd.s32 $0x40, s8;
	s12 =	simm.s32 $0x19AA8  }
0x171: {  	[hbm4b:s24+s5] =	stream.linear.scatter [tilespmem:s15], [sflag:$0x5], $0x80, $0x38;
	[tilespmem:$0x1DC00] =	vst v63  }
0x172: {  	s13 =	sadd.s32 $0x50, s8;
	s15 =	simm.s32 $0x19B30;
	s24 =	sadd.s32 $0x60, s8  }
0x173: {  	[hbm4b:s13+s5] =	stream.linear.scatter [tilespmem:s12], [sflag:$0x5], $0x80, $0x38;
	[tilespmem:$0x1DC00] =	vst v63  }
0x174: {  	s8 =	sadd.s32 $0x1000, s8;
	s12 =	simm.s32 $0x2200;
	s13 =	simm.s32 $0x19BB8  }
0x175: {  	[hbm4b:s24+s5] =	stream.linear.scatter [tilespmem:s15], [sflag:$0x5], $0x80, $0x38;
	[tilespmem:$0x1DC00] =	vst v63  }
.LBB2_5:
0x176: {  	[hbm4b:s28+s5] =	stream.linear.scatter [tilespmem:s13], [sflag:$0x5], $0x80, $0x38;
	[tilespmem:$0x1DC00] =	vst v63  }
0x177: {  	s13 =	smov.u32 s6;
	s6 =	smov.u32 s12  }
0x178: {  	s15 =	sadd.s32 $0x1100, s12;
	s6 =	sshra.s32 s6, $0x2;
	s24 =	sadd.s32 $0x19800, s13  }
0x179: {  	[hbm4b:s8+s5] =	stream.linear.scatter [tilespmem:s24], [sflag:$0x5], $0x80, $0x38;
	[tilespmem:$0x1DC00] =	vst v63  }
0x17a: {  	p0 =	sne.s32 s12, $0x7700;
	s12 =	sadd.s32 $0x19888, s13;
	s24 =	sadd.s32 $0x10, s8  }
0x17b: {  	[hbm4b:s24+s5] =	stream.linear.scatter [tilespmem:s12], [sflag:$0x5], $0x80, $0x38;
	[tilespmem:$0x1DC00] =	vst v63  }
0x17c: {  	s12 =	sadd.s32 $0x19910, s13;
	s24 =	sadd.s32 $0x20, s8  }
0x17d: {  	[hbm4b:s24+s5] =	stream.linear.scatter [tilespmem:s12], [sflag:$0x5], $0x80, $0x38;
	[tilespmem:$0x1DC00] =	vst v63  }
0x17e: {  	s12 =	sadd.s32 $0x19998, s13;
	s24 =	sadd.s32 $0x30, s8  }
0x17f: {  	[hbm4b:s24+s5] =	stream.linear.scatter [tilespmem:s12], [sflag:$0x5], $0x80, $0x38;
	[tilespmem:$0x1DC00] =	vst v63  }
0x180: {  	s12 =	sadd.s32 $0x19A20, s13;
	s24 =	sadd.s32 $0x40, s8  }
0x181: {  	[hbm4b:s24+s5] =	stream.linear.scatter [tilespmem:s12], [sflag:$0x5], $0x80, $0x38;
	[tilespmem:$0x1DC00] =	vst v63  }
.Ltmp1:
0x182: {  	s12 =	sadd.s32 $0x19AA8, s13;
	s24 =	sadd.s32 $0x50, s8;
	(pc) =	sbr.rel @p0 .LBB2_5-.Ltmp1, $4  }
0x183: {  	[hbm4b:s24+s5] =	stream.linear.scatter [tilespmem:s12], [sflag:$0x5], $0x80, $0x38;
	[tilespmem:$0x1DC00] =	vst v63  }
0x184: {  	s28 =	sadd.s32 $0x70, s8;
	s12 =	sadd.s32 $0x19B30, s13;
	s24 =	sadd.s32 $0x60, s8  }
0x185: {  	[hbm4b:s24+s5] =	stream.linear.scatter [tilespmem:s12], [sflag:$0x5], $0x80, $0x38;
	[tilespmem:$0x1DC00] =	vst v63  }
0x186: {  	s13 =	sadd.s32 $0x19BB8, s13;
	s8 =	sadd.s32 $0x1000, s8;
	s12 =	smov.u32 s15  }
0x187: {  	[hbm4b:s28+s5] =	stream.linear.scatter [tilespmem:s13], [sflag:$0x5], $0x80, $0x38;
	[tilespmem:$0x1DC00] =	vst v63  }
0x188: {  	s12 =	sadd.s32 $0x19800, s6  }
0x189: {  	[hbm4b:s8+s5] =	stream.linear.scatter [tilespmem:s12], [sflag:$0x5], $0x80, $0x38;
	[tilespmem:$0x1DC00] =	vst v63  }
0x18a: {  	s13 =	sadd.s32 $0x19888, s6;
	s15 =	sadd.s32 $0x10, s8  }
0x18b: {  	[hbm4b:s15+s5] =	stream.linear.scatter [tilespmem:s13], [sflag:$0x5], $0x80, $0x38;
	[tilespmem:$0x1DC00] =	vst v63  }
0x18c: {  	s24 =	sadd.s32 $0x19910, s6;
	s28 =	sadd.s32 $0x20, s8  }
0x18d: {  	[hbm4b:s28+s5] =	stream.linear.scatter [tilespmem:s24], [sflag:$0x5], $0x80, $0x38;
	[tilespmem:$0x1DC00] =	vst v63  }
0x18e: {  	s13 =	sadd.s32 $0x19998, s6;
	s15 =	sadd.s32 $0x30, s8  }
0x18f: {  	[hbm4b:s15+s5] =	stream.linear.scatter [tilespmem:s13], [sflag:$0x5], $0x80, $0x38;
	[tilespmem:$0x1DC00] =	vst v63  }
0x190: {  	s24 =	sadd.s32 $0x19A20, s6;
	s28 =	sadd.s32 $0x40, s8  }
0x191: {  	[hbm4b:s28+s5] =	stream.linear.scatter [tilespmem:s24], [sflag:$0x5], $0x80, $0x38;
	[tilespmem:$0x1DC00] =	vst v63  }
0x192: {  	s13 =	sadd.s32 $0x19AA8, s6;
	s15 =	sadd.s32 $0x50, s8  }
0x193: {  	[hbm4b:s15+s5] =	stream.linear.scatter [tilespmem:s13], [sflag:$0x5], $0x80, $0x38;
	[tilespmem:$0x1DC00] =	vst v63  }
0x194: {  	s24 =	sadd.s32 $0x19B30, s6;
	s28 =	sadd.s32 $0x60, s8  }
0x195: {  	[hbm4b:s28+s5] =	stream.linear.scatter [tilespmem:s24], [sflag:$0x5], $0x80, $0x38;
	[tilespmem:$0x1DC00] =	vst v63  }
0x196: {  	s15 =	sadd.s32 $0x19BB8, s6;
	s24 =	sadd.s32 $0x70, s8  }
0x197: {  	[hbm4b:s24+s5] =	stream.linear.scatter [tilespmem:s15], [sflag:$0x5], $0x80, $0x38;
	[tilespmem:$0x1DC00] =	vst v63  }
0x198: {  	p0 =	seq.s32 s9, $0x31;
	_ =	swait.ge [sflag:s30], $0x4000  }
0x199: {  	s12 =	simm.s32 @!p0 $0x80;
	[sflag:s30] =	ssyncset.done $0x0  }
0x19a: {  	s6 =	sadd.s32 @!p0 $0x4, s11;
	s13 =	simm.s32 @!p0 $0x9800;
	[sflag:s30] =	ssyncadd.s32 $0xFFFFC000  }
0x19b: {  	s8 =	sshll.u32 @!p0 s6, $0x7;
	s6 =	sadd.s32 @!p0 s7, s6;
	_ =	swait.ge [sflag:s31], $0x80  }
0x19c: {  	s8 =	sand.u32 @!p0 $0x3FFFFF80, s8;
	s6 =	sshll.u32 @!p0 s6, $0x4;
	[sflag:s31] =	ssyncset.done $0x0  }
0x19d: {  	s8 =	sadd.s32 @!p0 $0x3200, s8;
	s6 =	sand.u32 @!p0 $0x1FFFFFC0, s6;
	[sflag:s31] =	ssyncadd.s32 $0xFFFFFF80  }
0x19e: {  	[tilespmem:s13], [sflag:$0x1] =	stream.indirect.gather @!p0 [hbm4b:s0+s12], $0x80, s8, s12, $0xb8;
	[tilespmem:$0x1DC00] =	vst v63  }
0x19f: {  	s6 =	sadd.s32 @!p0 s2, s6;
	s8 =	simm.s32 @!p0 $0x0;
	s12 =	simm.s32 @!p0 $0x9600  }
0x1a0: {  	[tilespmem:s12], [sflag:$0x7] =	stream.linear.gather @!p0 [hbm4b:s6+s8], $0x80, $0x38;
	[tilespmem:$0x1DC00] =	vst v63  }
0x1a1: {  	s8 =	sadd.s32 s11, s7  }
0x1a2: {  	s12 =	sadd.s32 $0x1, s8  }
0x1a3: {  	s6 =	sshrl.u32 s12, $0x5  }
0x1a4: {  	v34 =	vlaneseq.u32;
	s28 =	sshll.u32 s6, $0x6  }
0x1a5: {  	p1 =	seq.s32 @!p0 s9, $0x0;
	v21 =	vld [tilespmem:$0x1FE40];
	v0 =	vor.u32 s28, v34  }
0x1a6: {  	p1 =	por p0, !p1;
	v26 =	vld [tilespmem:$0x1FE70];
	v1 =	vor.u32 s28, v42  }
0x1a7: {  	v18 =	vld [tilespmem:$0x1FE80];
	_ =	swait.ge @p1 [sflag:s14], $0x2000;
	v2 =	vor.u32 s28, v44  }
0x1a8: {  	[sflag:s14] =	ssyncset.done @p1 $0x0;
	v43 =	vld [tilespmem:$0x1FF70];
	v3 =	vor.u32 s28, v46  }
0x1a9: {  	s13 =	simm.s32 $0x0;
	v62 =	vld [tilespmem:$0x1FF80];
	[sflag:s14] =	ssyncadd.s32 @p1 $0xFFFFE000  }
0x1aa: {  	v36 =	vld.idx.msk [tilespmem:v0+s13+$0x0], $0xffff  }
0x1ab: {  	v37 =	vld.idx.msk [tilespmem:v1+s13+$0x0], $0xffff  }
0x1ac: {  	v38 =	vld.idx.msk [tilespmem:v2+s13+$0x0], $0xffff  }
0x1ad: {  	v25 =	vmov v12;
	v27 =	vmov v9;
	v23 =	vmov v11;
	v39 =	vld.idx.msk [tilespmem:v3+s13+$0x0], $0xffff  }
.LBB2_7:
0x1ae: {  	v0 =	vmov s13  }
0x1af: {  	v1 =	vor.u32 $0x80, v0;
	_ =	sdelay $0x2  }
0x1b0: {  	s15 =	sadd.s32 $0x1, s13  }
0x1b1: {  	v2 =	vmov s15  }
0x1b2: {  	v3 =	vor.u32 $0x81, v2;
	v1 =	vld.idx.msk [tilespmem:v1+s17+$0x0], $0xffff;
	_ =	sdelay $0x4  }
0x1b3: {  	v3 =	vld.idx.msk [tilespmem:v3+s17+$0x0], $0xffff;
	v4 =	vadd.s32 v34, v1  }
0x1b4: {  	v0 =	vshll.u32 v0, $0x7;
	v5 =	vand.u32 $0xFFFFFFF8, v4  }
0x1b5: {  	v4 =	vand.u32 $0x7, v4;
	v5 =	vadd.s32 v0, v5  }
0x1b6: {  	v4 =	vor.u32 v4, v5;
	_ =	sdelay $0x1  }
0x1b7: {  	v9 =	vshll.u32 v2, $0x7;
	v7 =	vadd.s32 v42, v1;
	v61 =	vadd.s32 v34, v3  }
0x1b8: {  	v8 =	vand.u32 $0xFFFFFFF8, v7;
	v7 =	vand.u32 $0x7, v7;
	v6 =	vand.u32 $0xFFFFFFF8, v61  }
0x1b9: {  	s24 =	sadd.s32 $0x2, s13;
	v8 =	vadd.s32 v0, v8;
	v5 =	vand.u32 $0x7, v61;
	v6 =	vadd.s32 v9, v6  }
0x1ba: {  	v7 =	vor.u32 v7, v8;
	v8 =	vmov s24;
	v5 =	vor.u32 v5, v6;
	v4 =	vld.idx.msk [tilespmem:v4+s19+$0x0], $0xffff  }
0x1bb: {  	v10 =	vor.u32 $0x82, v8  }
0x1bc: {  	v30 =	vadd.s32 s13, v35;
	_ =	sdelay $0x2  }
0x1bd: {  	v50 =	vadd.s32 s13, v48;
	s28 =	sadd.s32 $0x3, s13;
	v5 =	vld.idx.msk [tilespmem:v5+s19+$0x0], $0xffff;
	v4 =	vadd.f32 v4, v36  }
0x1be: {  	v13 =	vmov s28;
	v40 =	vand.u32 $0x78, v2;
	v11 =	vadd.s32 v42, v3;
	v10 =	vld.idx.msk [tilespmem:v10+s17+$0x0], $0xffff  }
0x1bf: {  	v32 =	vadd.s32 v60, v40;
	v41 =	vadd.s32 v44, v1;
	v31 =	vand.u32 $0xFFFFFFF8, v11;
	[tilespmem:v30+s3+$0x0] =	vst.idx.msk $0xffff, v4  }
0x1c0: {  	v12 =	vand.u32 $0xFFFFFFF8, v41;
	v33 =	vand.u32 $0x7, v11;
	v2 =	vadd.s32 v9, v31;
	v4 =	vld.idx.msk [tilespmem:v7+s19+$0x0], $0xffff  }
0x1c1: {  	v11 =	vand.u32 $0x7, v41;
	v12 =	vadd.s32 v0, v12;
	v2 =	vor.u32 v33, v2  }
0x1c2: {  	v59 =	vmovc v15;
	v15 =	vor.u32 $0x83, v13;
	v51 =	vadd.s32 v44, v3;
	v11 =	vor.u32 v11, v12  }
0x1c3: {  	v12 =	vand.u32 $0xFFFFFFF8, v51;
	v5 =	vadd.f32 v5, v36;
	v14 =	vadd.s32 v34, v10  }
0x1c4: {  	s24 =	sadd.s32 $0x4, s13;
	v54 =	vadd.s32 v9, v12;
	v12 =	vshll.u32 v8, $0x7;
	v58 =	vand.u32 $0xFFFFFFF8, v14  }
0x1c5: {  	v61 =	vand.u32 $0x7, v14;
	v14 =	vmov s24;
	[tilespmem:v32+s3+$0x0] =	vst.idx.msk $0xffff, v5;
	v4 =	vadd.f32 v4, v37  }
0x1c6: {  	v5 =	vand.u32 $0x7, v51;
	v7 =	vadd.s32 v12, v58;
	v30 =	vor.u32 $0x84, v14;
	v2 =	vld.idx.msk [tilespmem:v2+s19+$0x0], $0xffff  }
0x1c7: {  	v15 =	vld.idx.msk [tilespmem:v15+s17+$0x0], $0xffff;
	[tilespmem:v50+s3+$0x0] =	vst.idx.msk $0xffff, v4;
	v4 =	vor.u32 v5, v54;
	v5 =	vor.u32 v61, v7  }
0x1c8: {  	v52 =	vadd.s32 v55, v40;
	_ =	sdelay $0x2  }
0x1c9: {  	v41 =	vand.u32 $0x78, v8;
	v8 =	vld.idx.msk [tilespmem:v30+s17+$0x0], $0xffff;
	v2 =	vadd.f32 v2, v37  }
0x1ca: {  	v16 =	vadd.s32 v34, v15;
	v51 =	vadd.s32 v42, v10;
	v32 =	vld.idx.msk [tilespmem:v5+s19+$0x0], $0xffff  }
0x1cb: {  	v1 =	vadd.s32 v46, v1;
	v17 =	vand.u32 $0xFFFFFFF8, v16;
	[tilespmem:v52+s3+$0x0] =	vst.idx.msk $0xffff, v2;
	v52 =	vand.u32 $0xFFFFFFF8, v51  }
0x1cc: {  	v33 =	vadd.s32 v63, v41;
	v11 =	vld.idx.msk [tilespmem:v11+s19+$0x0], $0xffff;
	v7 =	vadd.s32 v12, v52;
	v5 =	vand.u32 $0x7, v51  }
0x1cd: {  	v31 =	vand.u32 $0xFFFFFFF8, v1;
	v1 =	vand.u32 $0x7, v1;
	v19 =	vor.u32 v5, v7  }
0x1ce: {  	v0 =	vadd.s32 v0, v31;
	v31 =	vadd.s32 v44, v10;
	v54 =	vand.u32 $0x7, v16  }
0x1cf: {  	v30 =	vadd.s32 v34, v8;
	v51 =	vmovc v18;
	v18 =	vshll.u32 v13, $0x7;
	v61 =	vadd.f32 v32, v36  }
0x1d0: {  	v24 =	vadd.s32 v42, v8;
	v20 =	vand.u32 $0xFFFFFFF8, v30;
	v16 =	vadd.s32 v18, v17  }
0x1d1: {  	v2 =	vadd.f32 v11, v38;
	v7 =	vshll.u32 v14, $0x7;
	v58 =	vor.u32 v54, v16;
	[tilespmem:v33+s3+$0x0] =	vst.idx.msk $0xffff, v61  }
0x1d2: {  	v5 =	vor.u32 v1, v0;
	v32 =	vand.u32 $0x7, v30;
	v33 =	vadd.s32 v7, v20;
	v19 =	vld.idx.msk [tilespmem:v19+s19+$0x0], $0xffff  }
0x1d3: {  	v50 =	vmovc v21;
	v20 =	vadd.s32 v21, v41;
	v21 =	vand.u32 $0xFFFFFFF8, v31;
	v6 =	vor.u32 v32, v33  }
0x1d4: {  	v1 =	vand.u32 $0x7, v31;
	v52 =	vadd.s32 v12, v21;
	v21 =	vadd.s32 v42, v15  }
0x1d5: {  	v11 =	vor.u32 v1, v52;
	v1 =	vand.u32 $0x78, v13;
	v13 =	vand.u32 $0xFFFFFFF8, v21  }
0x1d6: {  	s28 =	sadd.s32 $0x5, s13;
	v0 =	vld.idx.msk [tilespmem:v58+s19+$0x0], $0xffff;
	v21 =	vand.u32 $0x7, v21;
	v22 =	vadd.s32 v25, v1;
	v13 =	vadd.s32 v18, v13  }
0x1d7: {  	v13 =	vor.u32 v21, v13;
	v21 =	vmov s28;
	v19 =	vadd.f32 v19, v37  }
0x1d8: {  	v58 =	vmovc v23;
	v61 =	vmovc v25;
	v25 =	vor.u32 $0x85, v21;
	v23 =	vld.idx.msk [tilespmem:v6+s19+$0x0], $0xffff;
	v6 =	vand.u32 $0x78, v14;
	v14 =	vand.u32 $0xFFFFFFF8, v24  }
0x1d9: {  	s24 =	sadd.s32 $0x6, s13;
	v14 =	vadd.s32 v7, v14;
	[tilespmem:v20+s3+$0x0] =	vst.idx.msk $0xffff, v19;
	v20 =	vand.u32 $0x7, v24  }
0x1da: {  	v54 =	vor.u32 v20, v14;
	v14 =	vmov s24  }
0x1db: {  	v0 =	vadd.f32 v0, v36;
	v19 =	vadd.s32 v26, v6;
	v20 =	vor.u32 $0x86, v14  }
0x1dc: {  	v3 =	vadd.s32 v46, v3;
	v10 =	vadd.s32 v46, v10  }
0x1dd: {  	v30 =	vand.u32 $0xFFFFFFF8, v10;
	s28 =	sadd.s32 $0x7, s13;
	v24 =	vand.u32 $0xFFFFFFF8, v3;
	[tilespmem:v22+s3+$0x0] =	vst.idx.msk $0xffff, v0;
	v22 =	vadd.f32 v23, v36;
	v23 =	vld.idx.msk [tilespmem:v25+s17+$0x0], $0xffff  }
0x1de: {  	v3 =	vand.u32 $0x7, v3;
	v9 =	vadd.s32 v9, v24;
	v24 =	vmov s28  }
0x1df: {  	v13 =	vld.idx.msk [tilespmem:v13+s19+$0x0], $0xffff;
	v9 =	vor.u32 v3, v9;
	v3 =	vadd.s32 v12, v30;
	v12 =	vadd.s32 v44, v15  }
0x1e0: {  	v10 =	vand.u32 $0x7, v10;
	v25 =	vor.u32 $0x87, v24;
	v31 =	vand.u32 $0xFFFFFFF8, v12;
	[tilespmem:v19+s3+$0x0] =	vst.idx.msk $0xffff, v22;
	v19 =	vld.idx.msk [tilespmem:v20+s17+$0x0], $0xffff  }
0x1e1: {  	v10 =	vor.u32 v10, v3;
	v12 =	vand.u32 $0x7, v12;
	v3 =	vadd.s32 v18, v31  }
0x1e2: {  	v3 =	vor.u32 v12, v3;
	v20 =	vadd.s32 v27, v1;
	v12 =	vadd.s32 v34, v23  }
0x1e3: {  	v52 =	vmov v26;
	v26 =	vshll.u32 v21, $0x7;
	v22 =	vand.u32 $0xFFFFFFF8, v12  }
0x1e4: {  	v12 =	vand.u32 $0x7, v12;
	v22 =	vadd.s32 v26, v22  }
0x1e5: {  	v13 =	vadd.f32 v13, v37;
	v12 =	vor.u32 v12, v22;
	v28 =	vadd.s32 v34, v19  }
0x1e6: {  	v17 =	vadd.s32 s13, v49;
	v31 =	vshll.u32 v14, $0x7;
	v25 =	vld.idx.msk [tilespmem:v25+s17+$0x0], $0xffff;
	v30 =	vand.u32 $0xFFFFFFF8, v28  }
0x1e7: {  	[tilespmem:v20+s3+$0x0] =	vst.idx.msk $0xffff, v13;
	v13 =	vld [tilespmem:$0x1FEC0];
	v28 =	vand.u32 $0x7, v28;
	v30 =	vadd.s32 v31, v30  }
0x1e8: {  	v4 =	vld.idx.msk [tilespmem:v4+s19+$0x0], $0xffff;
	v15 =	vadd.s32 v46, v15;
	v28 =	vor.u32 v28, v30  }
0x1e9: {  	v0 =	vld.idx.msk [tilespmem:v54+s19+$0x0], $0xffff;
	v54 =	vmov v27;
	v27 =	vand.u32 $0xFFFFFFF8, v15  }
0x1ea: {  	v16 =	vadd.s32 v57, v40;
	v18 =	vadd.s32 v18, v27;
	v27 =	vadd.s32 v44, v8;
	v12 =	vld.idx.msk [tilespmem:v12+s19+$0x0], $0xffff  }
0x1eb: {  	[tilespmem:v17+s3+$0x0] =	vst.idx.msk $0xffff, v2;
	v17 =	vand.u32 $0x78, v21;
	v29 =	vand.u32 $0xFFFFFFF8, v27;
	v27 =	vand.u32 $0x7, v27  }
0x1ec: {  	v29 =	vadd.s32 v7, v29;
	v32 =	vadd.s32 v34, v25;
	v13 =	vadd.s32 v13, v17  }
0x1ed: {  	v33 =	vshll.u32 v24, $0x7;
	v2 =	vor.u32 v27, v29;
	v30 =	vand.u32 $0xFFFFFFF8, v32;
	v27 =	vld.idx.msk [tilespmem:v28+s19+$0x0], $0xffff  }
0x1ee: {  	v4 =	vadd.f32 v4, v38;
	v32 =	vand.u32 $0x7, v32;
	v30 =	vadd.s32 v33, v30;
	v28 =	vld [tilespmem:$0x1FF00]  }
0x1ef: {  	v30 =	vor.u32 v32, v30;
	v12 =	vadd.f32 v12, v36  }
0x1f0: {  	[tilespmem:v16+s3+$0x0] =	vst.idx.msk $0xffff, v4;
	v22 =	vadd.s32 v62, v6  }
0x1f1: {  	v16 =	vand.u32 $0x78, v24;
	v32 =	vadd.s32 v42, v23;
	[tilespmem:v13+s3+$0x0] =	vst.idx.msk $0xffff, v12;
	v12 =	vld [tilespmem:$0x1FF40]  }
0x1f2: {  	v14 =	vand.u32 $0x78, v14;
	v0 =	vadd.f32 v0, v37;
	v21 =	vand.u32 $0xFFFFFFF8, v32  }
0x1f3: {  	v20 =	vand.u32 $0x7, v32;
	v21 =	vadd.s32 v26, v21;
	v28 =	vadd.s32 v28, v14  }
0x1f4: {  	v15 =	vand.u32 $0x7, v15;
	v20 =	vor.u32 v20, v21;
	v21 =	vadd.s32 v42, v19;
	v30 =	vld.idx.msk [tilespmem:v30+s19+$0x0], $0xffff  }
0x1f5: {  	v11 =	vld.idx.msk [tilespmem:v11+s19+$0x0], $0xffff;
	[tilespmem:v22+s3+$0x0] =	vst.idx.msk $0xffff, v0;
	v32 =	vadd.s32 v42, v25;
	v29 =	vand.u32 $0xFFFFFFF8, v21;
	v21 =	vand.u32 $0x7, v21  }
0x1f6: {  	v3 =	vld.idx.msk [tilespmem:v3+s19+$0x0], $0xffff;
	v29 =	vadd.s32 v31, v29;
	v22 =	vadd.f32 v27, v36;
	v12 =	vadd.s32 v12, v16  }
0x1f7: {  	v15 =	vor.u32 v15, v18;
	v4 =	vor.u32 v21, v29;
	v21 =	vand.u32 $0xFFFFFFF8, v32  }
0x1f8: {  	v13 =	vand.u32 $0x7, v32;
	v32 =	vadd.s32 v43, v1;
	v21 =	vadd.s32 v33, v21;
	[tilespmem:v28+s3+$0x0] =	vst.idx.msk $0xffff, v22;
	v22 =	vld [tilespmem:$0x1FED0]  }
0x1f9: {  	v18 =	vadd.s32 v44, v23;
	v13 =	vor.u32 v13, v21;
	v20 =	vld.idx.msk [tilespmem:v20+s19+$0x0], $0xffff;
	v24 =	vadd.f32 v30, v36  }
0x1fa: {  	v11 =	vadd.f32 v11, v38;
	v21 =	vadd.s32 v45, v41;
	v27 =	vand.u32 $0xFFFFFFF8, v18;
	v30 =	vld [tilespmem:$0x1FF10]  }
0x1fb: {  	v3 =	vadd.f32 v3, v38;
	v18 =	vand.u32 $0x7, v18;
	v27 =	vadd.s32 v26, v27;
	[tilespmem:v12+s3+$0x0] =	vst.idx.msk $0xffff, v24;
	v24 =	vld [tilespmem:$0x1FF50]  }
0x1fc: {  	v5 =	vld.idx.msk [tilespmem:v5+s19+$0x0], $0xffff;
	v8 =	vadd.s32 v46, v8;
	v18 =	vor.u32 v18, v27;
	v27 =	vadd.s32 v44, v25  }
0x1fd: {  	[tilespmem:v32+s3+$0x0] =	vst.idx.msk $0xffff, v3;
	v32 =	vand.u32 $0xFFFFFFF8, v8;
	v4 =	vld.idx.msk [tilespmem:v4+s19+$0x0], $0xffff;
	v22 =	vadd.s32 v22, v17  }
0x1fe: {  	v0 =	vadd.s32 v7, v32;
	v12 =	vadd.f32 v20, v37;
	v20 =	vadd.s32 v44, v19;
	v13 =	vld.idx.msk [tilespmem:v13+s19+$0x0], $0xffff  }
0x1ff: {  	v32 =	vadd.s32 v46, v23;
	[tilespmem:v21+s3+$0x0] =	vst.idx.msk $0xffff, v11;
	v11 =	vadd.s32 v30, v14;
	v21 =	vand.u32 $0xFFFFFFF8, v20  }
0x200: {  	v9 =	vld.idx.msk [tilespmem:v9+s19+$0x0], $0xffff;
	v20 =	vand.u32 $0x7, v20;
	v21 =	vadd.s32 v31, v21;
	v24 =	vadd.s32 v24, v16  }
0x201: {  	v2 =	vld.idx.msk [tilespmem:v2+s19+$0x0], $0xffff;
	v30 =	vand.u32 $0x7, v8;
	v3 =	vor.u32 v20, v21;
	v20 =	vand.u32 $0xFFFFFFF8, v27  }
0x202: {  	v4 =	vadd.f32 v4, v37;
	v20 =	vadd.s32 v33, v20;
	[tilespmem:v22+s3+$0x0] =	vst.idx.msk $0xffff, v12;
	v12 =	vand.u32 $0x7, v27  }
0x203: {  	v10 =	vld.idx.msk [tilespmem:v10+s19+$0x0], $0xffff;
	v8 =	vand.u32 $0x7, v32;
	v7 =	vor.u32 v12, v20;
	v12 =	vadd.f32 v13, v37  }
0x204: {  	v0 =	vor.u32 v30, v0;
	v30 =	vand.u32 $0xFFFFFFF8, v32;
	[tilespmem:v11+s3+$0x0] =	vst.idx.msk $0xffff, v4;
	v11 =	vadd.s32 v58, v6  }
0x205: {  	v4 =	vadd.s32 v26, v30;
	v13 =	vadd.s32 v46, v19;
	[tilespmem:v24+s3+$0x0] =	vst.idx.msk $0xffff, v12;
	v12 =	vld.idx.msk [tilespmem:v18+s19+$0x0], $0xffff  }
0x206: {  	v2 =	vadd.f32 v2, v38;
	v4 =	vor.u32 v8, v4;
	v32 =	vand.u32 $0xFFFFFFF8, v13;
	v18 =	vld [tilespmem:$0x1FEE0]  }
0x207: {  	v19 =	vadd.s32 v46, v25;
	v20 =	vld [tilespmem:$0x1FF20];
	v13 =	vand.u32 $0x7, v13;
	v8 =	vadd.s32 v31, v32  }
0x208: {  	v21 =	vld [tilespmem:$0x1FF60];
	v8 =	vor.u32 v13, v8;
	v13 =	vand.u32 $0xFFFFFFF8, v19  }
0x209: {  	[tilespmem:v11+s3+$0x0] =	vst.idx.msk $0xffff, v2;
	v2 =	vadd.s32 v56, v40;
	v19 =	vand.u32 $0x7, v19;
	v13 =	vadd.s32 v33, v13  }
0x20a: {  	v3 =	vld.idx.msk [tilespmem:v3+s19+$0x0], $0xffff;
	v13 =	vor.u32 v19, v13;
	v19 =	vadd.s32 s13, v53  }
0x20b: {  	v7 =	vld.idx.msk [tilespmem:v7+s19+$0x0], $0xffff;
	v18 =	vadd.s32 v18, v17  }
0x20c: {  	v30 =	vld.idx.msk [tilespmem:v15+s19+$0x0], $0xffff;
	v32 =	vadd.f32 v9, v39;
	v20 =	vadd.s32 v20, v14  }
0x20d: {  	v21 =	vadd.s32 v21, v16;
	v31 =	vadd.f32 v5, v39;
	v40 =	vld [tilespmem:$0x1FEF0]  }
0x20e: {  	v0 =	vld.idx.msk [tilespmem:v0+s19+$0x0], $0xffff;
	v12 =	vadd.f32 v12, v38;
	[tilespmem:v2+s3+$0x0] =	vst.idx.msk $0xffff, v32  }
0x20f: {  	v3 =	vadd.f32 v3, v38;
	[tilespmem:v19+s3+$0x0] =	vst.idx.msk $0xffff, v31;
	v31 =	vld [tilespmem:$0x1FF30]  }
0x210: {  	v1 =	vadd.s32 v47, v1;
	v32 =	vld [tilespmem:$0x1FE90];
	v7 =	vadd.f32 v7, v38;
	[tilespmem:v18+s3+$0x0] =	vst.idx.msk $0xffff, v12  }
0x211: {  	[tilespmem:v20+s3+$0x0] =	vst.idx.msk $0xffff, v3;
	v12 =	vadd.s32 v59, v41;
	v4 =	vld.idx.msk [tilespmem:v4+s19+$0x0], $0xffff  }
0x212: {  	v6 =	vadd.s32 v51, v6;
	[tilespmem:v21+s3+$0x0] =	vst.idx.msk $0xffff, v7;
	v7 =	vld.idx.msk [tilespmem:v8+s19+$0x0], $0xffff  }
0x213: {  	v30 =	vadd.f32 v30, v39;
	v8 =	vadd.s32 v40, v17;
	v41 =	vld.idx.msk [tilespmem:v13+s19+$0x0], $0xffff  }
0x214: {  	v33 =	vadd.f32 v10, v39;
	v5 =	vadd.s32 v31, v14  }
0x215: {  	p1 =	slt.u32 s13, $0x78;
	[tilespmem:v1+s3+$0x0] =	vst.idx.msk $0xffff, v30;
	v0 =	vadd.f32 v0, v39;
	v3 =	vadd.s32 v32, v16  }
.Ltmp2:
0x216: {  	[tilespmem:v12+s3+$0x0] =	vst.idx.msk $0xffff, v33;
	v33 =	vadd.f32 v4, v39;
	(pc) =	sbr.rel @p1 .LBB2_7-.Ltmp2, $4  }
0x217: {  	[tilespmem:v6+s3+$0x0] =	vst.idx.msk $0xffff, v0;
	v40 =	vadd.f32 v7, v39  }
0x218: {  	v41 =	vadd.f32 v41, v39;
	[tilespmem:v8+s3+$0x0] =	vst.idx.msk $0xffff, v33  }
0x219: {  	v23 =	vmov v58;
	v26 =	vmov v52;
	[tilespmem:v5+s3+$0x0] =	vst.idx.msk $0xffff, v40  }
0x21a: {  	v15 =	vmovc v59;
	v27 =	vmovc v54;
	v25 =	vmov v61;
	s13 =	sadd.s32 $0x8, s13;
	v18 =	vmov v51;
	v21 =	vmov v50;
	[tilespmem:v3+s3+$0x0] =	vst.idx.msk $0xffff, v41  }
0x21b: {  	s12 =	sshll.u32 s12, $0x7  }
0x21c: {  	s12 =	sand.u32 $0xE80, s12  }
0x21d: {  	s6 =	sshll.u32 s6, $0xF;
	s12 =	sadd.s32 s4, s12  }
0x21e: {  	s15 =	simm.s32 $0x1BA00;
	s12 =	sadd.s32 s6, s12  }
0x21f: {  	[hbm4b:s12+s5] =	stream.linear.scatter [tilespmem:s15], [sflag:$0x6], $0x80, $0x38;
	[tilespmem:$0x1DC00] =	vst v63  }
0x220: {  	s24 =	simm.s32 $0x1BA88;
	s13 =	sadd.s32 $0x10, s12  }
0x221: {  	[hbm4b:s13+s5] =	stream.linear.scatter [tilespmem:s24], [sflag:$0x6], $0x80, $0x38;
	[tilespmem:$0x1DC00] =	vst v63  }
0x222: {  	s15 =	simm.s32 $0x1BB10;
	s24 =	sadd.s32 $0x20, s12  }
0x223: {  	[hbm4b:s24+s5] =	stream.linear.scatter [tilespmem:s15], [sflag:$0x6], $0x80, $0x38;
	[tilespmem:$0x1DC00] =	vst v63  }
0x224: {  	s15 =	simm.s32 $0x1BB98;
	s24 =	sadd.s32 $0x30, s12  }
0x225: {  	[hbm4b:s24+s5] =	stream.linear.scatter [tilespmem:s15], [sflag:$0x6], $0x80, $0x38;
	[tilespmem:$0x1DC00] =	vst v63  }
0x226: {  	s15 =	simm.s32 $0x1BC20;
	s24 =	sadd.s32 $0x40, s12  }
0x227: {  	[hbm4b:s24+s5] =	stream.linear.scatter [tilespmem:s15], [sflag:$0x6], $0x80, $0x38;
	[tilespmem:$0x1DC00] =	vst v63  }
0x228: {  	s28 =	simm.s32 $0x1BDB8;
	s15 =	simm.s32 $0x1BCA8;
	s24 =	sadd.s32 $0x50, s12  }
0x229: {  	[hbm4b:s24+s5] =	stream.linear.scatter [tilespmem:s15], [sflag:$0x6], $0x80, $0x38;
	[tilespmem:$0x1DC00] =	vst v63  }
0x22a: {  	s6 =	simm.s32 $0x440;
	s15 =	simm.s32 $0x1BD30;
	s24 =	sadd.s32 $0x60, s12  }
0x22b: {  	[hbm4b:s24+s5] =	stream.linear.scatter [tilespmem:s15], [sflag:$0x6], $0x80, $0x38;
	[tilespmem:$0x1DC00] =	vst v63  }
0x22c: {  	s13 =	simm.s32 $0x2200;
	s15 =	sadd.s32 $0x70, s12;
	s12 =	sadd.s32 $0x1000, s12  }
.LBB2_9:
0x22d: {  	[hbm4b:s15+s5] =	stream.linear.scatter [tilespmem:s28], [sflag:$0x6], $0x80, $0x38;
	[tilespmem:$0x1DC00] =	vst v63  }
0x22e: {  	s15 =	smov.u32 s6;
	s6 =	smov.u32 s13  }
0x22f: {  	s24 =	sadd.s32 $0x1100, s13;
	s6 =	sshra.s32 s6, $0x2;
	s28 =	sadd.s32 $0x1BA00, s15  }
0x230: {  	[hbm4b:s12+s5] =	stream.linear.scatter [tilespmem:s28], [sflag:$0x6], $0x80, $0x38;
	[tilespmem:$0x1DC00] =	vst v63  }
0x231: {  	p1 =	sne.s32 s13, $0x7700;
	s13 =	sadd.s32 $0x1BA88, s15;
	s28 =	sadd.s32 $0x10, s12  }
0x232: {  	[hbm4b:s28+s5] =	stream.linear.scatter [tilespmem:s13], [sflag:$0x6], $0x80, $0x38;
	[tilespmem:$0x1DC00] =	vst v63  }
0x233: {  	s13 =	sadd.s32 $0x1BB10, s15;
	s28 =	sadd.s32 $0x20, s12  }
0x234: {  	[hbm4b:s28+s5] =	stream.linear.scatter [tilespmem:s13], [sflag:$0x6], $0x80, $0x38;
	[tilespmem:$0x1DC00] =	vst v63  }
0x235: {  	s13 =	sadd.s32 $0x1BB98, s15;
	s28 =	sadd.s32 $0x30, s12  }
0x236: {  	[hbm4b:s28+s5] =	stream.linear.scatter [tilespmem:s13], [sflag:$0x6], $0x80, $0x38;
	[tilespmem:$0x1DC00] =	vst v63  }
0x237: {  	s13 =	sadd.s32 $0x1BC20, s15;
	s28 =	sadd.s32 $0x40, s12  }
0x238: {  	[hbm4b:s28+s5] =	stream.linear.scatter [tilespmem:s13], [sflag:$0x6], $0x80, $0x38;
	[tilespmem:$0x1DC00] =	vst v63  }
0x239: {  	s13 =	sadd.s32 $0x1BCA8, s15;
	s28 =	sadd.s32 $0x50, s12  }
0x23a: {  	[hbm4b:s28+s5] =	stream.linear.scatter [tilespmem:s13], [sflag:$0x6], $0x80, $0x38;
	[tilespmem:$0x1DC00] =	vst v63  }
.Ltmp3:
0x23b: {  	_ = 	snop;
	(pc) =	sbr.rel @p1 .LBB2_9-.Ltmp3, $4  }
0x23c: {  	s13 =	sadd.s32 $0x1BD30, s15;
	s28 =	sadd.s32 $0x60, s12  }
0x23d: {  	[hbm4b:s28+s5] =	stream.linear.scatter [tilespmem:s13], [sflag:$0x6], $0x80, $0x38;
	[tilespmem:$0x1DC00] =	vst v63  }
0x23e: {  	s28 =	sadd.s32 $0x1BDB8, s15  }
0x23f: {  	s15 =	sadd.s32 $0x70, s12;
	s12 =	sadd.s32 $0x1000, s12;
	s13 =	smov.u32 s24  }
0x240: {  	[hbm4b:s15+s5] =	stream.linear.scatter [tilespmem:s28], [sflag:$0x6], $0x80, $0x38;
	[tilespmem:$0x1DC00] =	vst v63  }
0x241: {  	s13 =	sadd.s32 $0x1BA00, s6  }
0x242: {  	[hbm4b:s12+s5] =	stream.linear.scatter [tilespmem:s13], [sflag:$0x6], $0x80, $0x38;
	[tilespmem:$0x1DC00] =	vst v63  }
0x243: {  	s24 =	sadd.s32 $0x1BA88, s6;
	s28 =	sadd.s32 $0x10, s12  }
0x244: {  	[hbm4b:s28+s5] =	stream.linear.scatter [tilespmem:s24], [sflag:$0x6], $0x80, $0x38;
	[tilespmem:$0x1DC00] =	vst v63  }
0x245: {  	s24 =	sadd.s32 $0x1BB10, s6;
	s28 =	sadd.s32 $0x20, s12  }
0x246: {  	[hbm4b:s28+s5] =	stream.linear.scatter [tilespmem:s24], [sflag:$0x6], $0x80, $0x38;
	[tilespmem:$0x1DC00] =	vst v63  }
0x247: {  	s24 =	sadd.s32 $0x1BB98, s6;
	s28 =	sadd.s32 $0x30, s12  }
0x248: {  	[hbm4b:s28+s5] =	stream.linear.scatter [tilespmem:s24], [sflag:$0x6], $0x80, $0x38;
	[tilespmem:$0x1DC00] =	vst v63  }
0x249: {  	s24 =	sadd.s32 $0x1BC20, s6;
	s28 =	sadd.s32 $0x40, s12  }
0x24a: {  	[hbm4b:s28+s5] =	stream.linear.scatter [tilespmem:s24], [sflag:$0x6], $0x80, $0x38;
	[tilespmem:$0x1DC00] =	vst v63  }
0x24b: {  	s24 =	sadd.s32 $0x1BCA8, s6;
	s28 =	sadd.s32 $0x50, s12  }
0x24c: {  	[hbm4b:s28+s5] =	stream.linear.scatter [tilespmem:s24], [sflag:$0x6], $0x80, $0x38;
	[tilespmem:$0x1DC00] =	vst v63  }
0x24d: {  	s24 =	sadd.s32 $0x1BD30, s6;
	s28 =	sadd.s32 $0x60, s12  }
0x24e: {  	[hbm4b:s28+s5] =	stream.linear.scatter [tilespmem:s24], [sflag:$0x6], $0x80, $0x38;
	[tilespmem:$0x1DC00] =	vst v63  }
0x24f: {  	s15 =	sadd.s32 $0x1BDB8, s6;
	s24 =	sadd.s32 $0x70, s12  }
0x250: {  	[hbm4b:s24+s5] =	stream.linear.scatter [tilespmem:s15], [sflag:$0x6], $0x80, $0x38;
	[tilespmem:$0x1DC00] =	vst v63  }
0x251: {  	_ =	swait.ge [sflag:s1], $0x4000  }
0x252: {  	[sflag:s1] =	ssyncset.done $0x0  }
0x253: {  	s12 =	sadd.s32 @!p0 $0x5, s11;
	[sflag:s1] =	ssyncadd.s32 $0xFFFFC000  }
0x254: {  	s6 =	sshll.u32 @!p0 s12, $0x7;
	_ =	swait.ge [sflag:s18], $0x80  }
0x255: {  	s13 =	simm.s32 @!p0 $0x80;
	s6 =	sand.u32 @!p0 $0x3FFFFF80, s6;
	[sflag:s18] =	ssyncset.done $0x0  }
0x256: {  	s15 =	simm.s32 @!p0 $0xD800;
	s6 =	sadd.s32 @!p0 $0x3200, s6;
	[sflag:s18] =	ssyncadd.s32 $0xFFFFFF80  }
0x257: {  	[tilespmem:s15], [sflag:$0x2] =	stream.indirect.gather @!p0 [hbm4b:s0+s13], $0x80, s6, s13, $0xb8;
	[tilespmem:$0x1DC00] =	vst v63  }
0x258: {  	s6 =	sadd.s32 $0x2, s8;
	s8 =	sadd.s32 @!p0 s7, s12  }
0x259: {  	s12 =	sshll.u32 @!p0 s8, $0x4;
	s8 =	sshrl.u32 s6, $0x5  }
0x25a: {  	s12 =	sand.u32 @!p0 $0x1FFFFFD0, s12;
	s28 =	sshll.u32 s8, $0x6  }
0x25b: {  	s24 =	simm.s32 @!p0 $0x9680;
	s15 =	simm.s32 @!p0 $0x0;
	s12 =	sadd.s32 @!p0 s2, s12;
	v0 =	vor.u32 s28, v34  }
0x25c: {  	v1 =	vor.u32 s28, v42;
	[tilespmem:s24], [sflag:$0x8] =	stream.linear.gather @!p0 [hbm4b:s12+s15], $0x80, $0x38;
	[tilespmem:$0x1DC00] =	vst v63  }
0x25d: {  	v2 =	vor.u32 s28, v44;
	_ =	swait.ge [sflag:s20], $0x2000  }
0x25e: {  	v3 =	vor.u32 s28, v46;
	[sflag:s20] =	ssyncset.done $0x0;
	v43 =	vld [tilespmem:$0x1FF70]  }
0x25f: {  	s12 =	simm.s32 $0x0;
	v62 =	vld [tilespmem:$0x1FF80];
	[sflag:s20] =	ssyncadd.s32 $0xFFFFE000  }
0x260: {  	v36 =	vld.idx.msk [tilespmem:v0+s12+$0x0], $0xffff  }
0x261: {  	v37 =	vld.idx.msk [tilespmem:v1+s12+$0x0], $0xffff  }
0x262: {  	v38 =	vld.idx.msk [tilespmem:v2+s12+$0x0], $0xffff  }
0x263: {  	v39 =	vld.idx.msk [tilespmem:v3+s12+$0x0], $0xffff  }
.LBB2_11:
0x264: {  	v0 =	vmov s12  }
0x265: {  	v1 =	vor.u32 $0x100, v0;
	_ =	sdelay $0x3  }
0x266: {  	s13 =	sadd.s32 $0x1, s12  }
0x267: {  	v2 =	vmov s13;
	v1 =	vld.idx.msk [tilespmem:v1+s17+$0x0], $0xffff  }
0x268: {  	v3 =	vor.u32 $0x101, v2;
	_ =	sdelay $0x3  }
0x269: {  	v4 =	vadd.s32 v34, v1  }
0x26a: {  	v0 =	vshll.u32 v0, $0x7;
	v3 =	vld.idx.msk [tilespmem:v3+s17+$0x0], $0xffff;
	v5 =	vand.u32 $0xFFFFFFF8, v4  }
0x26b: {  	v4 =	vand.u32 $0x7, v4;
	v5 =	vadd.s32 v0, v5  }
0x26c: {  	v4 =	vor.u32 v4, v5;
	_ =	sdelay $0x2  }
0x26d: {  	v9 =	vshll.u32 v2, $0x7;
	v7 =	vadd.s32 v42, v1;
	v14 =	vadd.s32 v34, v3  }
0x26e: {  	v8 =	vand.u32 $0xFFFFFFF8, v7;
	v7 =	vand.u32 $0x7, v7;
	v6 =	vand.u32 $0xFFFFFFF8, v14  }
0x26f: {  	s15 =	sadd.s32 $0x2, s12;
	v8 =	vadd.s32 v0, v8;
	v5 =	vand.u32 $0x7, v14;
	v6 =	vadd.s32 v9, v6;
	v4 =	vld.idx.msk [tilespmem:v4+s22+$0x0], $0xffff  }
0x270: {  	v7 =	vor.u32 v7, v8;
	v8 =	vmov s15;
	v5 =	vor.u32 v5, v6  }
0x271: {  	v15 =	vadd.s32 s12, v35;
	v10 =	vor.u32 $0x102, v8;
	_ =	sdelay $0x2  }
0x272: {  	v4 =	vadd.f32 v4, v36  }
0x273: {  	v40 =	vand.u32 $0x78, v2;
	v11 =	vadd.s32 v42, v3;
	v5 =	vld.idx.msk [tilespmem:v5+s22+$0x0], $0xffff  }
0x274: {  	v17 =	vadd.s32 v60, v40;
	v16 =	vand.u32 $0xFFFFFFF8, v11;
	v10 =	vld.idx.msk [tilespmem:v10+s17+$0x0], $0xffff;
	[tilespmem:v15+s29+$0x0] =	vst.idx.msk $0xffff, v4  }
0x275: {  	v19 =	vadd.s32 v44, v1;
	v18 =	vand.u32 $0x7, v11;
	v2 =	vadd.s32 v9, v16;
	v4 =	vld.idx.msk [tilespmem:v7+s22+$0x0], $0xffff  }
0x276: {  	v30 =	vadd.s32 s12, v48;
	v12 =	vand.u32 $0xFFFFFFF8, v19;
	v2 =	vor.u32 v18, v2  }
0x277: {  	v31 =	vadd.s32 v44, v3;
	v11 =	vand.u32 $0x7, v19;
	v12 =	vadd.s32 v0, v12  }
0x278: {  	s24 =	sadd.s32 $0x3, s12;
	v33 =	vand.u32 $0xFFFFFFF8, v31;
	v11 =	vor.u32 v11, v12;
	v5 =	vadd.f32 v5, v36  }
0x279: {  	v13 =	vmov s24;
	v41 =	vadd.s32 v9, v33;
	v12 =	vshll.u32 v8, $0x7  }
0x27a: {  	s28 =	sadd.s32 $0x4, s12;
	v14 =	vadd.s32 v34, v10;
	v15 =	vor.u32 $0x103, v13;
	[tilespmem:v17+s29+$0x0] =	vst.idx.msk $0xffff, v5;
	v4 =	vadd.f32 v4, v37  }
0x27b: {  	v16 =	vand.u32 $0xFFFFFFF8, v14;
	v17 =	vand.u32 $0x7, v14;
	v14 =	vmov s28;
	v2 =	vld.idx.msk [tilespmem:v2+s22+$0x0], $0xffff  }
0x27c: {  	v5 =	vand.u32 $0x7, v31;
	v7 =	vadd.s32 v12, v16;
	v18 =	vor.u32 $0x104, v14;
	[tilespmem:v30+s29+$0x0] =	vst.idx.msk $0xffff, v4  }
0x27d: {  	v32 =	vadd.s32 v55, v40;
	v4 =	vor.u32 v5, v41;
	v5 =	vor.u32 v17, v7;
	v11 =	vld.idx.msk [tilespmem:v11+s22+$0x0], $0xffff;
	_ =	sdelay $0x2  }
0x27e: {  	v15 =	vld.idx.msk [tilespmem:v15+s17+$0x0], $0xffff;
	v2 =	vadd.f32 v2, v37  }
0x27f: {  	v1 =	vadd.s32 v46, v1;
	v41 =	vand.u32 $0x78, v8;
	v8 =	vld.idx.msk [tilespmem:v18+s17+$0x0], $0xffff  }
0x280: {  	v30 =	vadd.s32 v42, v10;
	[tilespmem:v32+s29+$0x0] =	vst.idx.msk $0xffff, v2;
	v2 =	vadd.f32 v11, v38;
	v11 =	vld.idx.msk [tilespmem:v5+s22+$0x0], $0xffff  }
0x281: {  	v19 =	vand.u32 $0xFFFFFFF8, v1;
	v31 =	vand.u32 $0xFFFFFFF8, v30  }
0x282: {  	v6 =	vadd.s32 v63, v41;
	v7 =	vadd.s32 v12, v31;
	v5 =	vand.u32 $0x7, v30  }
0x283: {  	v0 =	vadd.s32 v0, v19;
	v19 =	vor.u32 v5, v7  }
0x284: {  	v1 =	vand.u32 $0x7, v1;
	v18 =	vshll.u32 v13, $0x7;
	v16 =	vadd.s32 v34, v15  }
0x285: {  	v17 =	vand.u32 $0xFFFFFFF8, v16;
	v31 =	vadd.s32 v34, v8;
	v30 =	vadd.f32 v11, v36  }
0x286: {  	v32 =	vand.u32 $0x7, v16;
	v33 =	vadd.s32 v18, v17;
	v20 =	vand.u32 $0xFFFFFFF8, v31  }
0x287: {  	v5 =	vor.u32 v1, v0;
	v0 =	vor.u32 v32, v33;
	v7 =	vshll.u32 v14, $0x7;
	[tilespmem:v6+s29+$0x0] =	vst.idx.msk $0xffff, v30  }
0x288: {  	v32 =	vadd.s32 v44, v10;
	v33 =	vand.u32 $0x7, v31;
	v30 =	vadd.s32 v7, v20;
	v19 =	vld.idx.msk [tilespmem:v19+s22+$0x0], $0xffff  }
0x289: {  	v20 =	vadd.s32 v21, v41;
	v21 =	vand.u32 $0xFFFFFFF8, v32;
	v6 =	vor.u32 v33, v30  }
0x28a: {  	v1 =	vand.u32 $0x7, v32;
	v31 =	vadd.s32 v12, v21;
	v21 =	vadd.s32 v42, v15  }
0x28b: {  	v24 =	vadd.s32 v42, v8;
	v11 =	vor.u32 v1, v31;
	v32 =	vand.u32 $0xFFFFFFF8, v21  }
0x28c: {  	s15 =	sadd.s32 $0x5, s12;
	v0 =	vld.idx.msk [tilespmem:v0+s22+$0x0], $0xffff;
	v1 =	vand.u32 $0x78, v13;
	v21 =	vand.u32 $0x7, v21;
	v13 =	vadd.s32 v18, v32  }
0x28d: {  	v13 =	vor.u32 v21, v13;
	v21 =	vmov s15;
	v19 =	vadd.f32 v19, v37  }
0x28e: {  	v33 =	vand.u32 $0xFFFFFFF8, v24;
	v22 =	vadd.s32 v25, v1;
	v25 =	vor.u32 $0x105, v21;
	v23 =	vld.idx.msk [tilespmem:v6+s22+$0x0], $0xffff  }
0x28f: {  	s24 =	sadd.s32 $0x6, s12;
	v6 =	vand.u32 $0x78, v14;
	v14 =	vadd.s32 v7, v33;
	[tilespmem:v20+s29+$0x0] =	vst.idx.msk $0xffff, v19;
	v20 =	vand.u32 $0x7, v24  }
0x290: {  	v31 =	vor.u32 v20, v14;
	v14 =	vmov s24  }
0x291: {  	v0 =	vadd.f32 v0, v36;
	v20 =	vor.u32 $0x106, v14  }
0x292: {  	v3 =	vadd.s32 v46, v3;
	v17 =	vadd.s32 s12, v49;
	v30 =	vadd.s32 v26, v6  }
0x293: {  	v10 =	vadd.s32 v46, v10;
	[tilespmem:v22+s29+$0x0] =	vst.idx.msk $0xffff, v0;
	v22 =	vadd.f32 v23, v36;
	v23 =	vld.idx.msk [tilespmem:v25+s17+$0x0], $0xffff  }
0x294: {  	v32 =	vand.u32 $0xFFFFFFF8, v10;
	v10 =	vand.u32 $0x7, v10;
	v24 =	vand.u32 $0xFFFFFFF8, v3  }
0x295: {  	s28 =	sadd.s32 $0x7, s12;
	v33 =	vadd.s32 v44, v15;
	v3 =	vand.u32 $0x7, v3;
	v9 =	vadd.s32 v9, v24;
	v13 =	vld.idx.msk [tilespmem:v13+s22+$0x0], $0xffff  }
0x296: {  	v26 =	vshll.u32 v21, $0x7;
	v24 =	vmov s28;
	v9 =	vor.u32 v3, v9;
	v19 =	vld.idx.msk [tilespmem:v20+s17+$0x0], $0xffff  }
0x297: {  	v3 =	vadd.s32 v12, v32;
	v12 =	vand.u32 $0x7, v33;
	v25 =	vor.u32 $0x107, v24;
	[tilespmem:v30+s29+$0x0] =	vst.idx.msk $0xffff, v22  }
0x298: {  	v30 =	vand.u32 $0xFFFFFFF8, v33;
	v0 =	vld.idx.msk [tilespmem:v31+s22+$0x0], $0xffff;
	v20 =	vadd.s32 v27, v1;
	v31 =	vadd.s32 v34, v23  }
0x299: {  	v10 =	vor.u32 v10, v3;
	v3 =	vadd.s32 v18, v30;
	v22 =	vand.u32 $0xFFFFFFF8, v31  }
0x29a: {  	v4 =	vld.idx.msk [tilespmem:v4+s22+$0x0], $0xffff;
	v3 =	vor.u32 v12, v3;
	v12 =	vand.u32 $0x7, v31;
	v22 =	vadd.s32 v26, v22  }
0x29b: {  	v13 =	vadd.f32 v13, v37;
	v12 =	vor.u32 v12, v22;
	v28 =	vadd.s32 v34, v19  }
0x29c: {  	v25 =	vld.idx.msk [tilespmem:v25+s17+$0x0], $0xffff;
	v31 =	vshll.u32 v14, $0x7;
	v30 =	vand.u32 $0xFFFFFFF8, v28  }
0x29d: {  	[tilespmem:v20+s29+$0x0] =	vst.idx.msk $0xffff, v13;
	v13 =	vld [tilespmem:$0x1FEC0];
	v28 =	vand.u32 $0x7, v28;
	v30 =	vadd.s32 v31, v30  }
0x29e: {  	v16 =	vadd.s32 v57, v40;
	v15 =	vadd.s32 v46, v15;
	v28 =	vor.u32 v28, v30  }
0x29f: {  	[tilespmem:v17+s29+$0x0] =	vst.idx.msk $0xffff, v2;
	v4 =	vadd.f32 v4, v38;
	v17 =	vand.u32 $0x78, v21;
	v27 =	vand.u32 $0xFFFFFFF8, v15  }
0x2a0: {  	v33 =	vshll.u32 v24, $0x7;
	v18 =	vadd.s32 v18, v27;
	v27 =	vadd.s32 v44, v8;
	v12 =	vld.idx.msk [tilespmem:v12+s22+$0x0], $0xffff  }
0x2a1: {  	v11 =	vld.idx.msk [tilespmem:v11+s22+$0x0], $0xffff;
	v29 =	vand.u32 $0xFFFFFFF8, v27;
	v27 =	vand.u32 $0x7, v27;
	v32 =	vadd.s32 v34, v25  }
0x2a2: {  	v29 =	vadd.s32 v7, v29;
	v30 =	vand.u32 $0xFFFFFFF8, v32;
	v13 =	vadd.s32 v13, v17  }
0x2a3: {  	v2 =	vor.u32 v27, v29;
	v32 =	vand.u32 $0x7, v32;
	v30 =	vadd.s32 v33, v30;
	v27 =	vld.idx.msk [tilespmem:v28+s22+$0x0], $0xffff  }
0x2a4: {  	v22 =	vadd.s32 v62, v6;
	v30 =	vor.u32 v32, v30;
	v32 =	vadd.s32 v42, v23;
	v28 =	vld [tilespmem:$0x1FF00]  }
0x2a5: {  	[tilespmem:v16+s29+$0x0] =	vst.idx.msk $0xffff, v4;
	v16 =	vand.u32 $0x78, v24;
	v21 =	vand.u32 $0xFFFFFFF8, v32;
	v12 =	vadd.f32 v12, v36  }
0x2a6: {  	v11 =	vadd.f32 v11, v38;
	v20 =	vand.u32 $0x7, v32;
	v21 =	vadd.s32 v26, v21  }
0x2a7: {  	v15 =	vand.u32 $0x7, v15;
	v0 =	vadd.f32 v0, v37;
	v20 =	vor.u32 v20, v21;
	[tilespmem:v13+s29+$0x0] =	vst.idx.msk $0xffff, v12;
	v12 =	vld [tilespmem:$0x1FF40]  }
0x2a8: {  	v8 =	vadd.s32 v46, v8;
	v14 =	vand.u32 $0x78, v14;
	v3 =	vld.idx.msk [tilespmem:v3+s22+$0x0], $0xffff;
	v21 =	vadd.s32 v42, v19  }
0x2a9: {  	[tilespmem:v22+s29+$0x0] =	vst.idx.msk $0xffff, v0;
	v0 =	vadd.s32 v43, v1;
	v29 =	vand.u32 $0xFFFFFFF8, v21;
	v28 =	vadd.s32 v28, v14  }
0x2aa: {  	v32 =	vadd.s32 v42, v25;
	v21 =	vand.u32 $0x7, v21;
	v29 =	vadd.s32 v31, v29;
	v30 =	vld.idx.msk [tilespmem:v30+s22+$0x0], $0xffff  }
0x2ab: {  	v4 =	vor.u32 v21, v29;
	v21 =	vand.u32 $0xFFFFFFF8, v32;
	v32 =	vand.u32 $0x7, v32  }
0x2ac: {  	v21 =	vadd.s32 v33, v21;
	v20 =	vld.idx.msk [tilespmem:v20+s22+$0x0], $0xffff;
	v22 =	vadd.f32 v27, v36;
	v12 =	vadd.s32 v12, v16  }
0x2ad: {  	v13 =	vor.u32 v32, v21;
	v21 =	vadd.s32 v45, v41;
	v32 =	vadd.s32 v44, v23  }
0x2ae: {  	v15 =	vor.u32 v15, v18;
	v3 =	vadd.f32 v3, v38;
	v27 =	vand.u32 $0xFFFFFFF8, v32;
	[tilespmem:v28+s29+$0x0] =	vst.idx.msk $0xffff, v22;
	v22 =	vld [tilespmem:$0x1FED0]  }
0x2af: {  	v18 =	vand.u32 $0x7, v32;
	v32 =	vld [tilespmem:$0x1FF10];
	v24 =	vadd.f32 v30, v36;
	v27 =	vadd.s32 v26, v27  }
0x2b0: {  	[tilespmem:v0+s29+$0x0] =	vst.idx.msk $0xffff, v3;
	v18 =	vor.u32 v18, v27;
	v27 =	vadd.s32 v44, v25  }
0x2b1: {  	v30 =	vand.u32 $0xFFFFFFF8, v8;
	[tilespmem:v12+s29+$0x0] =	vst.idx.msk $0xffff, v24;
	v12 =	vadd.f32 v20, v37;
	v20 =	vadd.s32 v44, v19;
	v24 =	vld [tilespmem:$0x1FF50]  }
0x2b2: {  	v0 =	vadd.s32 v7, v30;
	v30 =	vand.u32 $0x7, v8;
	[tilespmem:v21+s29+$0x0] =	vst.idx.msk $0xffff, v11;
	v4 =	vld.idx.msk [tilespmem:v4+s22+$0x0], $0xffff;
	v21 =	vand.u32 $0xFFFFFFF8, v20  }
0x2b3: {  	v13 =	vld.idx.msk [tilespmem:v13+s22+$0x0], $0xffff;
	v20 =	vand.u32 $0x7, v20;
	v22 =	vadd.s32 v22, v17;
	v21 =	vadd.s32 v31, v21  }
0x2b4: {  	v9 =	vld.idx.msk [tilespmem:v9+s22+$0x0], $0xffff;
	v11 =	vadd.s32 v32, v14;
	v3 =	vor.u32 v20, v21;
	v20 =	vand.u32 $0xFFFFFFF8, v27  }
0x2b5: {  	v2 =	vld.idx.msk [tilespmem:v2+s22+$0x0], $0xffff;
	v0 =	vor.u32 v30, v0;
	v32 =	vand.u32 $0x7, v27;
	v20 =	vadd.s32 v33, v20  }
0x2b6: {  	v24 =	vadd.s32 v24, v16;
	v7 =	vor.u32 v32, v20;
	v32 =	vadd.s32 v46, v23;
	v20 =	vld [tilespmem:$0x1FF20]  }
0x2b7: {  	v4 =	vadd.f32 v4, v37;
	v30 =	vand.u32 $0xFFFFFFF8, v32;
	v8 =	vand.u32 $0x7, v32;
	v32 =	vld [tilespmem:$0x1FEE0]  }
0x2b8: {  	v10 =	vld.idx.msk [tilespmem:v10+s22+$0x0], $0xffff;
	[tilespmem:v22+s29+$0x0] =	vst.idx.msk $0xffff, v12;
	v12 =	vadd.f32 v13, v37;
	v13 =	vadd.s32 v46, v19  }
0x2b9: {  	v21 =	vld [tilespmem:$0x1FF60];
	[tilespmem:v11+s29+$0x0] =	vst.idx.msk $0xffff, v4;
	v11 =	vadd.s32 v58, v6;
	v4 =	vadd.s32 v26, v30;
	v30 =	vand.u32 $0xFFFFFFF8, v13  }
0x2ba: {  	v4 =	vor.u32 v8, v4;
	v3 =	vld.idx.msk [tilespmem:v3+s22+$0x0], $0xffff;
	v8 =	vadd.s32 v31, v30;
	v31 =	vadd.s32 v46, v25  }
0x2bb: {  	v30 =	vadd.s32 v56, v40;
	[tilespmem:v24+s29+$0x0] =	vst.idx.msk $0xffff, v12;
	v12 =	vld.idx.msk [tilespmem:v18+s22+$0x0], $0xffff;
	v20 =	vadd.s32 v20, v14  }
0x2bc: {  	v19 =	vand.u32 $0x7, v31;
	v18 =	vadd.s32 v32, v17;
	v32 =	vand.u32 $0xFFFFFFF8, v31;
	v31 =	vld.idx.msk [tilespmem:v15+s22+$0x0], $0xffff  }
0x2bd: {  	v2 =	vadd.f32 v2, v38;
	v13 =	vand.u32 $0x7, v13;
	v40 =	vadd.f32 v9, v39  }
0x2be: {  	v8 =	vor.u32 v13, v8;
	v7 =	vld.idx.msk [tilespmem:v7+s22+$0x0], $0xffff;
	v13 =	vadd.s32 v33, v32;
	v32 =	vadd.s32 v59, v41  }
0x2bf: {  	v5 =	vld.idx.msk [tilespmem:v5+s22+$0x0], $0xffff;
	v21 =	vadd.s32 v21, v16;
	[tilespmem:v11+s29+$0x0] =	vst.idx.msk $0xffff, v2;
	v3 =	vadd.f32 v3, v38  }
0x2c0: {  	v0 =	vld.idx.msk [tilespmem:v0+s22+$0x0], $0xffff;
	v15 =	vadd.f32 v10, v39;
	[tilespmem:v30+s29+$0x0] =	vst.idx.msk $0xffff, v40;
	v12 =	vadd.f32 v12, v38  }
0x2c1: {  	v13 =	vor.u32 v19, v13;
	v19 =	vadd.s32 s12, v53;
	[tilespmem:v20+s29+$0x0] =	vst.idx.msk $0xffff, v3;
	v30 =	vadd.f32 v31, v39;
	v31 =	vld [tilespmem:$0x1FF30]  }
0x2c2: {  	[tilespmem:v18+s29+$0x0] =	vst.idx.msk $0xffff, v12;
	v18 =	vld [tilespmem:$0x1FEF0]  }
0x2c3: {  	v7 =	vadd.f32 v7, v38;
	[tilespmem:v32+s29+$0x0] =	vst.idx.msk $0xffff, v15;
	v32 =	vld [tilespmem:$0x1FE90]  }
0x2c4: {  	v1 =	vadd.s32 v47, v1;
	v33 =	vadd.f32 v5, v39;
	v41 =	vld.idx.msk [tilespmem:v8+s22+$0x0], $0xffff  }
0x2c5: {  	v6 =	vadd.s32 v51, v6;
	v4 =	vld.idx.msk [tilespmem:v4+s22+$0x0], $0xffff;
	[tilespmem:v21+s29+$0x0] =	vst.idx.msk $0xffff, v7  }
0x2c6: {  	[tilespmem:v19+s29+$0x0] =	vst.idx.msk $0xffff, v33;
	v19 =	vld.idx.msk [tilespmem:v13+s22+$0x0], $0xffff;
	v5 =	vadd.s32 v31, v14  }
0x2c7: {  	v8 =	vadd.s32 v18, v17  }
0x2c8: {  	p1 =	slt.u32 s12, $0x78;
	v0 =	vadd.f32 v0, v39;
	v3 =	vadd.s32 v32, v16  }
.Ltmp4:
0x2c9: {  	[tilespmem:v1+s29+$0x0] =	vst.idx.msk $0xffff, v30;
	v40 =	vadd.f32 v41, v39;
	(pc) =	sbr.rel @p1 .LBB2_11-.Ltmp4, $4  }
0x2ca: {  	[tilespmem:v6+s29+$0x0] =	vst.idx.msk $0xffff, v0;
	v33 =	vadd.f32 v4, v39  }
0x2cb: {  	v41 =	vadd.f32 v19, v39;
	[tilespmem:v5+s29+$0x0] =	vst.idx.msk $0xffff, v40  }
0x2cc: {  	[tilespmem:v8+s29+$0x0] =	vst.idx.msk $0xffff, v33  }
0x2cd: {  	v27 =	vmovc v54;
	v26 =	vmov v52;
	v25 =	vmov v61;
	s12 =	sadd.s32 $0x8, s12;
	v21 =	vmov v50;
	[tilespmem:v3+s29+$0x0] =	vst.idx.msk $0xffff, v41  }
0x2ce: {  	s6 =	sshll.u32 s6, $0x7  }
0x2cf: {  	s6 =	sand.u32 $0xF00, s6  }
0x2d0: {  	s8 =	sshll.u32 s8, $0xF;
	s6 =	sadd.s32 s4, s6  }
0x2d1: {  	s13 =	simm.s32 $0x19800;
	s8 =	sadd.s32 s8, s6  }
0x2d2: {  	[hbm4b:s8+s5] =	stream.linear.scatter [tilespmem:s13], [sflag:$0x5], $0x80, $0x38;
	[tilespmem:$0x1DC00] =	vst v63  }
0x2d3: {  	s15 =	simm.s32 $0x19888;
	s12 =	sadd.s32 $0x10, s8  }
0x2d4: {  	[hbm4b:s12+s5] =	stream.linear.scatter [tilespmem:s15], [sflag:$0x5], $0x80, $0x38;
	[tilespmem:$0x1DC00] =	vst v63  }
0x2d5: {  	s24 =	simm.s32 $0x19910;
	s6 =	simm.s32 $0x440;
	s28 =	sadd.s32 $0x20, s8  }
0x2d6: {  	[hbm4b:s28+s5] =	stream.linear.scatter [tilespmem:s24], [sflag:$0x5], $0x80, $0x38;
	[tilespmem:$0x1DC00] =	vst v63  }
0x2d7: {  	s13 =	simm.s32 $0x19998;
	s15 =	sadd.s32 $0x30, s8;
	s12 =	simm.s32 $0x2200  }
0x2d8: {  	[hbm4b:s15+s5] =	stream.linear.scatter [tilespmem:s13], [sflag:$0x5], $0x80, $0x38;
	[tilespmem:$0x1DC00] =	vst v63  }
0x2d9: {  	s24 =	simm.s32 $0x19A20;
	s28 =	sadd.s32 $0x40, s8;
	s13 =	simm.s32 $0x19AA8  }
0x2da: {  	[hbm4b:s28+s5] =	stream.linear.scatter [tilespmem:s24], [sflag:$0x5], $0x80, $0x38;
	[tilespmem:$0x1DC00] =	vst v63  }
0x2db: {  	s15 =	sadd.s32 $0x50, s8;
	s24 =	simm.s32 $0x19B30;
	s28 =	sadd.s32 $0x60, s8  }
0x2dc: {  	[hbm4b:s15+s5] =	stream.linear.scatter [tilespmem:s13], [sflag:$0x5], $0x80, $0x38;
	[tilespmem:$0x1DC00] =	vst v63  }
0x2dd: {  	s13 =	simm.s32 $0x19BB8;
	s15 =	sadd.s32 $0x70, s8;
	s8 =	sadd.s32 $0x1000, s8  }
0x2de: {  	[hbm4b:s28+s5] =	stream.linear.scatter [tilespmem:s24], [sflag:$0x5], $0x80, $0x38;
	[tilespmem:$0x1DC00] =	vst v63  }
.LBB2_13:
0x2df: {  	[hbm4b:s15+s5] =	stream.linear.scatter [tilespmem:s13], [sflag:$0x5], $0x80, $0x38;
	[tilespmem:$0x1DC00] =	vst v63  }
0x2e0: {  	s13 =	smov.u32 s6;
	s6 =	smov.u32 s12  }
0x2e1: {  	s24 =	sadd.s32 $0x1100, s12;
	s6 =	sshra.s32 s6, $0x2;
	s15 =	sadd.s32 $0x19800, s13  }
0x2e2: {  	[hbm4b:s8+s5] =	stream.linear.scatter [tilespmem:s15], [sflag:$0x5], $0x80, $0x38;
	[tilespmem:$0x1DC00] =	vst v63  }
0x2e3: {  	p1 =	sne.s32 s12, $0x7700;
	s12 =	sadd.s32 $0x19888, s13;
	s15 =	sadd.s32 $0x10, s8  }
0x2e4: {  	[hbm4b:s15+s5] =	stream.linear.scatter [tilespmem:s12], [sflag:$0x5], $0x80, $0x38;
	[tilespmem:$0x1DC00] =	vst v63  }
0x2e5: {  	s12 =	sadd.s32 $0x19910, s13;
	s15 =	sadd.s32 $0x20, s8  }
0x2e6: {  	[hbm4b:s15+s5] =	stream.linear.scatter [tilespmem:s12], [sflag:$0x5], $0x80, $0x38;
	[tilespmem:$0x1DC00] =	vst v63  }
0x2e7: {  	s12 =	sadd.s32 $0x19998, s13;
	s15 =	sadd.s32 $0x30, s8  }
0x2e8: {  	[hbm4b:s15+s5] =	stream.linear.scatter [tilespmem:s12], [sflag:$0x5], $0x80, $0x38;
	[tilespmem:$0x1DC00] =	vst v63  }
0x2e9: {  	s12 =	sadd.s32 $0x19A20, s13;
	s15 =	sadd.s32 $0x40, s8  }
0x2ea: {  	[hbm4b:s15+s5] =	stream.linear.scatter [tilespmem:s12], [sflag:$0x5], $0x80, $0x38;
	[tilespmem:$0x1DC00] =	vst v63  }
.Ltmp5:
0x2eb: {  	s12 =	sadd.s32 $0x19AA8, s13;
	s15 =	sadd.s32 $0x50, s8;
	(pc) =	sbr.rel @p1 .LBB2_13-.Ltmp5, $4  }
0x2ec: {  	[hbm4b:s15+s5] =	stream.linear.scatter [tilespmem:s12], [sflag:$0x5], $0x80, $0x38;
	[tilespmem:$0x1DC00] =	vst v63  }
0x2ed: {  	s12 =	sadd.s32 $0x19B30, s13;
	s15 =	sadd.s32 $0x60, s8;
	s13 =	sadd.s32 $0x19BB8, s13  }
0x2ee: {  	[hbm4b:s15+s5] =	stream.linear.scatter [tilespmem:s12], [sflag:$0x5], $0x80, $0x38;
	[tilespmem:$0x1DC00] =	vst v63  }
0x2ef: {  	s15 =	sadd.s32 $0x70, s8;
	s8 =	sadd.s32 $0x1000, s8;
	s12 =	smov.u32 s24  }
0x2f0: {  	[hbm4b:s15+s5] =	stream.linear.scatter [tilespmem:s13], [sflag:$0x5], $0x80, $0x38;
	[tilespmem:$0x1DC00] =	vst v63  }
0x2f1: {  	s12 =	sadd.s32 $0x19800, s6  }
0x2f2: {  	[hbm4b:s8+s5] =	stream.linear.scatter [tilespmem:s12], [sflag:$0x5], $0x80, $0x38;
	[tilespmem:$0x1DC00] =	vst v63  }
0x2f3: {  	s13 =	sadd.s32 $0x19888, s6;
	s15 =	sadd.s32 $0x10, s8  }
0x2f4: {  	[hbm4b:s15+s5] =	stream.linear.scatter [tilespmem:s13], [sflag:$0x5], $0x80, $0x38;
	[tilespmem:$0x1DC00] =	vst v63  }
0x2f5: {  	s24 =	sadd.s32 $0x19910, s6;
	s28 =	sadd.s32 $0x20, s8  }
0x2f6: {  	[hbm4b:s28+s5] =	stream.linear.scatter [tilespmem:s24], [sflag:$0x5], $0x80, $0x38;
	[tilespmem:$0x1DC00] =	vst v63  }
0x2f7: {  	s13 =	sadd.s32 $0x19998, s6;
	s15 =	sadd.s32 $0x30, s8  }
0x2f8: {  	[hbm4b:s15+s5] =	stream.linear.scatter [tilespmem:s13], [sflag:$0x5], $0x80, $0x38;
	[tilespmem:$0x1DC00] =	vst v63  }
0x2f9: {  	s24 =	sadd.s32 $0x19A20, s6;
	s28 =	sadd.s32 $0x40, s8  }
0x2fa: {  	[hbm4b:s28+s5] =	stream.linear.scatter [tilespmem:s24], [sflag:$0x5], $0x80, $0x38;
	[tilespmem:$0x1DC00] =	vst v63  }
0x2fb: {  	s13 =	sadd.s32 $0x19AA8, s6;
	s15 =	sadd.s32 $0x50, s8  }
0x2fc: {  	[hbm4b:s15+s5] =	stream.linear.scatter [tilespmem:s13], [sflag:$0x5], $0x80, $0x38;
	[tilespmem:$0x1DC00] =	vst v63  }
0x2fd: {  	s24 =	sadd.s32 $0x19B30, s6;
	s28 =	sadd.s32 $0x60, s8  }
0x2fe: {  	[hbm4b:s28+s5] =	stream.linear.scatter [tilespmem:s24], [sflag:$0x5], $0x80, $0x38;
	[tilespmem:$0x1DC00] =	vst v63  }
0x2ff: {  	s15 =	sadd.s32 $0x19BB8, s6;
	s24 =	sadd.s32 $0x70, s8  }
0x300: {  	[hbm4b:s24+s5] =	stream.linear.scatter [tilespmem:s15], [sflag:$0x5], $0x80, $0x38;
	[tilespmem:$0x1DC00] =	vst v63  }
0x301: {  	_ =	swait.ge [sflag:s21], $0x4000  }
0x302: {  	[sflag:s21] =	ssyncset.done $0x0  }
0x303: {  	s6 =	sadd.s32 @!p0 $0x6, s11;
	[sflag:s21] =	ssyncadd.s32 $0xFFFFC000  }
0x304: {  	s12 =	simm.s32 @!p0 $0x11800;
	s8 =	sshll.u32 @!p0 s6, $0x7;
	_ =	swait.ge [sflag:s23], $0x80  }
0x305: {  	s11 =	simm.s32 @!p0 $0x80;
	s8 =	sand.u32 @!p0 $0x3FFFFF80, s8;
	[sflag:s23] =	ssyncset.done $0x0  }
0x306: {  	s6 =	sadd.s32 @!p0 s7, s6;
	s8 =	sadd.s32 @!p0 $0x3200, s8;
	[sflag:s23] =	ssyncadd.s32 $0xFFFFFF80  }
0x307: {  	[tilespmem:s12], [sflag:$0x3] =	stream.indirect.gather @!p0 [hbm4b:s0+s11], $0x80, s8, s11, $0xb8;
	[tilespmem:$0x1DC00] =	vst v63  }
0x308: {  	s8 =	sshll.u32 @!p0 s6, $0x4;
	s6 =	sshrl.u32 s10, $0x5  }
0x309: {  	s8 =	sand.u32 @!p0 $0x1FFFFFE0, s8;
	s28 =	sshll.u32 s6, $0x6  }
0x30a: {  	s13 =	simm.s32 @!p0 $0x9700;
	s12 =	simm.s32 @!p0 $0x0;
	s8 =	sadd.s32 @!p0 s2, s8;
	v0 =	vor.u32 s28, v34  }
0x30b: {  	v1 =	vor.u32 s28, v42;
	[tilespmem:s13], [sflag:$0x9] =	stream.linear.gather @!p0 [hbm4b:s8+s12], $0x80, $0x38;
	[tilespmem:$0x1DC00] =	vst v63  }
0x30c: {  	v2 =	vor.u32 s28, v44;
	_ =	swait.ge [sflag:s14], $0x2000  }
0x30d: {  	v3 =	vor.u32 s28, v46;
	[sflag:s14] =	ssyncset.done $0x0;
	v43 =	vld [tilespmem:$0x1FF70]  }
0x30e: {  	s8 =	simm.s32 $0x0;
	v62 =	vld [tilespmem:$0x1FF80];
	[sflag:s14] =	ssyncadd.s32 $0xFFFFE000  }
0x30f: {  	v36 =	vld.idx.msk [tilespmem:v0+s8+$0x0], $0xffff  }
0x310: {  	v37 =	vld.idx.msk [tilespmem:v1+s8+$0x0], $0xffff  }
0x311: {  	v38 =	vld.idx.msk [tilespmem:v2+s8+$0x0], $0xffff  }
0x312: {  	v39 =	vld.idx.msk [tilespmem:v3+s8+$0x0], $0xffff  }
.LBB2_15:
0x313: {  	v0 =	vmov s8  }
0x314: {  	v1 =	vor.u32 $0x180, v0;
	_ =	sdelay $0x3  }
0x315: {  	s11 =	sadd.s32 $0x1, s8  }
0x316: {  	v2 =	vmov s11;
	v1 =	vld.idx.msk [tilespmem:v1+s17+$0x0], $0xffff  }
0x317: {  	v3 =	vor.u32 $0x181, v2;
	_ =	sdelay $0x3  }
0x318: {  	v4 =	vadd.s32 v34, v1  }
0x319: {  	v0 =	vshll.u32 v0, $0x7;
	v3 =	vld.idx.msk [tilespmem:v3+s17+$0x0], $0xffff;
	v5 =	vand.u32 $0xFFFFFFF8, v4  }
0x31a: {  	v4 =	vand.u32 $0x7, v4;
	v5 =	vadd.s32 v0, v5  }
0x31b: {  	v4 =	vor.u32 v4, v5;
	_ =	sdelay $0x2  }
0x31c: {  	v9 =	vshll.u32 v2, $0x7;
	v7 =	vadd.s32 v42, v1;
	v14 =	vadd.s32 v34, v3  }
0x31d: {  	v8 =	vand.u32 $0xFFFFFFF8, v7;
	v7 =	vand.u32 $0x7, v7;
	v6 =	vand.u32 $0xFFFFFFF8, v14  }
0x31e: {  	s28 =	sadd.s32 $0x2, s8;
	v8 =	vadd.s32 v0, v8;
	v5 =	vand.u32 $0x7, v14;
	v6 =	vadd.s32 v9, v6;
	v4 =	vld.idx.msk [tilespmem:v4+s26+$0x0], $0xffff  }
0x31f: {  	v7 =	vor.u32 v7, v8;
	v8 =	vmov s28;
	v5 =	vor.u32 v5, v6  }
0x320: {  	v15 =	vadd.s32 s8, v35;
	v10 =	vor.u32 $0x182, v8;
	_ =	sdelay $0x2  }
0x321: {  	v4 =	vadd.f32 v4, v36  }
0x322: {  	v40 =	vand.u32 $0x78, v2;
	v11 =	vadd.s32 v42, v3;
	v5 =	vld.idx.msk [tilespmem:v5+s26+$0x0], $0xffff  }
0x323: {  	v17 =	vadd.s32 v60, v40;
	v16 =	vand.u32 $0xFFFFFFF8, v11;
	v10 =	vld.idx.msk [tilespmem:v10+s17+$0x0], $0xffff;
	[tilespmem:v15+s3+$0x0] =	vst.idx.msk $0xffff, v4  }
0x324: {  	v19 =	vadd.s32 v44, v1;
	v18 =	vand.u32 $0x7, v11;
	v2 =	vadd.s32 v9, v16;
	v4 =	vld.idx.msk [tilespmem:v7+s26+$0x0], $0xffff  }
0x325: {  	v12 =	vand.u32 $0xFFFFFFF8, v19;
	v2 =	vor.u32 v18, v2  }
0x326: {  	v32 =	vadd.s32 s8, v48;
	v11 =	vand.u32 $0x7, v19;
	v12 =	vadd.s32 v0, v12  }
0x327: {  	s12 =	sadd.s32 $0x3, s8;
	v33 =	vadd.s32 v44, v3;
	v11 =	vor.u32 v11, v12;
	v5 =	vadd.f32 v5, v36  }
0x328: {  	v13 =	vmov s12;
	v41 =	vand.u32 $0xFFFFFFF8, v33;
	v6 =	vadd.s32 v55, v40  }
0x329: {  	v14 =	vadd.s32 v34, v10;
	v15 =	vor.u32 $0x183, v13;
	[tilespmem:v17+s3+$0x0] =	vst.idx.msk $0xffff, v5;
	v4 =	vadd.f32 v4, v37  }
0x32a: {  	v18 =	vadd.s32 v9, v41;
	v12 =	vshll.u32 v8, $0x7;
	v19 =	vand.u32 $0xFFFFFFF8, v14;
	v2 =	vld.idx.msk [tilespmem:v2+s26+$0x0], $0xffff  }
0x32b: {  	s13 =	sadd.s32 $0x4, s8;
	v5 =	vand.u32 $0x7, v33;
	v7 =	vadd.s32 v12, v19;
	[tilespmem:v32+s3+$0x0] =	vst.idx.msk $0xffff, v4;
	v32 =	vand.u32 $0x7, v14  }
0x32c: {  	v4 =	vor.u32 v5, v18;
	v14 =	vmov s13;
	v11 =	vld.idx.msk [tilespmem:v11+s26+$0x0], $0xffff;
	v5 =	vor.u32 v32, v7  }
0x32d: {  	v33 =	vor.u32 $0x184, v14  }
0x32e: {  	v15 =	vld.idx.msk [tilespmem:v15+s17+$0x0], $0xffff  }
0x32f: {  	v2 =	vadd.f32 v2, v37  }
0x330: {  	v1 =	vadd.s32 v46, v1  }
0x331: {  	v41 =	vand.u32 $0x78, v8;
	[tilespmem:v6+s3+$0x0] =	vst.idx.msk $0xffff, v2;
	v2 =	vadd.f32 v11, v38;
	v11 =	vld.idx.msk [tilespmem:v5+s26+$0x0], $0xffff  }
0x332: {  	v19 =	vadd.s32 v42, v10;
	v18 =	vand.u32 $0xFFFFFFF8, v1;
	v1 =	vand.u32 $0x7, v1;
	v8 =	vld.idx.msk [tilespmem:v33+s17+$0x0], $0xffff  }
0x333: {  	v0 =	vadd.s32 v0, v18;
	v6 =	vadd.s32 v63, v41;
	v16 =	vadd.s32 v34, v15  }
0x334: {  	v32 =	vand.u32 $0xFFFFFFF8, v19;
	v18 =	vshll.u32 v13, $0x7;
	v17 =	vand.u32 $0xFFFFFFF8, v16  }
0x335: {  	v7 =	vadd.s32 v12, v32;
	v32 =	vadd.s32 v18, v17;
	v5 =	vand.u32 $0x7, v19  }
0x336: {  	v33 =	vand.u32 $0x7, v16;
	v19 =	vor.u32 v5, v7;
	v5 =	vor.u32 v1, v0  }
0x337: {  	v0 =	vor.u32 v33, v32;
	v33 =	vadd.f32 v11, v36;
	v32 =	vadd.s32 v34, v8  }
0x338: {  	v7 =	vshll.u32 v14, $0x7;
	v20 =	vand.u32 $0xFFFFFFF8, v32  }
0x339: {  	v1 =	vadd.s32 v44, v10;
	[tilespmem:v6+s3+$0x0] =	vst.idx.msk $0xffff, v33;
	v33 =	vand.u32 $0x7, v32;
	v32 =	vadd.s32 v7, v20  }
0x33a: {  	v20 =	vadd.s32 v21, v41;
	v21 =	vand.u32 $0xFFFFFFF8, v1;
	v6 =	vor.u32 v33, v32  }
0x33b: {  	v1 =	vand.u32 $0x7, v1;
	v19 =	vld.idx.msk [tilespmem:v19+s26+$0x0], $0xffff;
	v33 =	vadd.s32 v12, v21;
	v21 =	vadd.s32 v42, v15  }
0x33c: {  	v0 =	vld.idx.msk [tilespmem:v0+s26+$0x0], $0xffff;
	v11 =	vor.u32 v1, v33;
	v32 =	vand.u32 $0xFFFFFFF8, v21  }
0x33d: {  	s15 =	sadd.s32 $0x5, s8;
	v1 =	vand.u32 $0x78, v13;
	v21 =	vand.u32 $0x7, v21;
	v13 =	vadd.s32 v18, v32  }
0x33e: {  	v22 =	vadd.s32 v25, v1;
	v13 =	vor.u32 v21, v13;
	v21 =	vmov s15  }
0x33f: {  	v25 =	vor.u32 $0x185, v21;
	v23 =	vld.idx.msk [tilespmem:v6+s26+$0x0], $0xffff  }
0x340: {  	v3 =	vadd.s32 v46, v3;
	v24 =	vadd.s32 v42, v8;
	v19 =	vadd.f32 v19, v37  }
0x341: {  	v10 =	vadd.s32 v46, v10;
	v33 =	vand.u32 $0xFFFFFFF8, v24;
	v0 =	vadd.f32 v0, v36  }
0x342: {  	s24 =	sadd.s32 $0x6, s8;
	v6 =	vand.u32 $0x78, v14;
	v14 =	vadd.s32 v7, v33;
	[tilespmem:v20+s3+$0x0] =	vst.idx.msk $0xffff, v19;
	v20 =	vand.u32 $0x7, v24  }
0x343: {  	v32 =	vand.u32 $0xFFFFFFF8, v10;
	[tilespmem:v22+s3+$0x0] =	vst.idx.msk $0xffff, v0;
	v0 =	vor.u32 v20, v14;
	v14 =	vmov s24  }
0x344: {  	v19 =	vadd.s32 v26, v6;
	v20 =	vor.u32 $0x186, v14;
	v22 =	vadd.f32 v23, v36;
	v23 =	vld.idx.msk [tilespmem:v25+s17+$0x0], $0xffff  }
0x345: {  	v10 =	vand.u32 $0x7, v10;
	v33 =	vadd.s32 v44, v15;
	v24 =	vand.u32 $0xFFFFFFF8, v3  }
0x346: {  	s28 =	sadd.s32 $0x7, s8;
	v3 =	vand.u32 $0x7, v3;
	v26 =	vshll.u32 v21, $0x7;
	v9 =	vadd.s32 v9, v24  }
0x347: {  	v13 =	vld.idx.msk [tilespmem:v13+s26+$0x0], $0xffff;
	v24 =	vmov s28;
	v9 =	vor.u32 v3, v9;
	v3 =	vadd.s32 v12, v32  }
0x348: {  	v32 =	vand.u32 $0xFFFFFFF8, v33;
	v12 =	vand.u32 $0x7, v33;
	v25 =	vor.u32 $0x187, v24  }
0x349: {  	[tilespmem:v19+s3+$0x0] =	vst.idx.msk $0xffff, v22;
	v19 =	vld.idx.msk [tilespmem:v20+s17+$0x0], $0xffff;
	v20 =	vadd.s32 v27, v1;
	v33 =	vadd.s32 v34, v23  }
0x34a: {  	v10 =	vor.u32 v10, v3;
	v3 =	vadd.s32 v18, v32;
	v22 =	vand.u32 $0xFFFFFFF8, v33  }
0x34b: {  	v3 =	vor.u32 v12, v3;
	v12 =	vand.u32 $0x7, v33;
	v22 =	vadd.s32 v26, v22  }
0x34c: {  	v13 =	vadd.f32 v13, v37;
	v12 =	vor.u32 v12, v22  }
0x34d: {  	v17 =	vadd.s32 s8, v49;
	v25 =	vld.idx.msk [tilespmem:v25+s17+$0x0], $0xffff  }
0x34e: {  	[tilespmem:v20+s3+$0x0] =	vst.idx.msk $0xffff, v13;
	v13 =	vld [tilespmem:$0x1FEC0]  }
0x34f: {  	v16 =	vadd.s32 v57, v40;
	v28 =	vadd.s32 v34, v19  }
0x350: {  	v4 =	vld.idx.msk [tilespmem:v4+s26+$0x0], $0xffff;
	v15 =	vadd.s32 v46, v15;
	v31 =	vshll.u32 v14, $0x7;
	v30 =	vand.u32 $0xFFFFFFF8, v28  }
0x351: {  	v27 =	vand.u32 $0xFFFFFFF8, v15;
	v28 =	vand.u32 $0x7, v28;
	v30 =	vadd.s32 v31, v30;
	v12 =	vld.idx.msk [tilespmem:v12+s26+$0x0], $0xffff  }
0x352: {  	[tilespmem:v17+s3+$0x0] =	vst.idx.msk $0xffff, v2;
	v17 =	vand.u32 $0x78, v21;
	v18 =	vadd.s32 v18, v27;
	v28 =	vor.u32 v28, v30  }
0x353: {  	v27 =	vadd.s32 v44, v8;
	v32 =	vadd.s32 v34, v25;
	v13 =	vadd.s32 v13, v17  }
0x354: {  	v29 =	vand.u32 $0xFFFFFFF8, v27;
	v33 =	vshll.u32 v24, $0x7;
	v30 =	vand.u32 $0xFFFFFFF8, v32  }
0x355: {  	v27 =	vand.u32 $0x7, v27;
	v32 =	vand.u32 $0x7, v32;
	v30 =	vadd.s32 v33, v30  }
0x356: {  	v0 =	vld.idx.msk [tilespmem:v0+s26+$0x0], $0xffff;
	v29 =	vadd.s32 v7, v29;
	v30 =	vor.u32 v32, v30;
	v12 =	vadd.f32 v12, v36  }
0x357: {  	v4 =	vadd.f32 v4, v38;
	v2 =	vor.u32 v27, v29;
	v27 =	vld.idx.msk [tilespmem:v28+s26+$0x0], $0xffff  }
0x358: {  	v32 =	vadd.s32 v42, v23;
	[tilespmem:v13+s3+$0x0] =	vst.idx.msk $0xffff, v12;
	v12 =	vld [tilespmem:$0x1FF40]  }
0x359: {  	[tilespmem:v16+s3+$0x0] =	vst.idx.msk $0xffff, v4;
	v14 =	vand.u32 $0x78, v14;
	v16 =	vand.u32 $0x78, v24;
	v21 =	vand.u32 $0xFFFFFFF8, v32;
	v28 =	vld [tilespmem:$0x1FF00]  }
0x35a: {  	v22 =	vadd.s32 v62, v6;
	v20 =	vand.u32 $0x7, v32;
	v21 =	vadd.s32 v26, v21  }
0x35b: {  	v15 =	vand.u32 $0x7, v15;
	v20 =	vor.u32 v20, v21;
	v21 =	vadd.s32 v42, v19;
	v30 =	vld.idx.msk [tilespmem:v30+s26+$0x0], $0xffff  }
0x35c: {  	v11 =	vld.idx.msk [tilespmem:v11+s26+$0x0], $0xffff;
	v0 =	vadd.f32 v0, v37;
	v32 =	vadd.s32 v42, v25;
	v29 =	vand.u32 $0xFFFFFFF8, v21  }
0x35d: {  	v3 =	vld.idx.msk [tilespmem:v3+s26+$0x0], $0xffff;
	v21 =	vand.u32 $0x7, v21;
	v29 =	vadd.s32 v31, v29;
	v12 =	vadd.s32 v12, v16  }
0x35e: {  	v4 =	vor.u32 v21, v29;
	v21 =	vand.u32 $0xFFFFFFF8, v32;
	v28 =	vadd.s32 v28, v14  }
0x35f: {  	[tilespmem:v22+s3+$0x0] =	vst.idx.msk $0xffff, v0;
	v0 =	vadd.s32 v43, v1;
	v29 =	vld [tilespmem:$0x1FED0];
	v32 =	vand.u32 $0x7, v32;
	v21 =	vadd.s32 v33, v21  }
0x360: {  	v15 =	vor.u32 v15, v18;
	v13 =	vor.u32 v32, v21;
	v20 =	vld.idx.msk [tilespmem:v20+s26+$0x0], $0xffff;
	v24 =	vadd.f32 v30, v36  }
0x361: {  	v18 =	vadd.s32 v44, v23;
	v21 =	vadd.s32 v45, v41;
	v22 =	vadd.f32 v27, v36;
	v32 =	vld [tilespmem:$0x1FF10]  }
0x362: {  	v11 =	vadd.f32 v11, v38;
	v3 =	vadd.f32 v3, v38;
	v27 =	vand.u32 $0xFFFFFFF8, v18;
	[tilespmem:v12+s3+$0x0] =	vst.idx.msk $0xffff, v24;
	v24 =	vld [tilespmem:$0x1FF50]  }
0x363: {  	v8 =	vadd.s32 v46, v8;
	v18 =	vand.u32 $0x7, v18;
	v27 =	vadd.s32 v26, v27;
	[tilespmem:v28+s3+$0x0] =	vst.idx.msk $0xffff, v22  }
0x364: {  	[tilespmem:v0+s3+$0x0] =	vst.idx.msk $0xffff, v3;
	v0 =	vand.u32 $0xFFFFFFF8, v8;
	v18 =	vor.u32 v18, v27;
	v4 =	vld.idx.msk [tilespmem:v4+s26+$0x0], $0xffff  }
0x365: {  	v22 =	vadd.s32 v29, v17;
	v12 =	vadd.f32 v20, v37;
	v20 =	vadd.s32 v44, v19;
	v13 =	vld.idx.msk [tilespmem:v13+s26+$0x0], $0xffff  }
0x366: {  	v27 =	vadd.s32 v44, v25;
	[tilespmem:v21+s3+$0x0] =	vst.idx.msk $0xffff, v11;
	v11 =	vadd.s32 v32, v14;
	v21 =	vand.u32 $0xFFFFFFF8, v20  }
0x367: {  	v2 =	vld.idx.msk [tilespmem:v2+s26+$0x0], $0xffff;
	v20 =	vand.u32 $0x7, v20;
	v21 =	vadd.s32 v31, v21;
	v24 =	vadd.s32 v24, v16  }
0x368: {  	v0 =	vadd.s32 v7, v0;
	v3 =	vor.u32 v20, v21;
	v20 =	vand.u32 $0xFFFFFFF8, v27  }
0x369: {  	v32 =	vand.u32 $0x7, v27;
	v4 =	vadd.f32 v4, v37;
	v20 =	vadd.s32 v33, v20  }
0x36a: {  	v5 =	vld.idx.msk [tilespmem:v5+s26+$0x0], $0xffff;
	[tilespmem:v22+s3+$0x0] =	vst.idx.msk $0xffff, v12;
	v7 =	vor.u32 v32, v20;
	v32 =	vadd.f32 v13, v37  }
0x36b: {  	v30 =	vld [tilespmem:$0x1FEE0];
	[tilespmem:v11+s3+$0x0] =	vst.idx.msk $0xffff, v4;
	v13 =	vand.u32 $0x7, v8;
	v8 =	vadd.s32 v46, v23  }
0x36c: {  	v9 =	vld.idx.msk [tilespmem:v9+s26+$0x0], $0xffff;
	v2 =	vadd.f32 v2, v38;
	[tilespmem:v24+s3+$0x0] =	vst.idx.msk $0xffff, v32;
	v32 =	vand.u32 $0xFFFFFFF8, v8  }
0x36d: {  	v12 =	vld.idx.msk [tilespmem:v18+s26+$0x0], $0xffff;
	v11 =	vadd.s32 v58, v6;
	v4 =	vadd.s32 v26, v32;
	v32 =	vadd.s32 v46, v19  }
0x36e: {  	v20 =	vld [tilespmem:$0x1FF20];
	v0 =	vor.u32 v13, v0;
	v8 =	vand.u32 $0x7, v8;
	v19 =	vand.u32 $0xFFFFFFF8, v32  }
0x36f: {  	v21 =	vld [tilespmem:$0x1FF60];
	v4 =	vor.u32 v8, v4;
	v8 =	vadd.s32 v31, v19;
	v19 =	vadd.s32 v46, v25  }
0x370: {  	v10 =	vld.idx.msk [tilespmem:v10+s26+$0x0], $0xffff;
	v18 =	vadd.s32 v30, v17;
	v13 =	vand.u32 $0x7, v32;
	v32 =	vand.u32 $0xFFFFFFF8, v19  }
0x371: {  	v3 =	vld.idx.msk [tilespmem:v3+s26+$0x0], $0xffff;
	v8 =	vor.u32 v13, v8;
	v19 =	vand.u32 $0x7, v19;
	v13 =	vadd.s32 v33, v32  }
0x372: {  	v7 =	vld.idx.msk [tilespmem:v7+s26+$0x0], $0xffff;
	v13 =	vor.u32 v19, v13;
	v19 =	vadd.s32 s8, v53  }
0x373: {  	v12 =	vadd.f32 v12, v38;
	v20 =	vadd.s32 v20, v14;
	[tilespmem:v11+s3+$0x0] =	vst.idx.msk $0xffff, v2;
	v11 =	vld.idx.msk [tilespmem:v15+s26+$0x0], $0xffff  }
0x374: {  	v21 =	vadd.s32 v21, v16;
	v0 =	vld.idx.msk [tilespmem:v0+s26+$0x0], $0xffff  }
0x375: {  	[tilespmem:v18+s3+$0x0] =	vst.idx.msk $0xffff, v12;
	v18 =	vadd.f32 v5, v39;
	v31 =	vld [tilespmem:$0x1FEF0]  }
0x376: {  	v12 =	vadd.s32 v59, v41;
	v3 =	vadd.f32 v3, v38;
	v33 =	vld [tilespmem:$0x1FF30]  }
0x377: {  	v2 =	vadd.s32 v56, v40;
	v7 =	vadd.f32 v7, v38;
	[tilespmem:v19+s3+$0x0] =	vst.idx.msk $0xffff, v18;
	v19 =	vld [tilespmem:$0x1FE90]  }
0x378: {  	v6 =	vadd.s32 v51, v6;
	[tilespmem:v20+s3+$0x0] =	vst.idx.msk $0xffff, v3;
	v4 =	vld.idx.msk [tilespmem:v4+s26+$0x0], $0xffff  }
0x379: {  	v1 =	vadd.s32 v47, v1;
	v40 =	vadd.f32 v10, v39;
	[tilespmem:v21+s3+$0x0] =	vst.idx.msk $0xffff, v7;
	v7 =	vld.idx.msk [tilespmem:v8+s26+$0x0], $0xffff  }
0x37a: {  	v32 =	vadd.f32 v9, v39;
	v41 =	vadd.s32 v31, v17;
	v15 =	vld.idx.msk [tilespmem:v13+s26+$0x0], $0xffff  }
0x37b: {  	[tilespmem:v12+s3+$0x0] =	vst.idx.msk $0xffff, v40;
	v0 =	vadd.f32 v0, v39;
	v18 =	vadd.s32 v33, v14  }
0x37c: {  	p0 =	slt.u32 s8, $0x78;
	[tilespmem:v2+s3+$0x0] =	vst.idx.msk $0xffff, v32;
	v17 =	vadd.f32 v11, v39;
	v3 =	vadd.s32 v19, v16  }
.Ltmp6:
0x37d: {  	[tilespmem:v6+s3+$0x0] =	vst.idx.msk $0xffff, v0;
	v32 =	vadd.f32 v4, v39;
	(pc) =	sbr.rel @p0 .LBB2_15-.Ltmp6, $4  }
0x37e: {  	[tilespmem:v1+s3+$0x0] =	vst.idx.msk $0xffff, v17;
	v40 =	vadd.f32 v7, v39  }
0x37f: {  	[tilespmem:v41+s3+$0x0] =	vst.idx.msk $0xffff, v32;
	v41 =	vadd.f32 v15, v39  }
0x380: {  	[tilespmem:v18+s3+$0x0] =	vst.idx.msk $0xffff, v40  }
0x381: {  	v27 =	vmovc v54;
	v26 =	vmov v52;
	v25 =	vmov v61;
	s8 =	sadd.s32 $0x8, s8;
	v21 =	vmov v50;
	[tilespmem:v3+s3+$0x0] =	vst.idx.msk $0xffff, v41  }
0x382: {  	s8 =	sshll.u32 s10, $0x7  }
0x383: {  	s8 =	sand.u32 $0xF80, s8  }
0x384: {  	s6 =	sshll.u32 s6, $0xF;
	s8 =	sadd.s32 s4, s8  }
0x385: {  	s10 =	simm.s32 $0x1BA00;
	s8 =	sadd.s32 s6, s8  }
0x386: {  	[hbm4b:s8+s5] =	stream.linear.scatter [tilespmem:s10], [sflag:$0x6], $0x80, $0x38;
	[tilespmem:$0x1DC00] =	vst v63  }
0x387: {  	s11 =	simm.s32 $0x1BA88;
	s12 =	sadd.s32 $0x10, s8  }
0x388: {  	[hbm4b:s12+s5] =	stream.linear.scatter [tilespmem:s11], [sflag:$0x6], $0x80, $0x38;
	[tilespmem:$0x1DC00] =	vst v63  }
0x389: {  	s13 =	simm.s32 $0x1BB10;
	s24 =	simm.s32 $0x1BB98;
	s15 =	sadd.s32 $0x20, s8  }
0x38a: {  	[hbm4b:s15+s5] =	stream.linear.scatter [tilespmem:s13], [sflag:$0x6], $0x80, $0x38;
	[tilespmem:$0x1DC00] =	vst v63  }
0x38b: {  	s6 =	simm.s32 $0x440;
	s28 =	sadd.s32 $0x30, s8;
	s10 =	simm.s32 $0x2200  }
0x38c: {  	[hbm4b:s28+s5] =	stream.linear.scatter [tilespmem:s24], [sflag:$0x6], $0x80, $0x38;
	[tilespmem:$0x1DC00] =	vst v63  }
0x38d: {  	s11 =	simm.s32 $0x1BC20;
	s12 =	sadd.s32 $0x40, s8;
	s13 =	simm.s32 $0x1BCA8  }
0x38e: {  	[hbm4b:s12+s5] =	stream.linear.scatter [tilespmem:s11], [sflag:$0x6], $0x80, $0x38;
	[tilespmem:$0x1DC00] =	vst v63  }
0x38f: {  	s15 =	sadd.s32 $0x50, s8;
	s24 =	simm.s32 $0x1BD30;
	s28 =	sadd.s32 $0x60, s8  }
0x390: {  	[hbm4b:s15+s5] =	stream.linear.scatter [tilespmem:s13], [sflag:$0x6], $0x80, $0x38;
	[tilespmem:$0x1DC00] =	vst v63  }
0x391: {  	s11 =	simm.s32 $0x1BDB8;
	s12 =	sadd.s32 $0x70, s8;
	s8 =	sadd.s32 $0x1000, s8  }
0x392: {  	v23 =	vmov v58;
	[hbm4b:s28+s5] =	stream.linear.scatter [tilespmem:s24], [sflag:$0x6], $0x80, $0x38;
	[tilespmem:$0x1DC00] =	vst v63  }
.LBB2_17:
0x393: {  	[hbm4b:s12+s5] =	stream.linear.scatter [tilespmem:s11], [sflag:$0x6], $0x80, $0x38;
	[tilespmem:$0x1DC00] =	vst v63  }
0x394: {  	s11 =	smov.u32 s6;
	s6 =	smov.u32 s10  }
0x395: {  	s13 =	sadd.s32 $0x1100, s10;
	s6 =	sshra.s32 s6, $0x2;
	s12 =	sadd.s32 $0x1BA00, s11  }
0x396: {  	[hbm4b:s8+s5] =	stream.linear.scatter [tilespmem:s12], [sflag:$0x6], $0x80, $0x38;
	[tilespmem:$0x1DC00] =	vst v63  }
0x397: {  	p0 =	sne.s32 s10, $0x7700;
	s10 =	sadd.s32 $0x1BA88, s11;
	s12 =	sadd.s32 $0x10, s8  }
0x398: {  	[hbm4b:s12+s5] =	stream.linear.scatter [tilespmem:s10], [sflag:$0x6], $0x80, $0x38;
	[tilespmem:$0x1DC00] =	vst v63  }
0x399: {  	s10 =	sadd.s32 $0x1BB10, s11;
	s12 =	sadd.s32 $0x20, s8  }
0x39a: {  	[hbm4b:s12+s5] =	stream.linear.scatter [tilespmem:s10], [sflag:$0x6], $0x80, $0x38;
	[tilespmem:$0x1DC00] =	vst v63  }
0x39b: {  	s10 =	sadd.s32 $0x1BB98, s11;
	s12 =	sadd.s32 $0x30, s8  }
0x39c: {  	[hbm4b:s12+s5] =	stream.linear.scatter [tilespmem:s10], [sflag:$0x6], $0x80, $0x38;
	[tilespmem:$0x1DC00] =	vst v63  }
0x39d: {  	s10 =	sadd.s32 $0x1BC20, s11;
	s12 =	sadd.s32 $0x40, s8  }
0x39e: {  	[hbm4b:s12+s5] =	stream.linear.scatter [tilespmem:s10], [sflag:$0x6], $0x80, $0x38;
	[tilespmem:$0x1DC00] =	vst v63  }
.Ltmp7:
0x39f: {  	s10 =	sadd.s32 $0x1BCA8, s11;
	s12 =	sadd.s32 $0x50, s8;
	(pc) =	sbr.rel @p0 .LBB2_17-.Ltmp7, $4  }
0x3a0: {  	[hbm4b:s12+s5] =	stream.linear.scatter [tilespmem:s10], [sflag:$0x6], $0x80, $0x38;
	[tilespmem:$0x1DC00] =	vst v63  }
0x3a1: {  	s10 =	sadd.s32 $0x1BD30, s11;
	s12 =	sadd.s32 $0x60, s8;
	s11 =	sadd.s32 $0x1BDB8, s11  }
0x3a2: {  	[hbm4b:s12+s5] =	stream.linear.scatter [tilespmem:s10], [sflag:$0x6], $0x80, $0x38;
	[tilespmem:$0x1DC00] =	vst v63  }
0x3a3: {  	s12 =	sadd.s32 $0x70, s8;
	s8 =	sadd.s32 $0x1000, s8;
	s10 =	smov.u32 s13  }
0x3a4: {  	[hbm4b:s12+s5] =	stream.linear.scatter [tilespmem:s11], [sflag:$0x6], $0x80, $0x38;
	[tilespmem:$0x1DC00] =	vst v63  }
0x3a5: {  	s10 =	sadd.s32 $0x1BA00, s6  }
0x3a6: {  	[hbm4b:s8+s5] =	stream.linear.scatter [tilespmem:s10], [sflag:$0x6], $0x80, $0x38;
	[tilespmem:$0x1DC00] =	vst v63  }
0x3a7: {  	s24 =	sadd.s32 $0x1BA88, s6;
	s28 =	sadd.s32 $0x10, s8  }
0x3a8: {  	[hbm4b:s28+s5] =	stream.linear.scatter [tilespmem:s24], [sflag:$0x6], $0x80, $0x38;
	[tilespmem:$0x1DC00] =	vst v63  }
0x3a9: {  	s11 =	sadd.s32 $0x1BB10, s6;
	s12 =	sadd.s32 $0x20, s8  }
0x3aa: {  	[hbm4b:s12+s5] =	stream.linear.scatter [tilespmem:s11], [sflag:$0x6], $0x80, $0x38;
	[tilespmem:$0x1DC00] =	vst v63  }
0x3ab: {  	s13 =	sadd.s32 $0x1BB98, s6;
	s15 =	sadd.s32 $0x30, s8  }
0x3ac: {  	[hbm4b:s15+s5] =	stream.linear.scatter [tilespmem:s13], [sflag:$0x6], $0x80, $0x38;
	[tilespmem:$0x1DC00] =	vst v63  }
0x3ad: {  	s9 =	sadd.s32 $0x1, s9;
	v0 =	vld [tilespmem:$0x1FEC0];
	s24 =	sadd.s32 $0x1BC20, s6;
	s28 =	sadd.s32 $0x40, s8  }
0x3ae: {  	v32 =	vld [tilespmem:$0x1FF00];
	[hbm4b:s28+s5] =	stream.linear.scatter [tilespmem:s24], [sflag:$0x6], $0x80, $0x38  }
0x3af: {  	v3 =	vld [tilespmem:$0x1FF10];
	p0 =	sne.s32 s9, $0x32;
	s11 =	sadd.s32 $0x1BCA8, s6;
	s12 =	sadd.s32 $0x50, s8  }
0x3b0: {  	v4 =	vld [tilespmem:$0x1FF20];
	[hbm4b:s12+s5] =	stream.linear.scatter [tilespmem:s11], [sflag:$0x6], $0x80, $0x38  }
.Ltmp8:
0x3b1: {  	v2 =	vld [tilespmem:$0x1FF40];
	(pc) =	sbr.rel @p0 .LBB2_2-.Ltmp8, $4  }
0x3b2: {  	v36 =	vld [tilespmem:$0x1FF50];
	s13 =	sadd.s32 $0x1BD30, s6;
	s15 =	sadd.s32 $0x60, s8  }
0x3b3: {  	v37 =	vld [tilespmem:$0x1FF60];
	[hbm4b:s15+s5] =	stream.linear.scatter [tilespmem:s13], [sflag:$0x6], $0x80, $0x38  }
0x3b4: {  	v5 =	vld [tilespmem:$0x1FF70];
	s24 =	sadd.s32 $0x1BDB8, s6;
	s28 =	sadd.s32 $0x70, s8  }
0x3b5: {  	v8 =	vld [tilespmem:$0x1FF80];
	[hbm4b:s28+s5] =	stream.linear.scatter [tilespmem:s24], [sflag:$0x6], $0x80, $0x38  }
0x3b6: {  	_ =	swait.ge [sflag:s20], $0x2000  }
0x3b7: {  	[sflag:s20] =	ssyncset.done $0x0  }
0x3b8: {  	[sflag:s20] =	ssyncadd.s32 $0xFFFFE000  }
0x3b9: {  	_ =	swait.ge [sflag:s14], $0x2000  }
0x3ba: {  	s8 =	rddreg [dreg:$0xc]  }
0x3bb: {  	s6 =	rddreg [dreg:$0xb];
	s8 =	sadd.s32 $0x1, s8  }
0x3bc: {  	p0 =	sne.s32 s8, s6  }
.Ltmp9:
0x3bd: {  	_ = 	snop;
	(pc) =	sbr.rel @p0 .LBB2_1-.Ltmp9, $3  }
0x3be: {  	_ =	sdelay $0x1  }
0x3bf: {  	[sflag:s14] =	ssyncset.done $0x0  }
0x3c0: {  	[sflag:s14] =	ssyncadd.s32 $0xFFFFE000  }
0x3c1: {  	_ =	sfence.sel $0x180000  }
0x3c2: {  	[bflag:$0x0] =	sbarrier.arrive $0xFFFF  }
0x3c3: {  	_ =	strace $0x90000047  }
0x3c4: {  	s0 =	stileid.u32;
	[bflag:$0x2] =	sbarrier.arrive $0xFFFF  }
0x3c5: {  	p0 =	sne.s32 s0, $0x0;
	s0 =	rddreg [dreg:$0x5]  }
0x3c6: {  	s0 =	sadd.s32 @!p0 $0x100000, s0  }
0x3c7: {  	[sflag:s0] =	ssyncadd.tile.s32 @!p0 $0x1;
	_ =	shalt  }
.Lfunc_end2:
_tile_overlayer_lowered:
.L_overlay_start_2:
0x3c8: {  	(tag) =	ssettag $0x2  }
0x3c9: {  	s0 =	rddreg [dreg:$0x0];
	s2 =	stileid.u32  }
0x3ca: {  	s1 =	rddreg [dreg:$0x1];
	p0 =	sne.s32 s2, $0x0  }
0x3cb: {  	s3 =	rddreg [dreg:$0x2];
	[bflag:$0x3] =	sbarrier.arrive $0xFFFF;
	s2 =	simm.s32 @!p0 $0x1C0B  }
0x3cc: {  	[timem:s3], [sflag:s2] =	dma.local @!p0 [hbm:s0], s1  }
0x3cd: {  	s0 =	simm.s32 @!p0 $0xB  }
0x3ce: {  	_ =	swait.ge @!p0 [sflag:s0], s1  }
0x3cf: {  	s1 =	ssub.s32 @!p0 $0x0, s1;
	[sflag:s0] =	ssyncset.done @!p0 $0x0  }
0x3d0: {  	[sflag:s0] =	ssyncadd.s32 @!p0 s1  }
0x3d1: {  	[bflag:$0x3] =	sbarrier.arrive $0xFFFF  }
0x3d2: {  	_ =	shalt  }

</sc_bundles>
